<compile_context>
chip_gen: v7x
topology: tpu7x:2x2x1
jax: 0.10.2.dev20260603
libtpu: 0.0.44.dev20260713+nightly
codegen_flags: <defaults>
</compile_context>

<pallas_src>
import functools
import jax
import jax.numpy as jnp
from jax import lax
from jax.experimental import pallas as pl
from jax.experimental.pallas import tpu as pltpu
from jax.experimental.pallas import tpu_sc as plsc

L = 16
IT = 16
JV = 4
JT = JV * L
_INF = float("inf")


def _make_sc_kernel(B, N, M, NQ):
    NS = 8 * NQ
    NIT = NQ // IT
    NJT = M // JT
    mesh = plsc.VectorSubcoreMesh(core_axis_name="c", subcore_axis_name="s")

    @functools.partial(
        pl.kernel,
        mesh=mesh,
        out_type=[
            jax.ShapeDtypeStruct((B * NS,), jnp.float32),
            jax.ShapeDtypeStruct((B * M,), jnp.float32),
        ],
        scratch_types=[
            pltpu.VMEM((M,), jnp.float32),
            pltpu.VMEM((M,), jnp.float32),
            pltpu.VMEM((M,), jnp.float32),
            pltpu.VMEM((M,), jnp.float32),
            pltpu.VMEM((NQ,), jnp.float32),
            pltpu.VMEM((NQ,), jnp.float32),
            pltpu.VMEM((NQ,), jnp.float32),
            pltpu.VMEM((NQ,), jnp.float32),
            pltpu.VMEM((512,), jnp.float32),
            pltpu.VMEM((M,), jnp.float32),
            pltpu.VMEM((8 * 512,), jnp.float32),
            pltpu.VMEM((NQ * 16,), jnp.float32),
            pltpu.VMEM((NQ * 16,), jnp.float32),
            pltpu.VMEM((NQ * 16,), jnp.float32),
            pltpu.VMEM((NQ * 16,), jnp.float32),
            pltpu.VMEM_SHARED((16 * M,), jnp.float32),
        ],
    )
    def sc_kernel(x1t, x2t, out1, out2,
                  rx_ref, ry_ref, rz_ref, rn_ref,
                  qsx_ref, qsy_ref, qsz_ref, qn_ref, d1_ref, d2_ref,
                  mrg_ref, px_ref, py_ref, pz_ref, pn_ref, shared):
        c = lax.axis_index("c")
        s = lax.axis_index("s")
        b = c * 2 + (s >> 3)
        q0 = (s & 7) * NQ

        r_refs = (rx_ref, ry_ref, rz_ref)
        q_refs = (qsx_ref, qsy_ref, qsz_ref)
        for row in range(3):
            pltpu.sync_copy(x2t.at[pl.ds((b * 3 + row) * M, M)], r_refs[row])
            pltpu.sync_copy(x1t.at[pl.ds((b * 3 + row) * N + q0, NQ)],
                            q_refs[row])

        def rn_body(v, carry):
            sl = pl.ds(v * L, L)
            x = rx_ref[sl]
            y = ry_ref[sl]
            z = rz_ref[sl]
            rn_ref[sl] = x * x + y * y + z * z
            return carry

        lax.fori_loop(0, M // L, rn_body, 0)

        inf_vec = jnp.full((L,), _INF, jnp.float32)

        def qn_body(v, carry):
            sl = pl.ds(v * L, L)
            x = qsx_ref[sl]
            y = qsy_ref[sl]
            z = qsz_ref[sl]
            qn_ref[sl] = x * x + y * y + z * z
            qsx_ref[sl] = x * -2.0
            qsy_ref[sl] = y * -2.0
            qsz_ref[sl] = z * -2.0
            return carry

        lax.fori_loop(0, NQ // L, qn_body, 0)

        def d2init_body(v, carry):
            d2_ref[pl.ds(v * L, L)] = inf_vec
            return carry

        lax.fori_loop(0, M // L, d2init_body, 0)

        lane = lax.iota(jnp.int32, L)
        _dn = lax.GatherDimensionNumbers(offset_dims=(),
                                         collapsed_slice_dims=(0,),
                                         start_index_map=(0,))

        def _shuf(v, idx):
            return lax.gather(v, idx[:, None], _dn, (1,),
                              mode=lax.GatherScatterMode.PROMISE_IN_BOUNDS)

        idxs = {k: lane ^ k for k in (8, 4, 2, 1)}
        sels = {k: (lane & k) == 0 for k in (8, 4, 2, 1)}
        bitrev = (((lane & 1) << 3) | ((lane & 2) << 1)
                  | ((lane & 4) >> 1) | ((lane & 8) >> 3))

        def _hmin16(vecs):
            for k in (8, 4, 2, 1):
                vecs = [jnp.minimum(v, _shuf(v, idxs[k])) for v in vecs]
                vecs = [jnp.where(sels[k], vecs[2 * i], vecs[2 * i + 1])
                        for i in range(len(vecs) // 2)]
            return _shuf(vecs[0], bitrev)

        lane_consts = [lane * 0 + ii for ii in range(L)]

        def splat_body(iv, carry):
            base = iv * L
            xs = qsx_ref[pl.ds(base, L)]
            ys = qsy_ref[pl.ds(base, L)]
            zs = qsz_ref[pl.ds(base, L)]
            ns = qn_ref[pl.ds(base, L)]
            for ii in range(L):
                o = pl.ds((base + ii) * L, L)
                px_ref[o] = _shuf(xs, lane_consts[ii])
                py_ref[o] = _shuf(ys, lane_consts[ii])
                pz_ref[o] = _shuf(zs, lane_consts[ii])
                pn_ref[o] = _shuf(ns, lane_consts[ii])
            return carry

        lax.fori_loop(0, NQ // L, splat_body, 0)

        def it_body(it, carry):
            i0 = it * IT
            qnv = qn_ref[pl.ds(i0, IT)]

            def jt_body(jt, smin):
                j0 = jt * JT
                rx = [rx_ref[pl.ds(j0 + v * L, L)] for v in range(JV)]
                ry = [ry_ref[pl.ds(j0 + v * L, L)] for v in range(JV)]
                rz = [rz_ref[pl.ds(j0 + v * L, L)] for v in range(JV)]
                rn = [rn_ref[pl.ds(j0 + v * L, L)] for v in range(JV)]
                d2a = [d2_ref[pl.ds(j0 + v * L, L)] for v in range(JV)]
                smin = list(smin)
                for ii in range(IT):
                    o = pl.ds((i0 + ii) * L, L)
                    qx = px_ref[o]
                    qy = py_ref[o]
                    qz = pz_ref[o]
                    qn = pn_ref[o]
                    for v in range(JV):
                        t = rx[v] * qx + ry[v] * qy + rz[v] * qz
                        smin[ii] = jnp.minimum(smin[ii], t + rn[v])
                        d2a[v] = jnp.minimum(d2a[v], t + qn)
                for v in range(JV):
                    d2_ref[pl.ds(j0 + v * L, L)] = d2a[v]
                return tuple(smin)

            smin = lax.fori_loop(0, NJT, jt_body, (inf_vec,) * IT)
            d1_ref[pl.ds(i0, IT)] = _hmin16(list(smin)) + qnv
            return carry

        lax.fori_loop(0, NIT, it_body, 0)

        pltpu.sync_copy(d1_ref.at[pl.ds(0, NQ)], out1.at[pl.ds(b * NS + q0, NQ)])
        pltpu.sync_copy(d2_ref, shared.at[pl.ds(s * M, M)])
        plsc.subcore_barrier()

        MW = M // 8
        base_row = (s >> 3) << 3
        jL = (s & 7) * MW
        for r in range(8):
            pltpu.sync_copy(shared.at[pl.ds((base_row + r) * M + jL, MW)],
                            mrg_ref.at[pl.ds(r * MW, MW)])

        def mrg_body(v, carry):
            sl = pl.ds(v * L, L)
            acc = mrg_ref[pl.ds(0 * MW + v * L, L)]
            for r in range(1, 8):
                acc = jnp.minimum(acc, mrg_ref[pl.ds(r * MW + v * L, L)])
            d1_ref[sl] = acc + rn_ref[pl.ds(jL + v * L, L)]
            return carry

        lax.fori_loop(0, MW // L, mrg_body, 0)
        pltpu.sync_copy(d1_ref.at[pl.ds(0, MW)], out2.at[pl.ds(b * M + jL, MW)])

    return sc_kernel


NSC = 1024
BN = 1536


def _tc_body(x_ref, yt_ref, out1_ref, out2_ref):
    ib = pl.program_id(1)
    x = x_ref[0, :, :]
    yt = yt_ref[0, :, :]
    qn = jnp.sum(x * x, axis=1, keepdims=True)
    rn = jnp.sum(yt * yt, axis=0, keepdims=True)
    acc = rn
    for cc in range(3):
        xc = x[:, cc:cc + 1] * -2.0
        acc = acc + xc * yt[cc:cc + 1, :]
    out1_ref[0, 0, pl.ds(ib * BN, BN)] = jnp.min(acc, axis=1) + qn[:, 0]
    part2 = jnp.min(acc + qn, axis=0)

    @pl.when(ib == 0)
    def _():
        out2_ref[0, 0, :] = part2

    @pl.when(ib != 0)
    def _():
        out2_ref[0, 0, :] = jnp.minimum(out2_ref[0, 0, :], part2)


def _merge_body(a_ref, b_ref, o_ref):
    o_ref[...] = jnp.minimum(a_ref[...], b_ref[...])


def kernel(xyz1, xyz2):
    B, N, _ = xyz1.shape
    M = xyz2.shape[1]
    x1t = jnp.transpose(xyz1, (0, 2, 1)).reshape(B * 3 * N)
    x2t = jnp.transpose(xyz2, (0, 2, 1)).reshape(B * 3 * M)
    sc_d1, sc_d2 = _make_sc_kernel(B, N, M, NSC // 8)(x1t, x2t)

    yt = jnp.transpose(xyz2, (0, 2, 1))
    NT = N - NSC
    tc_d1, tc_d2 = pl.pallas_call(
        _tc_body,
        grid=(B, NT // BN),
        in_specs=[
            pl.BlockSpec((1, BN, 3), lambda b, i: (b, i, 0)),
            pl.BlockSpec((1, 3, M), lambda b, i: (b, 0, 0)),
        ],
        out_specs=[
            pl.BlockSpec((1, 1, NT), lambda b, i: (b, 0, 0)),
            pl.BlockSpec((1, 1, M), lambda b, i: (b, 0, 0)),
        ],
        out_shape=[
            jax.ShapeDtypeStruct((B, 1, NT), jnp.float32),
            jax.ShapeDtypeStruct((B, 1, M), jnp.float32),
        ],
        compiler_params=pltpu.CompilerParams(
            dimension_semantics=("parallel", "arbitrary"),
        ),
    )(xyz1[:, NSC:], yt)

    dist2 = pl.pallas_call(
        _merge_body,
        out_shape=jax.ShapeDtypeStruct((B, M), jnp.float32),
    )(tc_d2.reshape(B, M), sc_d2.reshape(B, M))
    dist1 = jnp.concatenate(
        [sc_d1.reshape(B, NSC), tc_d1.reshape(B, NT)], axis=1)
    return (dist1, dist2)

# --- scband reference (transcript-rebuilt; emitter-appended) ---
"""Pipeline reference for scband-chamfer-distance-28621662060807 (READ-ONLY COPY).

The authoritative reference and input builder live on the scoring server;
editing this copy changes nothing except your own understanding.
"""

import jax, jax.numpy as jnp
import numpy as np


def setup_inputs(seed: int = 0) -> dict:
    key = jax.random.key(seed)
    k1, k2 = jax.random.split(key)
    xyz1 = jax.random.normal(k1, (4, 4096, 3), dtype=jnp.float32)
    xyz2 = jax.random.normal(k2, (4, 4096, 3), dtype=jnp.float32)
    return {"xyz1": xyz1, "xyz2": xyz2}


def reference(xyz1, xyz2):
    # Chamfer distance: for each point in xyz1, squared distance to nearest
    # point in xyz2, and vice versa. Faithful to the CUDA kernel which
    # computes squared euclidean distances (no sqrt) and takes the min.
    # d[b, i, j] = || xyz1[b, i] - xyz2[b, j] ||^2
    diff = xyz1[:, :, None, :] - xyz2[:, None, :, :]  # [B, N, M, 3]
    d = jnp.sum(diff * diff, axis=-1)                 # [B, N, M]
    dist1 = jnp.min(d, axis=2)                        # [B, N]
    dist2 = jnp.min(d, axis=1)                        # [B, M]
    return (dist1, dist2)

if __name__ == "__main__":
    import jax
    _d = setup_inputs()
    print(jax.jit(kernel)(*tuple(_d.values())))

</pallas_src>

<mosaic_0001>
#map = affine_map<(d0, d1) -> (0)>
module attributes {stable_mosaic.version = 14 : i64} {
  func.func @sc_kernel(%arg0: i32, %arg1: i32, %arg2: memref<49152xf32, #tpu.memory_space<hbm>>, %arg3: memref<49152xf32, #tpu.memory_space<hbm>>, %arg4: memref<4096xf32, #tpu.memory_space<hbm>>, %arg5: memref<16384xf32, #tpu.memory_space<hbm>>, %arg6: memref<4096xf32, #tpu.memory_space<vmem>>, %arg7: memref<4096xf32, #tpu.memory_space<vmem>>, %arg8: memref<4096xf32, #tpu.memory_space<vmem>>, %arg9: memref<4096xf32, #tpu.memory_space<vmem>>, %arg10: memref<128xf32, #tpu.memory_space<vmem>>, %arg11: memref<128xf32, #tpu.memory_space<vmem>>, %arg12: memref<128xf32, #tpu.memory_space<vmem>>, %arg13: memref<128xf32, #tpu.memory_space<vmem>>, %arg14: memref<512xf32, #tpu.memory_space<vmem>>, %arg15: memref<4096xf32, #tpu.memory_space<vmem>>, %arg16: memref<4096xf32, #tpu.memory_space<vmem>>, %arg17: memref<2048xf32, #tpu.memory_space<vmem>>, %arg18: memref<2048xf32, #tpu.memory_space<vmem>>, %arg19: memref<2048xf32, #tpu.memory_space<vmem>>, %arg20: memref<2048xf32, #tpu.memory_space<vmem>>, %arg21: memref<65536xf32, #tpu.memory_space<vmem_shared>>) attributes {dimension_semantics = [#tpu.dimension_semantics<core_parallel>, #tpu.dimension_semantics<subcore_parallel>], iteration_bounds = array<i64: 2, 16>, scalar_prefetch = 0 : i64, scratch_operands = 16 : i64, tpu.core_type = #tpu.core_type<sc_vector_subcore>, window_params = [{transform_indices = #map}, {transform_indices = #map}, {transform_indices = #map}, {transform_indices = #map}]} {
    %mul3A = arith.constant 2 : i32
    %mul3A_0 = arith.muli %arg0, %mul3A : i32
    %shift_right_arithmetic3A = arith.constant 3 : i32
    %shift_right_arithmetic3A_1 = arith.shrsi %arg1, %shift_right_arithmetic3A : i32
    %add3A = arith.addi %mul3A_0, %shift_right_arithmetic3A_1 : i32
    %and3A = arith.constant 7 : i32
    %and3A_2 = arith.andi %arg1, %and3A : i32
    %mul3A_3 = arith.constant 128 : i32
    %mul3A_4 = arith.muli %and3A_2, %mul3A_3 : i32
    %mul3A_5 = arith.constant 3 : i32
    %mul3A_6 = arith.muli %add3A, %mul3A_5 : i32
    %add3A_7 = arith.constant 0 : i32
    %add3A_8 = arith.addi %mul3A_6, %add3A_7 : i32
    %mul3A_9 = arith.constant 4096 : i32
    %mul3A_10 = arith.muli %add3A_8, %mul3A_9 : i32
    "tpu.region"() ({
      %run_scoped3A = tpu.sem_alloc : memref<!tpu.dma_semaphore, #tpu.memory_space<semaphore_mem>>
      %dma_start3A = tpu.memref_slice %arg3[%mul3A_10] : memref<49152xf32, #tpu.memory_space<hbm>> -> memref<4096xf32, #tpu.memory_space<hbm>>
      %dma_start3A_291 = tpu.memref_slice %arg3[%mul3A_10] : memref<49152xf32, #tpu.memory_space<hbm>> -> memref<4096xf32, #tpu.memory_space<hbm>>
      tpu.enqueue_dma source(%dma_start3A_291 : memref<4096xf32, #tpu.memory_space<hbm>>) target(%arg6 : memref<4096xf32, #tpu.memory_space<vmem>>) target_semaphore(%run_scoped3A : memref<!tpu.dma_semaphore, #tpu.memory_space<semaphore_mem>>)
      %dma_wait3A = tpu.memref_slice %arg3[%mul3A_10] : memref<49152xf32, #tpu.memory_space<hbm>> -> memref<4096xf32, #tpu.memory_space<hbm>>
      %dma_wait3A_292 = tpu.memref_slice %arg3[%mul3A_10] : memref<49152xf32, #tpu.memory_space<hbm>> -> memref<4096xf32, #tpu.memory_space<hbm>>
      tpu.wait_dma2 semaphore(%run_scoped3A : memref<!tpu.dma_semaphore, #tpu.memory_space<semaphore_mem>>) src(%dma_wait3A_292 : memref<4096xf32, #tpu.memory_space<hbm>>) dst(%arg6 : memref<4096xf32, #tpu.memory_space<vmem>>)
      tpu.yield
    }) : () -> ()
    %mul3A_11 = arith.constant 3 : i32
    %mul3A_12 = arith.muli %add3A, %mul3A_11 : i32
    %add3A_13 = arith.constant 0 : i32
    %add3A_14 = arith.addi %mul3A_12, %add3A_13 : i32
    %mul3A_15 = arith.constant 4096 : i32
    %mul3A_16 = arith.muli %add3A_14, %mul3A_15 : i32
    %add3A_17 = arith.addi %mul3A_16, %mul3A_4 : i32
    "tpu.region"() ({
      %run_scoped3A = tpu.sem_alloc : memref<!tpu.dma_semaphore, #tpu.memory_space<semaphore_mem>>
      %dma_start3A = tpu.memref_slice %arg2[%add3A_17] : memref<49152xf32, #tpu.memory_space<hbm>> -> memref<128xf32, #tpu.memory_space<hbm>>
      %dma_start3A_291 = tpu.memref_slice %arg2[%add3A_17] : memref<49152xf32, #tpu.memory_space<hbm>> -> memref<128xf32, #tpu.memory_space<hbm>>
      tpu.enqueue_dma source(%dma_start3A_291 : memref<128xf32, #tpu.memory_space<hbm>>) target(%arg10 : memref<128xf32, #tpu.memory_space<vmem>>) target_semaphore(%run_scoped3A : memref<!tpu.dma_semaphore, #tpu.memory_space<semaphore_mem>>)
      %dma_wait3A = tpu.memref_slice %arg2[%add3A_17] : memref<49152xf32, #tpu.memory_space<hbm>> -> memref<128xf32, #tpu.memory_space<hbm>>
      %dma_wait3A_292 = tpu.memref_slice %arg2[%add3A_17] : memref<49152xf32, #tpu.memory_space<hbm>> -> memref<128xf32, #tpu.memory_space<hbm>>
      tpu.wait_dma2 semaphore(%run_scoped3A : memref<!tpu.dma_semaphore, #tpu.memory_space<semaphore_mem>>) src(%dma_wait3A_292 : memref<128xf32, #tpu.memory_space<hbm>>) dst(%arg10 : memref<128xf32, #tpu.memory_space<vmem>>)
      tpu.yield
    }) : () -> ()
    %mul3A_18 = arith.constant 3 : i32
    %mul3A_19 = arith.muli %add3A, %mul3A_18 : i32
    %add3A_20 = arith.constant 1 : i32
    %add3A_21 = arith.addi %mul3A_19, %add3A_20 : i32
    %mul3A_22 = arith.constant 4096 : i32
    %mul3A_23 = arith.muli %add3A_21, %mul3A_22 : i32
    "tpu.region"() ({
      %run_scoped3A = tpu.sem_alloc : memref<!tpu.dma_semaphore, #tpu.memory_space<semaphore_mem>>
      %dma_start3A = tpu.memref_slice %arg3[%mul3A_23] : memref<49152xf32, #tpu.memory_space<hbm>> -> memref<4096xf32, #tpu.memory_space<hbm>>
      %dma_start3A_291 = tpu.memref_slice %arg3[%mul3A_23] : memref<49152xf32, #tpu.memory_space<hbm>> -> memref<4096xf32, #tpu.memory_space<hbm>>
      tpu.enqueue_dma source(%dma_start3A_291 : memref<4096xf32, #tpu.memory_space<hbm>>) target(%arg7 : memref<4096xf32, #tpu.memory_space<vmem>>) target_semaphore(%run_scoped3A : memref<!tpu.dma_semaphore, #tpu.memory_space<semaphore_mem>>)
      %dma_wait3A = tpu.memref_slice %arg3[%mul3A_23] : memref<49152xf32, #tpu.memory_space<hbm>> -> memref<4096xf32, #tpu.memory_space<hbm>>
      %dma_wait3A_292 = tpu.memref_slice %arg3[%mul3A_23] : memref<49152xf32, #tpu.memory_space<hbm>> -> memref<4096xf32, #tpu.memory_space<hbm>>
      tpu.wait_dma2 semaphore(%run_scoped3A : memref<!tpu.dma_semaphore, #tpu.memory_space<semaphore_mem>>) src(%dma_wait3A_292 : memref<4096xf32, #tpu.memory_space<hbm>>) dst(%arg7 : memref<4096xf32, #tpu.memory_space<vmem>>)
      tpu.yield
    }) : () -> ()
    %mul3A_24 = arith.constant 3 : i32
    %mul3A_25 = arith.muli %add3A, %mul3A_24 : i32
    %add3A_26 = arith.constant 1 : i32
    %add3A_27 = arith.addi %mul3A_25, %add3A_26 : i32
    %mul3A_28 = arith.constant 4096 : i32
    %mul3A_29 = arith.muli %add3A_27, %mul3A_28 : i32
    %add3A_30 = arith.addi %mul3A_29, %mul3A_4 : i32
    "tpu.region"() ({
      %run_scoped3A = tpu.sem_alloc : memref<!tpu.dma_semaphore, #tpu.memory_space<semaphore_mem>>
      %dma_start3A = tpu.memref_slice %arg2[%add3A_30] : memref<49152xf32, #tpu.memory_space<hbm>> -> memref<128xf32, #tpu.memory_space<hbm>>
      %dma_start3A_291 = tpu.memref_slice %arg2[%add3A_30] : memref<49152xf32, #tpu.memory_space<hbm>> -> memref<128xf32, #tpu.memory_space<hbm>>
      tpu.enqueue_dma source(%dma_start3A_291 : memref<128xf32, #tpu.memory_space<hbm>>) target(%arg11 : memref<128xf32, #tpu.memory_space<vmem>>) target_semaphore(%run_scoped3A : memref<!tpu.dma_semaphore, #tpu.memory_space<semaphore_mem>>)
      %dma_wait3A = tpu.memref_slice %arg2[%add3A_30] : memref<49152xf32, #tpu.memory_space<hbm>> -> memref<128xf32, #tpu.memory_space<hbm>>
      %dma_wait3A_292 = tpu.memref_slice %arg2[%add3A_30] : memref<49152xf32, #tpu.memory_space<hbm>> -> memref<128xf32, #tpu.memory_space<hbm>>
      tpu.wait_dma2 semaphore(%run_scoped3A : memref<!tpu.dma_semaphore, #tpu.memory_space<semaphore_mem>>) src(%dma_wait3A_292 : memref<128xf32, #tpu.memory_space<hbm>>) dst(%arg11 : memref<128xf32, #tpu.memory_space<vmem>>)
      tpu.yield
    }) : () -> ()
    %mul3A_31 = arith.constant 3 : i32
    %mul3A_32 = arith.muli %add3A, %mul3A_31 : i32
    %add3A_33 = arith.constant 2 : i32
    %add3A_34 = arith.addi %mul3A_32, %add3A_33 : i32
    %mul3A_35 = arith.constant 4096 : i32
    %mul3A_36 = arith.muli %add3A_34, %mul3A_35 : i32
    "tpu.region"() ({
      %run_scoped3A = tpu.sem_alloc : memref<!tpu.dma_semaphore, #tpu.memory_space<semaphore_mem>>
      %dma_start3A = tpu.memref_slice %arg3[%mul3A_36] : memref<49152xf32, #tpu.memory_space<hbm>> -> memref<4096xf32, #tpu.memory_space<hbm>>
      %dma_start3A_291 = tpu.memref_slice %arg3[%mul3A_36] : memref<49152xf32, #tpu.memory_space<hbm>> -> memref<4096xf32, #tpu.memory_space<hbm>>
      tpu.enqueue_dma source(%dma_start3A_291 : memref<4096xf32, #tpu.memory_space<hbm>>) target(%arg8 : memref<4096xf32, #tpu.memory_space<vmem>>) target_semaphore(%run_scoped3A : memref<!tpu.dma_semaphore, #tpu.memory_space<semaphore_mem>>)
      %dma_wait3A = tpu.memref_slice %arg3[%mul3A_36] : memref<49152xf32, #tpu.memory_space<hbm>> -> memref<4096xf32, #tpu.memory_space<hbm>>
      %dma_wait3A_292 = tpu.memref_slice %arg3[%mul3A_36] : memref<49152xf32, #tpu.memory_space<hbm>> -> memref<4096xf32, #tpu.memory_space<hbm>>
      tpu.wait_dma2 semaphore(%run_scoped3A : memref<!tpu.dma_semaphore, #tpu.memory_space<semaphore_mem>>) src(%dma_wait3A_292 : memref<4096xf32, #tpu.memory_space<hbm>>) dst(%arg8 : memref<4096xf32, #tpu.memory_space<vmem>>)
      tpu.yield
    }) : () -> ()
    %mul3A_37 = arith.constant 3 : i32
    %mul3A_38 = arith.muli %add3A, %mul3A_37 : i32
    %add3A_39 = arith.constant 2 : i32
    %add3A_40 = arith.addi %mul3A_38, %add3A_39 : i32
    %mul3A_41 = arith.constant 4096 : i32
    %mul3A_42 = arith.muli %add3A_40, %mul3A_41 : i32
    %add3A_43 = arith.addi %mul3A_42, %mul3A_4 : i32
    "tpu.region"() ({
      %run_scoped3A = tpu.sem_alloc : memref<!tpu.dma_semaphore, #tpu.memory_space<semaphore_mem>>
      %dma_start3A = tpu.memref_slice %arg2[%add3A_43] : memref<49152xf32, #tpu.memory_space<hbm>> -> memref<128xf32, #tpu.memory_space<hbm>>
      %dma_start3A_291 = tpu.memref_slice %arg2[%add3A_43] : memref<49152xf32, #tpu.memory_space<hbm>> -> memref<128xf32, #tpu.memory_space<hbm>>
      tpu.enqueue_dma source(%dma_start3A_291 : memref<128xf32, #tpu.memory_space<hbm>>) target(%arg12 : memref<128xf32, #tpu.memory_space<vmem>>) target_semaphore(%run_scoped3A : memref<!tpu.dma_semaphore, #tpu.memory_space<semaphore_mem>>)
      %dma_wait3A = tpu.memref_slice %arg2[%add3A_43] : memref<49152xf32, #tpu.memory_space<hbm>> -> memref<128xf32, #tpu.memory_space<hbm>>
      %dma_wait3A_292 = tpu.memref_slice %arg2[%add3A_43] : memref<49152xf32, #tpu.memory_space<hbm>> -> memref<128xf32, #tpu.memory_space<hbm>>
      tpu.wait_dma2 semaphore(%run_scoped3A : memref<!tpu.dma_semaphore, #tpu.memory_space<semaphore_mem>>) src(%dma_wait3A_292 : memref<128xf32, #tpu.memory_space<hbm>>) dst(%arg12 : memref<128xf32, #tpu.memory_space<vmem>>)
      tpu.yield
    }) : () -> ()
    %scan3A = arith.constant 0 : i32
    %scan3A_44 = arith.constant 0 : i32
    %scan3A_45 = arith.constant 256 : i32
    %scan3A_46 = arith.addi %scan3A_44, %scan3A_45 : i32
    %scan3A_47 = arith.constant 1 : i32
    scf.for %scan3A_291 = %scan3A_44 to %scan3A_46 step %scan3A_47  : i32 {
      %mul3A_292 = arith.constant 16 : i32
      %mul3A_293 = arith.muli %scan3A_291, %mul3A_292 : i32
      %get3A = arith.index_cast %mul3A_293 : i32 to index
      %get3A_294 = tpu.vector_load %arg6[%get3A] {strides = array<i32>} : memref<4096xf32, #tpu.memory_space<vmem>>, vector<16xf32>,
      %get3A_295 = vector.shape_cast %get3A_294 : vector<16xf32> to vector<16xf32>
      %get3A_296 = arith.index_cast %mul3A_293 : i32 to index
      %get3A_297 = tpu.vector_load %arg7[%get3A_296] {strides = array<i32>} : memref<4096xf32, #tpu.memory_space<vmem>>, vector<16xf32>,
      %get3A_298 = vector.shape_cast %get3A_297 : vector<16xf32> to vector<16xf32>
      %get3A_299 = arith.index_cast %mul3A_293 : i32 to index
      %get3A_300 = tpu.vector_load %arg8[%get3A_299] {strides = array<i32>} : memref<4096xf32, #tpu.memory_space<vmem>>, vector<16xf32>,
      %get3A_301 = vector.shape_cast %get3A_300 : vector<16xf32> to vector<16xf32>
      %mul3A_302 = arith.mulf %get3A_295, %get3A_295 : vector<16xf32>
      %mul3A_303 = arith.mulf %get3A_298, %get3A_298 : vector<16xf32>
      %add3A_304 = arith.addf %mul3A_302, %mul3A_303 : vector<16xf32>
      %mul3A_305 = arith.mulf %get3A_301, %get3A_301 : vector<16xf32>
      %add3A_306 = arith.addf %add3A_304, %mul3A_305 : vector<16xf32>
      %swap3A = arith.index_cast %mul3A_293 : i32 to index
      %swap3A_307 = tpu.vector_load %arg9[%swap3A] {strides = array<i32>} : memref<4096xf32, #tpu.memory_space<vmem>>, vector<16xf32>,
      %swap3A_308 = vector.shape_cast %swap3A_307 : vector<16xf32> to vector<16xf32>
      %swap3A_309 = vector.shape_cast %add3A_306 : vector<16xf32> to vector<16xf32>
      tpu.vector_store %arg9[%swap3A], %swap3A_309 {strides = array<i32>} : memref<4096xf32, #tpu.memory_space<vmem>>, vector<16xf32>,
    }
    %scan3A_48 = arith.constant 256 : i32
    %broadcast_in_dim3A = arith.constant 0x7F800000 : f32
    %broadcast_in_dim3A_49 = vector.broadcast %broadcast_in_dim3A : f32 to vector<16xf32>
    %scan3A_50 = arith.constant 0 : i32
    %scan3A_51 = arith.constant 0 : i32
    %scan3A_52 = arith.constant 8 : i32
    %scan3A_53 = arith.addi %scan3A_51, %scan3A_52 : i32
    %scan3A_54 = arith.constant 1 : i32
    scf.for %scan3A_291 = %scan3A_51 to %scan3A_53 step %scan3A_54  : i32 {
      %mul3A_292 = arith.constant 16 : i32
      %mul3A_293 = arith.muli %scan3A_291, %mul3A_292 : i32
      %get3A = arith.index_cast %mul3A_293 : i32 to index
      %get3A_294 = tpu.vector_load %arg10[%get3A] {strides = array<i32>} : memref<128xf32, #tpu.memory_space<vmem>>, vector<16xf32>,
      %get3A_295 = vector.shape_cast %get3A_294 : vector<16xf32> to vector<16xf32>
      %get3A_296 = arith.index_cast %mul3A_293 : i32 to index
      %get3A_297 = tpu.vector_load %arg11[%get3A_296] {strides = array<i32>} : memref<128xf32, #tpu.memory_space<vmem>>, vector<16xf32>,
      %get3A_298 = vector.shape_cast %get3A_297 : vector<16xf32> to vector<16xf32>
      %get3A_299 = arith.index_cast %mul3A_293 : i32 to index
      %get3A_300 = tpu.vector_load %arg12[%get3A_299] {strides = array<i32>} : memref<128xf32, #tpu.memory_space<vmem>>, vector<16xf32>,
      %get3A_301 = vector.shape_cast %get3A_300 : vector<16xf32> to vector<16xf32>
      %mul3A_302 = arith.mulf %get3A_295, %get3A_295 : vector<16xf32>
      %mul3A_303 = arith.mulf %get3A_298, %get3A_298 : vector<16xf32>
      %add3A_304 = arith.addf %mul3A_302, %mul3A_303 : vector<16xf32>
      %mul3A_305 = arith.mulf %get3A_301, %get3A_301 : vector<16xf32>
      %add3A_306 = arith.addf %add3A_304, %mul3A_305 : vector<16xf32>
      %swap3A = arith.index_cast %mul3A_293 : i32 to index
      %swap3A_307 = tpu.vector_load %arg13[%swap3A] {strides = array<i32>} : memref<128xf32, #tpu.memory_space<vmem>>, vector<16xf32>,
      %swap3A_308 = vector.shape_cast %swap3A_307 : vector<16xf32> to vector<16xf32>
      %swap3A_309 = vector.shape_cast %add3A_306 : vector<16xf32> to vector<16xf32>
      tpu.vector_store %arg13[%swap3A], %swap3A_309 {strides = array<i32>} : memref<128xf32, #tpu.memory_space<vmem>>, vector<16xf32>,
      %mul3A_310 = arith.constant -2.000000e+00 : f32
      %mul3A_311 = vector.broadcast %mul3A_310 : f32 to vector<16xf32>
      %mul3A_312 = arith.mulf %get3A_295, %mul3A_311 : vector<16xf32>
      %swap3A_313 = arith.index_cast %mul3A_293 : i32 to index
      %swap3A_314 = tpu.vector_load %arg10[%swap3A_313] {strides = array<i32>} : memref<128xf32, #tpu.memory_space<vmem>>, vector<16xf32>,
      %swap3A_315 = vector.shape_cast %swap3A_314 : vector<16xf32> to vector<16xf32>
      %swap3A_316 = vector.shape_cast %mul3A_312 : vector<16xf32> to vector<16xf32>
      tpu.vector_store %arg10[%swap3A_313], %swap3A_316 {strides = array<i32>} : memref<128xf32, #tpu.memory_space<vmem>>, vector<16xf32>,
      %mul3A_317 = arith.constant -2.000000e+00 : f32
      %mul3A_318 = vector.broadcast %mul3A_317 : f32 to vector<16xf32>
      %mul3A_319 = arith.mulf %get3A_298, %mul3A_318 : vector<16xf32>
      %swap3A_320 = arith.index_cast %mul3A_293 : i32 to index
      %swap3A_321 = tpu.vector_load %arg11[%swap3A_320] {strides = array<i32>} : memref<128xf32, #tpu.memory_space<vmem>>, vector<16xf32>,
      %swap3A_322 = vector.shape_cast %swap3A_321 : vector<16xf32> to vector<16xf32>
      %swap3A_323 = vector.shape_cast %mul3A_319 : vector<16xf32> to vector<16xf32>
      tpu.vector_store %arg11[%swap3A_320], %swap3A_323 {strides = array<i32>} : memref<128xf32, #tpu.memory_space<vmem>>, vector<16xf32>,
      %mul3A_324 = arith.constant -2.000000e+00 : f32
      %mul3A_325 = vector.broadcast %mul3A_324 : f32 to vector<16xf32>
      %mul3A_326 = arith.mulf %get3A_301, %mul3A_325 : vector<16xf32>
      %swap3A_327 = arith.index_cast %mul3A_293 : i32 to index
      %swap3A_328 = tpu.vector_load %arg12[%swap3A_327] {strides = array<i32>} : memref<128xf32, #tpu.memory_space<vmem>>, vector<16xf32>,
      %swap3A_329 = vector.shape_cast %swap3A_328 : vector<16xf32> to vector<16xf32>
      %swap3A_330 = vector.shape_cast %mul3A_326 : vector<16xf32> to vector<16xf32>
      tpu.vector_store %arg12[%swap3A_327], %swap3A_330 {strides = array<i32>} : memref<128xf32, #tpu.memory_space<vmem>>, vector<16xf32>,
    }
    %scan3A_55 = arith.constant 8 : i32
    %scan3A_56 = arith.constant 0 : i32
    %scan3A_57 = arith.constant 0 : i32
    %scan3A_58 = arith.constant 256 : i32
    %scan3A_59 = arith.addi %scan3A_57, %scan3A_58 : i32
    %scan3A_60 = arith.constant 1 : i32
    scf.for %scan3A_291 = %scan3A_57 to %scan3A_59 step %scan3A_60  : i32 {
      %mul3A_292 = arith.constant 16 : i32
      %mul3A_293 = arith.muli %scan3A_291, %mul3A_292 : i32
      %swap3A = arith.index_cast %mul3A_293 : i32 to index
      %swap3A_294 = tpu.vector_load %arg15[%swap3A] {strides = array<i32>} : memref<4096xf32, #tpu.memory_space<vmem>>, vector<16xf32>,
      %swap3A_295 = vector.shape_cast %swap3A_294 : vector<16xf32> to vector<16xf32>
      %swap3A_296 = vector.shape_cast %broadcast_in_dim3A_49 : vector<16xf32> to vector<16xf32>
      tpu.vector_store %arg15[%swap3A], %swap3A_296 {strides = array<i32>} : memref<4096xf32, #tpu.memory_space<vmem>>, vector<16xf32>,
    }
    %scan3A_61 = arith.constant 256 : i32
    %iota3A = tpu.iota {dimensions = array<i32: 0>} : vector<16xi32>
    %xor3A = arith.constant 8 : i32
    %xor3A_62 = vector.broadcast %xor3A : i32 to vector<16xi32>
    %xor3A_63 = arith.xori %iota3A, %xor3A_62 : vector<16xi32>
    %xor3A_64 = arith.constant 4 : i32
    %xor3A_65 = vector.broadcast %xor3A_64 : i32 to vector<16xi32>
    %xor3A_66 = arith.xori %iota3A, %xor3A_65 : vector<16xi32>
    %xor3A_67 = arith.constant 2 : i32
    %xor3A_68 = vector.broadcast %xor3A_67 : i32 to vector<16xi32>
    %xor3A_69 = arith.xori %iota3A, %xor3A_68 : vector<16xi32>
    %xor3A_70 = arith.constant 1 : i32
    %xor3A_71 = vector.broadcast %xor3A_70 : i32 to vector<16xi32>
    %xor3A_72 = arith.xori %iota3A, %xor3A_71 : vector<16xi32>
    %and3A_73 = arith.constant 8 : i32
    %and3A_74 = vector.broadcast %and3A_73 : i32 to vector<16xi32>
    %and3A_75 = arith.andi %iota3A, %and3A_74 : vector<16xi32>
    %eq3A = arith.constant 0 : i32
    %eq3A_76 = vector.broadcast %eq3A : i32 to vector<16xi32>
    %eq3A_77 = arith.cmpi eq, %and3A_75, %eq3A_76 : vector<16xi32>
    %and3A_78 = arith.constant 4 : i32
    %and3A_79 = vector.broadcast %and3A_78 : i32 to vector<16xi32>
    %and3A_80 = arith.andi %iota3A, %and3A_79 : vector<16xi32>
    %eq3A_81 = arith.constant 0 : i32
    %eq3A_82 = vector.broadcast %eq3A_81 : i32 to vector<16xi32>
    %eq3A_83 = arith.cmpi eq, %and3A_80, %eq3A_82 : vector<16xi32>
    %and3A_84 = arith.constant 2 : i32
    %and3A_85 = vector.broadcast %and3A_84 : i32 to vector<16xi32>
    %and3A_86 = arith.andi %iota3A, %and3A_85 : vector<16xi32>
    %eq3A_87 = arith.constant 0 : i32
    %eq3A_88 = vector.broadcast %eq3A_87 : i32 to vector<16xi32>
    %eq3A_89 = arith.cmpi eq, %and3A_86, %eq3A_88 : vector<16xi32>
    %and3A_90 = arith.constant 1 : i32
    %and3A_91 = vector.broadcast %and3A_90 : i32 to vector<16xi32>
    %and3A_92 = arith.andi %iota3A, %and3A_91 : vector<16xi32>
    %eq3A_93 = arith.constant 0 : i32
    %eq3A_94 = vector.broadcast %eq3A_93 : i32 to vector<16xi32>
    %eq3A_95 = arith.cmpi eq, %and3A_92, %eq3A_94 : vector<16xi32>
    %and3A_96 = arith.constant 1 : i32
    %and3A_97 = vector.broadcast %and3A_96 : i32 to vector<16xi32>
    %and3A_98 = arith.andi %iota3A, %and3A_97 : vector<16xi32>
    %shift_left3A = arith.constant 3 : i32
    %shift_left3A_99 = vector.broadcast %shift_left3A : i32 to vector<16xi32>
    %shift_left3A_100 = arith.shli %and3A_98, %shift_left3A_99 : vector<16xi32>
    %and3A_101 = arith.constant 2 : i32
    %and3A_102 = vector.broadcast %and3A_101 : i32 to vector<16xi32>
    %and3A_103 = arith.andi %iota3A, %and3A_102 : vector<16xi32>
    %shift_left3A_104 = arith.constant 1 : i32
    %shift_left3A_105 = vector.broadcast %shift_left3A_104 : i32 to vector<16xi32>
    %shift_left3A_106 = arith.shli %and3A_103, %shift_left3A_105 : vector<16xi32>
    %or3A = arith.ori %shift_left3A_100, %shift_left3A_106 : vector<16xi32>
    %and3A_107 = arith.constant 4 : i32
    %and3A_108 = vector.broadcast %and3A_107 : i32 to vector<16xi32>
    %and3A_109 = arith.andi %iota3A, %and3A_108 : vector<16xi32>
    %shift_right_arithmetic3A_110 = arith.constant 1 : i32
    %shift_right_arithmetic3A_111 = vector.broadcast %shift_right_arithmetic3A_110 : i32 to vector<16xi32>
    %shift_right_arithmetic3A_112 = arith.shrsi %and3A_109, %shift_right_arithmetic3A_111 : vector<16xi32>
    %or3A_113 = arith.ori %or3A, %shift_right_arithmetic3A_112 : vector<16xi32>
    %and3A_114 = arith.constant 8 : i32
    %and3A_115 = vector.broadcast %and3A_114 : i32 to vector<16xi32>
    %and3A_116 = arith.andi %iota3A, %and3A_115 : vector<16xi32>
    %shift_right_arithmetic3A_117 = arith.constant 3 : i32
    %shift_right_arithmetic3A_118 = vector.broadcast %shift_right_arithmetic3A_117 : i32 to vector<16xi32>
    %shift_right_arithmetic3A_119 = arith.shrsi %and3A_116, %shift_right_arithmetic3A_118 : vector<16xi32>
    %or3A_120 = arith.ori %or3A_113, %shift_right_arithmetic3A_119 : vector<16xi32>
    %mul3A_121 = arith.constant 0 : i32
    %mul3A_122 = vector.broadcast %mul3A_121 : i32 to vector<16xi32>
    %mul3A_123 = arith.muli %iota3A, %mul3A_122 : vector<16xi32>
    %add3A_124 = arith.constant 0 : i32
    %add3A_125 = vector.broadcast %add3A_124 : i32 to vector<16xi32>
    %add3A_126 = arith.addi %mul3A_123, %add3A_125 : vector<16xi32>
    %mul3A_127 = arith.constant 0 : i32
    %mul3A_128 = vector.broadcast %mul3A_127 : i32 to vector<16xi32>
    %mul3A_129 = arith.muli %iota3A, %mul3A_128 : vector<16xi32>
    %add3A_130 = arith.constant 1 : i32
    %add3A_131 = vector.broadcast %add3A_130 : i32 to vector<16xi32>
    %add3A_132 = arith.addi %mul3A_129, %add3A_131 : vector<16xi32>
    %mul3A_133 = arith.constant 0 : i32
    %mul3A_134 = vector.broadcast %mul3A_133 : i32 to vector<16xi32>
    %mul3A_135 = arith.muli %iota3A, %mul3A_134 : vector<16xi32>
    %add3A_136 = arith.constant 2 : i32
    %add3A_137 = vector.broadcast %add3A_136 : i32 to vector<16xi32>
    %add3A_138 = arith.addi %mul3A_135, %add3A_137 : vector<16xi32>
    %mul3A_139 = arith.constant 0 : i32
    %mul3A_140 = vector.broadcast %mul3A_139 : i32 to vector<16xi32>
    %mul3A_141 = arith.muli %iota3A, %mul3A_140 : vector<16xi32>
    %add3A_142 = arith.constant 3 : i32
    %add3A_143 = vector.broadcast %add3A_142 : i32 to vector<16xi32>
    %add3A_144 = arith.addi %mul3A_141, %add3A_143 : vector<16xi32>
    %mul3A_145 = arith.constant 0 : i32
    %mul3A_146 = vector.broadcast %mul3A_145 : i32 to vector<16xi32>
    %mul3A_147 = arith.muli %iota3A, %mul3A_146 : vector<16xi32>
    %add3A_148 = arith.constant 4 : i32
    %add3A_149 = vector.broadcast %add3A_148 : i32 to vector<16xi32>
    %add3A_150 = arith.addi %mul3A_147, %add3A_149 : vector<16xi32>
    %mul3A_151 = arith.constant 0 : i32
    %mul3A_152 = vector.broadcast %mul3A_151 : i32 to vector<16xi32>
    %mul3A_153 = arith.muli %iota3A, %mul3A_152 : vector<16xi32>
    %add3A_154 = arith.constant 5 : i32
    %add3A_155 = vector.broadcast %add3A_154 : i32 to vector<16xi32>
    %add3A_156 = arith.addi %mul3A_153, %add3A_155 : vector<16xi32>
    %mul3A_157 = arith.constant 0 : i32
    %mul3A_158 = vector.broadcast %mul3A_157 : i32 to vector<16xi32>
    %mul3A_159 = arith.muli %iota3A, %mul3A_158 : vector<16xi32>
    %add3A_160 = arith.constant 6 : i32
    %add3A_161 = vector.broadcast %add3A_160 : i32 to vector<16xi32>
    %add3A_162 = arith.addi %mul3A_159, %add3A_161 : vector<16xi32>
    %mul3A_163 = arith.constant 0 : i32
    %mul3A_164 = vector.broadcast %mul3A_163 : i32 to vector<16xi32>
    %mul3A_165 = arith.muli %iota3A, %mul3A_164 : vector<16xi32>
    %add3A_166 = arith.constant 7 : i32
    %add3A_167 = vector.broadcast %add3A_166 : i32 to vector<16xi32>
    %add3A_168 = arith.addi %mul3A_165, %add3A_167 : vector<16xi32>
    %mul3A_169 = arith.constant 0 : i32
    %mul3A_170 = vector.broadcast %mul3A_169 : i32 to vector<16xi32>
    %mul3A_171 = arith.muli %iota3A, %mul3A_170 : vector<16xi32>
    %add3A_172 = arith.constant 8 : i32
    %add3A_173 = vector.broadcast %add3A_172 : i32 to vector<16xi32>
    %add3A_174 = arith.addi %mul3A_171, %add3A_173 : vector<16xi32>
    %mul3A_175 = arith.constant 0 : i32
    %mul3A_176 = vector.broadcast %mul3A_175 : i32 to vector<16xi32>
    %mul3A_177 = arith.muli %iota3A, %mul3A_176 : vector<16xi32>
    %add3A_178 = arith.constant 9 : i32
    %add3A_179 = vector.broadcast %add3A_178 : i32 to vector<16xi32>
    %add3A_180 = arith.addi %mul3A_177, %add3A_179 : vector<16xi32>
    %mul3A_181 = arith.constant 0 : i32
    %mul3A_182 = vector.broadcast %mul3A_181 : i32 to vector<16xi32>
    %mul3A_183 = arith.muli %iota3A, %mul3A_182 : vector<16xi32>
    %add3A_184 = arith.constant 10 : i32
    %add3A_185 = vector.broadcast %add3A_184 : i32 to vector<16xi32>
    %add3A_186 = arith.addi %mul3A_183, %add3A_185 : vector<16xi32>
    %mul3A_187 = arith.constant 0 : i32
    %mul3A_188 = vector.broadcast %mul3A_187 : i32 to vector<16xi32>
    %mul3A_189 = arith.muli %iota3A, %mul3A_188 : vector<16xi32>
    %add3A_190 = arith.constant 11 : i32
    %add3A_191 = vector.broadcast %add3A_190 : i32 to vector<16xi32>
    %add3A_192 = arith.addi %mul3A_189, %add3A_191 : vector<16xi32>
    %mul3A_193 = arith.constant 0 : i32
    %mul3A_194 = vector.broadcast %mul3A_193 : i32 to vector<16xi32>
    %mul3A_195 = arith.muli %iota3A, %mul3A_194 : vector<16xi32>
    %add3A_196 = arith.constant 12 : i32
    %add3A_197 = vector.broadcast %add3A_196 : i32 to vector<16xi32>
    %add3A_198 = arith.addi %mul3A_195, %add3A_197 : vector<16xi32>
    %mul3A_199 = arith.constant 0 : i32
    %mul3A_200 = vector.broadcast %mul3A_199 : i32 to vector<16xi32>
    %mul3A_201 = arith.muli %iota3A, %mul3A_200 : vector<16xi32>
    %add3A_202 = arith.constant 13 : i32
    %add3A_203 = vector.broadcast %add3A_202 : i32 to vector<16xi32>
    %add3A_204 = arith.addi %mul3A_201, %add3A_203 : vector<16xi32>
    %mul3A_205 = arith.constant 0 : i32
    %mul3A_206 = vector.broadcast %mul3A_205 : i32 to vector<16xi32>
    %mul3A_207 = arith.muli %iota3A, %mul3A_206 : vector<16xi32>
    %add3A_208 = arith.constant 14 : i32
    %add3A_209 = vector.broadcast %add3A_208 : i32 to vector<16xi32>
    %add3A_210 = arith.addi %mul3A_207, %add3A_209 : vector<16xi32>
    %mul3A_211 = arith.constant 0 : i32
    %mul3A_212 = vector.broadcast %mul3A_211 : i32 to vector<16xi32>
    %mul3A_213 = arith.muli %iota3A, %mul3A_212 : vector<16xi32>
    %add3A_214 = arith.constant 15 : i32
    %add3A_215 = vector.broadcast %add3A_214 : i32 to vector<16xi32>
    %add3A_216 = arith.addi %mul3A_213, %add3A_215 : vector<16xi32>
    %scan3A_217 = arith.constant 0 : i32
    %scan3A_218 = arith.constant 0 : i32
    %scan3A_219 = arith.constant 8 : i32
    %scan3A_220 = arith.addi %scan3A_218, %scan3A_219 : i32
    %scan3A_221 = arith.constant 1 : i32
    scf.for %scan3A_291 = %scan3A_218 to %scan3A_220 step %scan3A_221  : i32 {
      %mul3A_292 = arith.constant 16 : i32
      %mul3A_293 = arith.muli %scan3A_291, %mul3A_292 : i32
      %get3A = arith.index_cast %mul3A_293 : i32 to index
      %get3A_294 = tpu.vector_load %arg10[%get3A] {strides = array<i32>} : memref<128xf32, #tpu.memory_space<vmem>>, vector<16xf32>,
      %get3A_295 = vector.shape_cast %get3A_294 : vector<16xf32> to vector<16xf32>
      %get3A_296 = arith.index_cast %mul3A_293 : i32 to index
      %get3A_297 = tpu.vector_load %arg11[%get3A_296] {strides = array<i32>} : memref<128xf32, #tpu.memory_space<vmem>>, vector<16xf32>,
      %get3A_298 = vector.shape_cast %get3A_297 : vector<16xf32> to vector<16xf32>
      %get3A_299 = arith.index_cast %mul3A_293 : i32 to index
      %get3A_300 = tpu.vector_load %arg12[%get3A_299] {strides = array<i32>} : memref<128xf32, #tpu.memory_space<vmem>>, vector<16xf32>,
      %get3A_301 = vector.shape_cast %get3A_300 : vector<16xf32> to vector<16xf32>
      %get3A_302 = arith.index_cast %mul3A_293 : i32 to index
      %get3A_303 = tpu.vector_load %arg13[%get3A_302] {strides = array<i32>} : memref<128xf32, #tpu.memory_space<vmem>>, vector<16xf32>,
      %get3A_304 = vector.shape_cast %get3A_303 : vector<16xf32> to vector<16xf32>
      %add3A_305 = arith.constant 0 : i32
      %add3A_306 = arith.addi %mul3A_293, %add3A_305 : i32
      %mul3A_307 = arith.constant 16 : i32
      %mul3A_308 = arith.muli %add3A_306, %mul3A_307 : i32
      %broadcast_in_dim3A_309 = vector.shape_cast %add3A_126 : vector<16xi32> to vector<16x1xi32>
      %gather3A = vector.shape_cast %broadcast_in_dim3A_309 : vector<16x1xi32> to vector<16xi32>
      %gather3A_310 = tpu.dynamic_gather %get3A_295[%gather3A] in [0] : vector<16xf32>, vector<16xi32> -> vector<16xf32>
      %swap3A = arith.index_cast %mul3A_308 : i32 to index
      %swap3A_311 = tpu.vector_load %arg17[%swap3A] {strides = array<i32>} : memref<2048xf32, #tpu.memory_space<vmem>>, vector<16xf32>,
      %swap3A_312 = vector.shape_cast %swap3A_311 : vector<16xf32> to vector<16xf32>
      %swap3A_313 = vector.shape_cast %gather3A_310 : vector<16xf32> to vector<16xf32>
      tpu.vector_store %arg17[%swap3A], %swap3A_313 {strides = array<i32>} : memref<2048xf32, #tpu.memory_space<vmem>>, vector<16xf32>,
      %broadcast_in_dim3A_314 = vector.shape_cast %add3A_126 : vector<16xi32> to vector<16x1xi32>
      %gather3A_315 = vector.shape_cast %broadcast_in_dim3A_314 : vector<16x1xi32> to vector<16xi32>
      %gather3A_316 = tpu.dynamic_gather %get3A_298[%gather3A_315] in [0] : vector<16xf32>, vector<16xi32> -> vector<16xf32>
      %swap3A_317 = arith.index_cast %mul3A_308 : i32 to index
      %swap3A_318 = tpu.vector_load %arg18[%swap3A_317] {strides = array<i32>} : memref<2048xf32, #tpu.memory_space<vmem>>, vector<16xf32>,
      %swap3A_319 = vector.shape_cast %swap3A_318 : vector<16xf32> to vector<16xf32>
      %swap3A_320 = vector.shape_cast %gather3A_316 : vector<16xf32> to vector<16xf32>
      tpu.vector_store %arg18[%swap3A_317], %swap3A_320 {strides = array<i32>} : memref<2048xf32, #tpu.memory_space<vmem>>, vector<16xf32>,
      %broadcast_in_dim3A_321 = vector.shape_cast %add3A_126 : vector<16xi32> to vector<16x1xi32>
      %gather3A_322 = vector.shape_cast %broadcast_in_dim3A_321 : vector<16x1xi32> to vector<16xi32>
      %gather3A_323 = tpu.dynamic_gather %get3A_301[%gather3A_322] in [0] : vector<16xf32>, vector<16xi32> -> vector<16xf32>
      %swap3A_324 = arith.index_cast %mul3A_308 : i32 to index
      %swap3A_325 = tpu.vector_load %arg19[%swap3A_324] {strides = array<i32>} : memref<2048xf32, #tpu.memory_space<vmem>>, vector<16xf32>,
      %swap3A_326 = vector.shape_cast %swap3A_325 : vector<16xf32> to vector<16xf32>
      %swap3A_327 = vector.shape_cast %gather3A_323 : vector<16xf32> to vector<16xf32>
      tpu.vector_store %arg19[%swap3A_324], %swap3A_327 {strides = array<i32>} : memref<2048xf32, #tpu.memory_space<vmem>>, vector<16xf32>,
      %broadcast_in_dim3A_328 = vector.shape_cast %add3A_126 : vector<16xi32> to vector<16x1xi32>
      %gather3A_329 = vector.shape_cast %broadcast_in_dim3A_328 : vector<16x1xi32> to vector<16xi32>
      %gather3A_330 = tpu.dynamic_gather %get3A_304[%gather3A_329] in [0] : vector<16xf32>, vector<16xi32> -> vector<16xf32>
      %swap3A_331 = arith.index_cast %mul3A_308 : i32 to index
      %swap3A_332 = tpu.vector_load %arg20[%swap3A_331] {strides = array<i32>} : memref<2048xf32, #tpu.memory_space<vmem>>, vector<16xf32>,
      %swap3A_333 = vector.shape_cast %swap3A_332 : vector<16xf32> to vector<16xf32>
      %swap3A_334 = vector.shape_cast %gather3A_330 : vector<16xf32> to vector<16xf32>
      tpu.vector_store %arg20[%swap3A_331], %swap3A_334 {strides = array<i32>} : memref<2048xf32, #tpu.memory_space<vmem>>, vector<16xf32>,
      %add3A_335 = arith.constant 1 : i32
      %add3A_336 = arith.addi %mul3A_293, %add3A_335 : i32
      %mul3A_337 = arith.constant 16 : i32
      %mul3A_338 = arith.muli %add3A_336, %mul3A_337 : i32
      %broadcast_in_dim3A_339 = vector.shape_cast %add3A_132 : vector<16xi32> to vector<16x1xi32>
      %gather3A_340 = vector.shape_cast %broadcast_in_dim3A_339 : vector<16x1xi32> to vector<16xi32>
      %gather3A_341 = tpu.dynamic_gather %get3A_295[%gather3A_340] in [0] : vector<16xf32>, vector<16xi32> -> vector<16xf32>
      %swap3A_342 = arith.index_cast %mul3A_338 : i32 to index
      %swap3A_343 = tpu.vector_load %arg17[%swap3A_342] {strides = array<i32>} : memref<2048xf32, #tpu.memory_space<vmem>>, vector<16xf32>,
      %swap3A_344 = vector.shape_cast %swap3A_343 : vector<16xf32> to vector<16xf32>
      %swap3A_345 = vector.shape_cast %gather3A_341 : vector<16xf32> to vector<16xf32>
      tpu.vector_store %arg17[%swap3A_342], %swap3A_345 {strides = array<i32>} : memref<2048xf32, #tpu.memory_space<vmem>>, vector<16xf32>,
      %broadcast_in_dim3A_346 = vector.shape_cast %add3A_132 : vector<16xi32> to vector<16x1xi32>
      %gather3A_347 = vector.shape_cast %broadcast_in_dim3A_346 : vector<16x1xi32> to vector<16xi32>
      %gather3A_348 = tpu.dynamic_gather %get3A_298[%gather3A_347] in [0] : vector<16xf32>, vector<16xi32> -> vector<16xf32>
      %swap3A_349 = arith.index_cast %mul3A_338 : i32 to index
      %swap3A_350 = tpu.vector_load %arg18[%swap3A_349] {strides = array<i32>} : memref<2048xf32, #tpu.memory_space<vmem>>, vector<16xf32>,
      %swap3A_351 = vector.shape_cast %swap3A_350 : vector<16xf32> to vector<16xf32>
      %swap3A_352 = vector.shape_cast %gather3A_348 : vector<16xf32> to vector<16xf32>
      tpu.vector_store %arg18[%swap3A_349], %swap3A_352 {strides = array<i32>} : memref<2048xf32, #tpu.memory_space<vmem>>, vector<16xf32>,
      %broadcast_in_dim3A_353 = vector.shape_cast %add3A_132 : vector<16xi32> to vector<16x1xi32>
      %gather3A_354 = vector.shape_cast %broadcast_in_dim3A_353 : vector<16x1xi32> to vector<16xi32>
      %gather3A_355 = tpu.dynamic_gather %get3A_301[%gather3A_354] in [0] : vector<16xf32>, vector<16xi32> -> vector<16xf32>
      %swap3A_356 = arith.index_cast %mul3A_338 : i32 to index
      %swap3A_357 = tpu.vector_load %arg19[%swap3A_356] {strides = array<i32>} : memref<2048xf32, #tpu.memory_space<vmem>>, vector<16xf32>,
      %swap3A_358 = vector.shape_cast %swap3A_357 : vector<16xf32> to vector<16xf32>
      %swap3A_359 = vector.shape_cast %gather3A_355 : vector<16xf32> to vector<16xf32>
      tpu.vector_store %arg19[%swap3A_356], %swap3A_359 {strides = array<i32>} : memref<2048xf32, #tpu.memory_space<vmem>>, vector<16xf32>,
      %broadcast_in_dim3A_360 = vector.shape_cast %add3A_132 : vector<16xi32> to vector<16x1xi32>
      %gather3A_361 = vector.shape_cast %broadcast_in_dim3A_360 : vector<16x1xi32> to vector<16xi32>
      %gather3A_362 = tpu.dynamic_gather %get3A_304[%gather3A_361] in [0] : vector<16xf32>, vector<16xi32> -> vector<16xf32>
      %swap3A_363 = arith.index_cast %mul3A_338 : i32 to index
      %swap3A_364 = tpu.vector_load %arg20[%swap3A_363] {strides = array<i32>} : memref<2048xf32, #tpu.memory_space<vmem>>, vector<16xf32>,
      %swap3A_365 = vector.shape_cast %swap3A_364 : vector<16xf32> to vector<16xf32>
      %swap3A_366 = vector.shape_cast %gather3A_362 : vector<16xf32> to vector<16xf32>
      tpu.vector_store %arg20[%swap3A_363], %swap3A_366 {strides = array<i32>} : memref<2048xf32, #tpu.memory_space<vmem>>, vector<16xf32>,
      %add3A_367 = arith.constant 2 : i32
      %add3A_368 = arith.addi %mul3A_293, %add3A_367 : i32
      %mul3A_369 = arith.constant 16 : i32
      %mul3A_370 = arith.muli %add3A_368, %mul3A_369 : i32
      %broadcast_in_dim3A_371 = vector.shape_cast %add3A_138 : vector<16xi32> to vector<16x1xi32>
      %gather3A_372 = vector.shape_cast %broadcast_in_dim3A_371 : vector<16x1xi32> to vector<16xi32>
      %gather3A_373 = tpu.dynamic_gather %get3A_295[%gather3A_372] in [0] : vector<16xf32>, vector<16xi32> -> vector<16xf32>
      %swap3A_374 = arith.index_cast %mul3A_370 : i32 to index
      %swap3A_375 = tpu.vector_load %arg17[%swap3A_374] {strides = array<i32>} : memref<2048xf32, #tpu.memory_space<vmem>>, vector<16xf32>,
      %swap3A_376 = vector.shape_cast %swap3A_375 : vector<16xf32> to vector<16xf32>
      %swap3A_377 = vector.shape_cast %gather3A_373 : vector<16xf32> to vector<16xf32>
      tpu.vector_store %arg17[%swap3A_374], %swap3A_377 {strides = array<i32>} : memref<2048xf32, #tpu.memory_space<vmem>>, vector<16xf32>,
      %broadcast_in_dim3A_378 = vector.shape_cast %add3A_138 : vector<16xi32> to vector<16x1xi32>
      %gather3A_379 = vector.shape_cast %broadcast_in_dim3A_378 : vector<16x1xi32> to vector<16xi32>
      %gather3A_380 = tpu.dynamic_gather %get3A_298[%gather3A_379] in [0] : vector<16xf32>, vector<16xi32> -> vector<16xf32>
      %swap3A_381 = arith.index_cast %mul3A_370 : i32 to index
      %swap3A_382 = tpu.vector_load %arg18[%swap3A_381] {strides = array<i32>} : memref<2048xf32, #tpu.memory_space<vmem>>, vector<16xf32>,
      %swap3A_383 = vector.shape_cast %swap3A_382 : vector<16xf32> to vector<16xf32>
      %swap3A_384 = vector.shape_cast %gather3A_380 : vector<16xf32> to vector<16xf32>
      tpu.vector_store %arg18[%swap3A_381], %swap3A_384 {strides = array<i32>} : memref<2048xf32, #tpu.memory_space<vmem>>, vector<16xf32>,
      %broadcast_in_dim3A_385 = vector.shape_cast %add3A_138 : vector<16xi32> to vector<16x1xi32>
      %gather3A_386 = vector.shape_cast %broadcast_in_dim3A_385 : vector<16x1xi32> to vector<16xi32>
      %gather3A_387 = tpu.dynamic_gather %get3A_301[%gather3A_386] in [0] : vector<16xf32>, vector<16xi32> -> vector<16xf32>
      %swap3A_388 = arith.index_cast %mul3A_370 : i32 to index
      %swap3A_389 = tpu.vector_load %arg19[%swap3A_388] {strides = array<i32>} : memref<2048xf32, #tpu.memory_space<vmem>>, vector<16xf32>,
      %swap3A_390 = vector.shape_cast %swap3A_389 : vector<16xf32> to vector<16xf32>
      %swap3A_391 = vector.shape_cast %gather3A_387 : vector<16xf32> to vector<16xf32>
      tpu.vector_store %arg19[%swap3A_388], %swap3A_391 {strides = array<i32>} : memref<2048xf32, #tpu.memory_space<vmem>>, vector<16xf32>,
      %broadcast_in_dim3A_392 = vector.shape_cast %add3A_138 : vector<16xi32> to vector<16x1xi32>
      %gather3A_393 = vector.shape_cast %broadcast_in_dim3A_392 : vector<16x1xi32> to vector<16xi32>
      %gather3A_394 = tpu.dynamic_gather %get3A_304[%gather3A_393] in [0] : vector<16xf32>, vector<16xi32> -> vector<16xf32>
      %swap3A_395 = arith.index_cast %mul3A_370 : i32 to index
      %swap3A_396 = tpu.vector_load %arg20[%swap3A_395] {strides = array<i32>} : memref<2048xf32, #tpu.memory_space<vmem>>, vector<16xf32>,
      %swap3A_397 = vector.shape_cast %swap3A_396 : vector<16xf32> to vector<16xf32>
      %swap3A_398 = vector.shape_cast %gather3A_394 : vector<16xf32> to vector<16xf32>
      tpu.vector_store %arg20[%swap3A_395], %swap3A_398 {strides = array<i32>} : memref<2048xf32, #tpu.memory_space<vmem>>, vector<16xf32>,
      %add3A_399 = arith.constant 3 : i32
      %add3A_400 = arith.addi %mul3A_293, %add3A_399 : i32
      %mul3A_401 = arith.constant 16 : i32
      %mul3A_402 = arith.muli %add3A_400, %mul3A_401 : i32
      %broadcast_in_dim3A_403 = vector.shape_cast %add3A_144 : vector<16xi32> to vector<16x1xi32>
      %gather3A_404 = vector.shape_cast %broadcast_in_dim3A_403 : vector<16x1xi32> to vector<16xi32>
      %gather3A_405 = tpu.dynamic_gather %get3A_295[%gather3A_404] in [0] : vector<16xf32>, vector<16xi32> -> vector<16xf32>
      %swap3A_406 = arith.index_cast %mul3A_402 : i32 to index
      %swap3A_407 = tpu.vector_load %arg17[%swap3A_406] {strides = array<i32>} : memref<2048xf32, #tpu.memory_space<vmem>>, vector<16xf32>,
      %swap3A_408 = vector.shape_cast %swap3A_407 : vector<16xf32> to vector<16xf32>
      %swap3A_409 = vector.shape_cast %gather3A_405 : vector<16xf32> to vector<16xf32>
      tpu.vector_store %arg17[%swap3A_406], %swap3A_409 {strides = array<i32>} : memref<2048xf32, #tpu.memory_space<vmem>>, vector<16xf32>,
      %broadcast_in_dim3A_410 = vector.shape_cast %add3A_144 : vector<16xi32> to vector<16x1xi32>
      %gather3A_411 = vector.shape_cast %broadcast_in_dim3A_410 : vector<16x1xi32> to vector<16xi32>
      %gather3A_412 = tpu.dynamic_gather %get3A_298[%gather3A_411] in [0] : vector<16xf32>, vector<16xi32> -> vector<16xf32>
      %swap3A_413 = arith.index_cast %mul3A_402 : i32 to index
      %swap3A_414 = tpu.vector_load %arg18[%swap3A_413] {strides = array<i32>} : memref<2048xf32, #tpu.memory_space<vmem>>, vector<16xf32>,
      %swap3A_415 = vector.shape_cast %swap3A_414 : vector<16xf32> to vector<16xf32>
      %swap3A_416 = vector.shape_cast %gather3A_412 : vector<16xf32> to vector<16xf32>
      tpu.vector_store %arg18[%swap3A_413], %swap3A_416 {strides = array<i32>} : memref<2048xf32, #tpu.memory_space<vmem>>, vector<16xf32>,
      %broadcast_in_dim3A_417 = vector.shape_cast %add3A_144 : vector<16xi32> to vector<16x1xi32>
      %gather3A_418 = vector.shape_cast %broadcast_in_dim3A_417 : vector<16x1xi32> to vector<16xi32>
      %gather3A_419 = tpu.dynamic_gather %get3A_301[%gather3A_418] in [0] : vector<16xf32>, vector<16xi32> -> vector<16xf32>
      %swap3A_420 = arith.index_cast %mul3A_402 : i32 to index
      %swap3A_421 = tpu.vector_load %arg19[%swap3A_420] {strides = array<i32>} : memref<2048xf32, #tpu.memory_space<vmem>>, vector<16xf32>,
      %swap3A_422 = vector.shape_cast %swap3A_421 : vector<16xf32> to vector<16xf32>
      %swap3A_423 = vector.shape_cast %gather3A_419 : vector<16xf32> to vector<16xf32>
      tpu.vector_store %arg19[%swap3A_420], %swap3A_423 {strides = array<i32>} : memref<2048xf32, #tpu.memory_space<vmem>>, vector<16xf32>,
      %broadcast_in_dim3A_424 = vector.shape_cast %add3A_144 : vector<16xi32> to vector<16x1xi32>
      %gather3A_425 = vector.shape_cast %broadcast_in_dim3A_424 : vector<16x1xi32> to vector<16xi32>
      %gather3A_426 = tpu.dynamic_gather %get3A_304[%gather3A_425] in [0] : vector<16xf32>, vector<16xi32> -> vector<16xf32>
      %swap3A_427 = arith.index_cast %mul3A_402 : i32 to index
      %swap3A_428 = tpu.vector_load %arg20[%swap3A_427] {strides = array<i32>} : memref<2048xf32, #tpu.memory_space<vmem>>, vector<16xf32>,
      %swap3A_429 = vector.shape_cast %swap3A_428 : vector<16xf32> to vector<16xf32>
      %swap3A_430 = vector.shape_cast %gather3A_426 : vector<16xf32> to vector<16xf32>
      tpu.vector_store %arg20[%swap3A_427], %swap3A_430 {strides = array<i32>} : memref<2048xf32, #tpu.memory_space<vmem>>, vector<16xf32>,
      %add3A_431 = arith.constant 4 : i32
      %add3A_432 = arith.addi %mul3A_293, %add3A_431 : i32
      %mul3A_433 = arith.constant 16 : i32
      %mul3A_434 = arith.muli %add3A_432, %mul3A_433 : i32
      %broadcast_in_dim3A_435 = vector.shape_cast %add3A_150 : vector<16xi32> to vector<16x1xi32>
      %gather3A_436 = vector.shape_cast %broadcast_in_dim3A_435 : vector<16x1xi32> to vector<16xi32>
      %gather3A_437 = tpu.dynamic_gather %get3A_295[%gather3A_436] in [0] : vector<16xf32>, vector<16xi32> -> vector<16xf32>
      %swap3A_438 = arith.index_cast %mul3A_434 : i32 to index
      %swap3A_439 = tpu.vector_load %arg17[%swap3A_438] {strides = array<i32>} : memref<2048xf32, #tpu.memory_space<vmem>>, vector<16xf32>,
      %swap3A_440 = vector.shape_cast %swap3A_439 : vector<16xf32> to vector<16xf32>
      %swap3A_441 = vector.shape_cast %gather3A_437 : vector<16xf32> to vector<16xf32>
      tpu.vector_store %arg17[%swap3A_438], %swap3A_441 {strides = array<i32>} : memref<2048xf32, #tpu.memory_space<vmem>>, vector<16xf32>,
      %broadcast_in_dim3A_442 = vector.shape_cast %add3A_150 : vector<16xi32> to vector<16x1xi32>
      %gather3A_443 = vector.shape_cast %broadcast_in_dim3A_442 : vector<16x1xi32> to vector<16xi32>
      %gather3A_444 = tpu.dynamic_gather %get3A_298[%gather3A_443] in [0] : vector<16xf32>, vector<16xi32> -> vector<16xf32>
      %swap3A_445 = arith.index_cast %mul3A_434 : i32 to index
      %swap3A_446 = tpu.vector_load %arg18[%swap3A_445] {strides = array<i32>} : memref<2048xf32, #tpu.memory_space<vmem>>, vector<16xf32>,
      %swap3A_447 = vector.shape_cast %swap3A_446 : vector<16xf32> to vector<16xf32>
      %swap3A_448 = vector.shape_cast %gather3A_444 : vector<16xf32> to vector<16xf32>
      tpu.vector_store %arg18[%swap3A_445], %swap3A_448 {strides = array<i32>} : memref<2048xf32, #tpu.memory_space<vmem>>, vector<16xf32>,
      %broadcast_in_dim3A_449 = vector.shape_cast %add3A_150 : vector<16xi32> to vector<16x1xi32>
      %gather3A_450 = vector.shape_cast %broadcast_in_dim3A_449 : vector<16x1xi32> to vector<16xi32>
      %gather3A_451 = tpu.dynamic_gather %get3A_301[%gather3A_450] in [0] : vector<16xf32>, vector<16xi32> -> vector<16xf32>
      %swap3A_452 = arith.index_cast %mul3A_434 : i32 to index
      %swap3A_453 = tpu.vector_load %arg19[%swap3A_452] {strides = array<i32>} : memref<2048xf32, #tpu.memory_space<vmem>>, vector<16xf32>,
      %swap3A_454 = vector.shape_cast %swap3A_453 : vector<16xf32> to vector<16xf32>
      %swap3A_455 = vector.shape_cast %gather3A_451 : vector<16xf32> to vector<16xf32>
      tpu.vector_store %arg19[%swap3A_452], %swap3A_455 {strides = array<i32>} : memref<2048xf32, #tpu.memory_space<vmem>>, vector<16xf32>,
      %broadcast_in_dim3A_456 = vector.shape_cast %add3A_150 : vector<16xi32> to vector<16x1xi32>
      %gather3A_457 = vector.shape_cast %broadcast_in_dim3A_456 : vector<16x1xi32> to vector<16xi32>
      %gather3A_458 = tpu.dynamic_gather %get3A_304[%gather3A_457] in [0] : vector<16xf32>, vector<16xi32> -> vector<16xf32>
      %swap3A_459 = arith.index_cast %mul3A_434 : i32 to index
      %swap3A_460 = tpu.vector_load %arg20[%swap3A_459] {strides = array<i32>} : memref<2048xf32, #tpu.memory_space<vmem>>, vector<16xf32>,
      %swap3A_461 = vector.shape_cast %swap3A_460 : vector<16xf32> to vector<16xf32>
      %swap3A_462 = vector.shape_cast %gather3A_458 : vector<16xf32> to vector<16xf32>
      tpu.vector_store %arg20[%swap3A_459], %swap3A_462 {strides = array<i32>} : memref<2048xf32, #tpu.memory_space<vmem>>, vector<16xf32>,
      %add3A_463 = arith.constant 5 : i32
      %add3A_464 = arith.addi %mul3A_293, %add3A_463 : i32
      %mul3A_465 = arith.constant 16 : i32
      %mul3A_466 = arith.muli %add3A_464, %mul3A_465 : i32
      %broadcast_in_dim3A_467 = vector.shape_cast %add3A_156 : vector<16xi32> to vector<16x1xi32>
      %gather3A_468 = vector.shape_cast %broadcast_in_dim3A_467 : vector<16x1xi32> to vector<16xi32>
      %gather3A_469 = tpu.dynamic_gather %get3A_295[%gather3A_468] in [0] : vector<16xf32>, vector<16xi32> -> vector<16xf32>
      %swap3A_470 = arith.index_cast %mul3A_466 : i32 to index
      %swap3A_471 = tpu.vector_load %arg17[%swap3A_470] {strides = array<i32>} : memref<2048xf32, #tpu.memory_space<vmem>>, vector<16xf32>,
      %swap3A_472 = vector.shape_cast %swap3A_471 : vector<16xf32> to vector<16xf32>
      %swap3A_473 = vector.shape_cast %gather3A_469 : vector<16xf32> to vector<16xf32>
      tpu.vector_store %arg17[%swap3A_470], %swap3A_473 {strides = array<i32>} : memref<2048xf32, #tpu.memory_space<vmem>>, vector<16xf32>,
      %broadcast_in_dim3A_474 = vector.shape_cast %add3A_156 : vector<16xi32> to vector<16x1xi32>
      %gather3A_475 = vector.shape_cast %broadcast_in_dim3A_474 : vector<16x1xi32> to vector<16xi32>
      %gather3A_476 = tpu.dynamic_gather %get3A_298[%gather3A_475] in [0] : vector<16xf32>, vector<16xi32> -> vector<16xf32>
      %swap3A_477 = arith.index_cast %mul3A_466 : i32 to index
      %swap3A_478 = tpu.vector_load %arg18[%swap3A_477] {strides = array<i32>} : memref<2048xf32, #tpu.memory_space<vmem>>, vector<16xf32>,
      %swap3A_479 = vector.shape_cast %swap3A_478 : vector<16xf32> to vector<16xf32>
      %swap3A_480 = vector.shape_cast %gather3A_476 : vector<16xf32> to vector<16xf32>
      tpu.vector_store %arg18[%swap3A_477], %swap3A_480 {strides = array<i32>} : memref<2048xf32, #tpu.memory_space<vmem>>, vector<16xf32>,
      %broadcast_in_dim3A_481 = vector.shape_cast %add3A_156 : vector<16xi32> to vector<16x1xi32>
      %gather3A_482 = vector.shape_cast %broadcast_in_dim3A_481 : vector<16x1xi32> to vector<16xi32>
      %gather3A_483 = tpu.dynamic_gather %get3A_301[%gather3A_482] in [0] : vector<16xf32>, vector<16xi32> -> vector<16xf32>
      %swap3A_484 = arith.index_cast %mul3A_466 : i32 to index
      %swap3A_485 = tpu.vector_load %arg19[%swap3A_484] {strides = array<i32>} : memref<2048xf32, #tpu.memory_space<vmem>>, vector<16xf32>,
      %swap3A_486 = vector.shape_cast %swap3A_485 : vector<16xf32> to vector<16xf32>
      %swap3A_487 = vector.shape_cast %gather3A_483 : vector<16xf32> to vector<16xf32>
      tpu.vector_store %arg19[%swap3A_484], %swap3A_487 {strides = array<i32>} : memref<2048xf32, #tpu.memory_space<vmem>>, vector<16xf32>,
      %broadcast_in_dim3A_488 = vector.shape_cast %add3A_156 : vector<16xi32> to vector<16x1xi32>
      %gather3A_489 = vector.shape_cast %broadcast_in_dim3A_488 : vector<16x1xi32> to vector<16xi32>
      %gather3A_490 = tpu.dynamic_gather %get3A_304[%gather3A_489] in [0] : vector<16xf32>, vector<16xi32> -> vector<16xf32>
      %swap3A_491 = arith.index_cast %mul3A_466 : i32 to index
      %swap3A_492 = tpu.vector_load %arg20[%swap3A_491] {strides = array<i32>} : memref<2048xf32, #tpu.memory_space<vmem>>, vector<16xf32>,
      %swap3A_493 = vector.shape_cast %swap3A_492 : vector<16xf32> to vector<16xf32>
      %swap3A_494 = vector.shape_cast %gather3A_490 : vector<16xf32> to vector<16xf32>
      tpu.vector_store %arg20[%swap3A_491], %swap3A_494 {strides = array<i32>} : memref<2048xf32, #tpu.memory_space<vmem>>, vector<16xf32>,
      %add3A_495 = arith.constant 6 : i32
      %add3A_496 = arith.addi %mul3A_293, %add3A_495 : i32
      %mul3A_497 = arith.constant 16 : i32
      %mul3A_498 = arith.muli %add3A_496, %mul3A_497 : i32
      %broadcast_in_dim3A_499 = vector.shape_cast %add3A_162 : vector<16xi32> to vector<16x1xi32>
      %gather3A_500 = vector.shape_cast %broadcast_in_dim3A_499 : vector<16x1xi32> to vector<16xi32>
      %gather3A_501 = tpu.dynamic_gather %get3A_295[%gather3A_500] in [0] : vector<16xf32>, vector<16xi32> -> vector<16xf32>
      %swap3A_502 = arith.index_cast %mul3A_498 : i32 to index
      %swap3A_503 = tpu.vector_load %arg17[%swap3A_502] {strides = array<i32>} : memref<2048xf32, #tpu.memory_space<vmem>>, vector<16xf32>,
      %swap3A_504 = vector.shape_cast %swap3A_503 : vector<16xf32> to vector<16xf32>
      %swap3A_505 = vector.shape_cast %gather3A_501 : vector<16xf32> to vector<16xf32>
      tpu.vector_store %arg17[%swap3A_502], %swap3A_505 {strides = array<i32>} : memref<2048xf32, #tpu.memory_space<vmem>>, vector<16xf32>,
      %broadcast_in_dim3A_506 = vector.shape_cast %add3A_162 : vector<16xi32> to vector<16x1xi32>
      %gather3A_507 = vector.shape_cast %broadcast_in_dim3A_506 : vector<16x1xi32> to vector<16xi32>
      %gather3A_508 = tpu.dynamic_gather %get3A_298[%gather3A_507] in [0] : vector<16xf32>, vector<16xi32> -> vector<16xf32>
      %swap3A_509 = arith.index_cast %mul3A_498 : i32 to index
      %swap3A_510 = tpu.vector_load %arg18[%swap3A_509] {strides = array<i32>} : memref<2048xf32, #tpu.memory_space<vmem>>, vector<16xf32>,
      %swap3A_511 = vector.shape_cast %swap3A_510 : vector<16xf32> to vector<16xf32>
      %swap3A_512 = vector.shape_cast %gather3A_508 : vector<16xf32> to vector<16xf32>
      tpu.vector_store %arg18[%swap3A_509], %swap3A_512 {strides = array<i32>} : memref<2048xf32, #tpu.memory_space<vmem>>, vector<16xf32>,
      %broadcast_in_dim3A_513 = vector.shape_cast %add3A_162 : vector<16xi32> to vector<16x1xi32>
      %gather3A_514 = vector.shape_cast %broadcast_in_dim3A_513 : vector<16x1xi32> to vector<16xi32>
      %gather3A_515 = tpu.dynamic_gather %get3A_301[%gather3A_514] in [0] : vector<16xf32>, vector<16xi32> -> vector<16xf32>
      %swap3A_516 = arith.index_cast %mul3A_498 : i32 to index
      %swap3A_517 = tpu.vector_load %arg19[%swap3A_516] {strides = array<i32>} : memref<2048xf32, #tpu.memory_space<vmem>>, vector<16xf32>,
      %swap3A_518 = vector.shape_cast %swap3A_517 : vector<16xf32> to vector<16xf32>
      %swap3A_519 = vector.shape_cast %gather3A_515 : vector<16xf32> to vector<16xf32>
      tpu.vector_store %arg19[%swap3A_516], %swap3A_519 {strides = array<i32>} : memref<2048xf32, #tpu.memory_space<vmem>>, vector<16xf32>,
      %broadcast_in_dim3A_520 = vector.shape_cast %add3A_162 : vector<16xi32> to vector<16x1xi32>
      %gather3A_521 = vector.shape_cast %broadcast_in_dim3A_520 : vector<16x1xi32> to vector<16xi32>
      %gather3A_522 = tpu.dynamic_gather %get3A_304[%gather3A_521] in [0] : vector<16xf32>, vector<16xi32> -> vector<16xf32>
      %swap3A_523 = arith.index_cast %mul3A_498 : i32 to index
      %swap3A_524 = tpu.vector_load %arg20[%swap3A_523] {strides = array<i32>} : memref<2048xf32, #tpu.memory_space<vmem>>, vector<16xf32>,
      %swap3A_525 = vector.shape_cast %swap3A_524 : vector<16xf32> to vector<16xf32>
      %swap3A_526 = vector.shape_cast %gather3A_522 : vector<16xf32> to vector<16xf32>
      tpu.vector_store %arg20[%swap3A_523], %swap3A_526 {strides = array<i32>} : memref<2048xf32, #tpu.memory_space<vmem>>, vector<16xf32>,
      %add3A_527 = arith.constant 7 : i32
      %add3A_528 = arith.addi %mul3A_293, %add3A_527 : i32
      %mul3A_529 = arith.constant 16 : i32
      %mul3A_530 = arith.muli %add3A_528, %mul3A_529 : i32
      %broadcast_in_dim3A_531 = vector.shape_cast %add3A_168 : vector<16xi32> to vector<16x1xi32>
      %gather3A_532 = vector.shape_cast %broadcast_in_dim3A_531 : vector<16x1xi32> to vector<16xi32>
      %gather3A_533 = tpu.dynamic_gather %get3A_295[%gather3A_532] in [0] : vector<16xf32>, vector<16xi32> -> vector<16xf32>
      %swap3A_534 = arith.index_cast %mul3A_530 : i32 to index
      %swap3A_535 = tpu.vector_load %arg17[%swap3A_534] {strides = array<i32>} : memref<2048xf32, #tpu.memory_space<vmem>>, vector<16xf32>,
      %swap3A_536 = vector.shape_cast %swap3A_535 : vector<16xf32> to vector<16xf32>
      %swap3A_537 = vector.shape_cast %gather3A_533 : vector<16xf32> to vector<16xf32>
      tpu.vector_store %arg17[%swap3A_534], %swap3A_537 {strides = array<i32>} : memref<2048xf32, #tpu.memory_space<vmem>>, vector<16xf32>,
      %broadcast_in_dim3A_538 = vector.shape_cast %add3A_168 : vector<16xi32> to vector<16x1xi32>
      %gather3A_539 = vector.shape_cast %broadcast_in_dim3A_538 : vector<16x1xi32> to vector<16xi32>
      %gather3A_540 = tpu.dynamic_gather %get3A_298[%gather3A_539] in [0] : vector<16xf32>, vector<16xi32> -> vector<16xf32>
      %swap3A_541 = arith.index_cast %mul3A_530 : i32 to index
      %swap3A_542 = tpu.vector_load %arg18[%swap3A_541] {strides = array<i32>} : memref<2048xf32, #tpu.memory_space<vmem>>, vector<16xf32>,
      %swap3A_543 = vector.shape_cast %swap3A_542 : vector<16xf32> to vector<16xf32>
      %swap3A_544 = vector.shape_cast %gather3A_540 : vector<16xf32> to vector<16xf32>
      tpu.vector_store %arg18[%swap3A_541], %swap3A_544 {strides = array<i32>} : memref<2048xf32, #tpu.memory_space<vmem>>, vector<16xf32>,
      %broadcast_in_dim3A_545 = vector.shape_cast %add3A_168 : vector<16xi32> to vector<16x1xi32>
      %gather3A_546 = vector.shape_cast %broadcast_in_dim3A_545 : vector<16x1xi32> to vector<16xi32>
      %gather3A_547 = tpu.dynamic_gather %get3A_301[%gather3A_546] in [0] : vector<16xf32>, vector<16xi32> -> vector<16xf32>
      %swap3A_548 = arith.index_cast %mul3A_530 : i32 to index
      %swap3A_549 = tpu.vector_load %arg19[%swap3A_548] {strides = array<i32>} : memref<2048xf32, #tpu.memory_space<vmem>>, vector<16xf32>,
      %swap3A_550 = vector.shape_cast %swap3A_549 : vector<16xf32> to vector<16xf32>
      %swap3A_551 = vector.shape_cast %gather3A_547 : vector<16xf32> to vector<16xf32>
      tpu.vector_store %arg19[%swap3A_548], %swap3A_551 {strides = array<i32>} : memref<2048xf32, #tpu.memory_space<vmem>>, vector<16xf32>,
      %broadcast_in_dim3A_552 = vector.shape_cast %add3A_168 : vector<16xi32> to vector<16x1xi32>
      %gather3A_553 = vector.shape_cast %broadcast_in_dim3A_552 : vector<16x1xi32> to vector<16xi32>
      %gather3A_554 = tpu.dynamic_gather %get3A_304[%gather3A_553] in [0] : vector<16xf32>, vector<16xi32> -> vector<16xf32>
      %swap3A_555 = arith.index_cast %mul3A_530 : i32 to index
      %swap3A_556 = tpu.vector_load %arg20[%swap3A_555] {strides = array<i32>} : memref<2048xf32, #tpu.memory_space<vmem>>, vector<16xf32>,
      %swap3A_557 = vector.shape_cast %swap3A_556 : vector<16xf32> to vector<16xf32>
      %swap3A_558 = vector.shape_cast %gather3A_554 : vector<16xf32> to vector<16xf32>
      tpu.vector_store %arg20[%swap3A_555], %swap3A_558 {strides = array<i32>} : memref<2048xf32, #tpu.memory_space<vmem>>, vector<16xf32>,
      %add3A_559 = arith.constant 8 : i32
      %add3A_560 = arith.addi %mul3A_293, %add3A_559 : i32
      %mul3A_561 = arith.constant 16 : i32
      %mul3A_562 = arith.muli %add3A_560, %mul3A_561 : i32
      %broadcast_in_dim3A_563 = vector.shape_cast %add3A_174 : vector<16xi32> to vector<16x1xi32>
      %gather3A_564 = vector.shape_cast %broadcast_in_dim3A_563 : vector<16x1xi32> to vector<16xi32>
      %gather3A_565 = tpu.dynamic_gather %get3A_295[%gather3A_564] in [0] : vector<16xf32>, vector<16xi32> -> vector<16xf32>
      %swap3A_566 = arith.index_cast %mul3A_562 : i32 to index
      %swap3A_567 = tpu.vector_load %arg17[%swap3A_566] {strides = array<i32>} : memref<2048xf32, #tpu.memory_space<vmem>>, vector<16xf32>,
      %swap3A_568 = vector.shape_cast %swap3A_567 : vector<16xf32> to vector<16xf32>
      %swap3A_569 = vector.shape_cast %gather3A_565 : vector<16xf32> to vector<16xf32>
      tpu.vector_store %arg17[%swap3A_566], %swap3A_569 {strides = array<i32>} : memref<2048xf32, #tpu.memory_space<vmem>>, vector<16xf32>,
      %broadcast_in_dim3A_570 = vector.shape_cast %add3A_174 : vector<16xi32> to vector<16x1xi32>
      %gather3A_571 = vector.shape_cast %broadcast_in_dim3A_570 : vector<16x1xi32> to vector<16xi32>
      %gather3A_572 = tpu.dynamic_gather %get3A_298[%gather3A_571] in [0] : vector<16xf32>, vector<16xi32> -> vector<16xf32>
      %swap3A_573 = arith.index_cast %mul3A_562 : i32 to index
      %swap3A_574 = tpu.vector_load %arg18[%swap3A_573] {strides = array<i32>} : memref<2048xf32, #tpu.memory_space<vmem>>, vector<16xf32>,
      %swap3A_575 = vector.shape_cast %swap3A_574 : vector<16xf32> to vector<16xf32>
      %swap3A_576 = vector.shape_cast %gather3A_572 : vector<16xf32> to vector<16xf32>
      tpu.vector_store %arg18[%swap3A_573], %swap3A_576 {strides = array<i32>} : memref<2048xf32, #tpu.memory_space<vmem>>, vector<16xf32>,
      %broadcast_in_dim3A_577 = vector.shape_cast %add3A_174 : vector<16xi32> to vector<16x1xi32>
      %gather3A_578 = vector.shape_cast %broadcast_in_dim3A_577 : vector<16x1xi32> to vector<16xi32>
      %gather3A_579 = tpu.dynamic_gather %get3A_301[%gather3A_578] in [0] : vector<16xf32>, vector<16xi32> -> vector<16xf32>
      %swap3A_580 = arith.index_cast %mul3A_562 : i32 to index
      %swap3A_581 = tpu.vector_load %arg19[%swap3A_580] {strides = array<i32>} : memref<2048xf32, #tpu.memory_space<vmem>>, vector<16xf32>,
      %swap3A_582 = vector.shape_cast %swap3A_581 : vector<16xf32> to vector<16xf32>
      %swap3A_583 = vector.shape_cast %gather3A_579 : vector<16xf32> to vector<16xf32>
      tpu.vector_store %arg19[%swap3A_580], %swap3A_583 {strides = array<i32>} : memref<2048xf32, #tpu.memory_space<vmem>>, vector<16xf32>,
      %broadcast_in_dim3A_584 = vector.shape_cast %add3A_174 : vector<16xi32> to vector<16x1xi32>
      %gather3A_585 = vector.shape_cast %broadcast_in_dim3A_584 : vector<16x1xi32> to vector<16xi32>
      %gather3A_586 = tpu.dynamic_gather %get3A_304[%gather3A_585] in [0] : vector<16xf32>, vector<16xi32> -> vector<16xf32>
      %swap3A_587 = arith.index_cast %mul3A_562 : i32 to index
      %swap3A_588 = tpu.vector_load %arg20[%swap3A_587] {strides = array<i32>} : memref<2048xf32, #tpu.memory_space<vmem>>, vector<16xf32>,
      %swap3A_589 = vector.shape_cast %swap3A_588 : vector<16xf32> to vector<16xf32>
      %swap3A_590 = vector.shape_cast %gather3A_586 : vector<16xf32> to vector<16xf32>
      tpu.vector_store %arg20[%swap3A_587], %swap3A_590 {strides = array<i32>} : memref<2048xf32, #tpu.memory_space<vmem>>, vector<16xf32>,
      %add3A_591 = arith.constant 9 : i32
      %add3A_592 = arith.addi %mul3A_293, %add3A_591 : i32
      %mul3A_593 = arith.constant 16 : i32
      %mul3A_594 = arith.muli %add3A_592, %mul3A_593 : i32
      %broadcast_in_dim3A_595 = vector.shape_cast %add3A_180 : vector<16xi32> to vector<16x1xi32>
      %gather3A_596 = vector.shape_cast %broadcast_in_dim3A_595 : vector<16x1xi32> to vector<16xi32>
      %gather3A_597 = tpu.dynamic_gather %get3A_295[%gather3A_596] in [0] : vector<16xf32>, vector<16xi32> -> vector<16xf32>
      %swap3A_598 = arith.index_cast %mul3A_594 : i32 to index
      %swap3A_599 = tpu.vector_load %arg17[%swap3A_598] {strides = array<i32>} : memref<2048xf32, #tpu.memory_space<vmem>>, vector<16xf32>,
      %swap3A_600 = vector.shape_cast %swap3A_599 : vector<16xf32> to vector<16xf32>
      %swap3A_601 = vector.shape_cast %gather3A_597 : vector<16xf32> to vector<16xf32>
      tpu.vector_store %arg17[%swap3A_598], %swap3A_601 {strides = array<i32>} : memref<2048xf32, #tpu.memory_space<vmem>>, vector<16xf32>,
      %broadcast_in_dim3A_602 = vector.shape_cast %add3A_180 : vector<16xi32> to vector<16x1xi32>
      %gather3A_603 = vector.shape_cast %broadcast_in_dim3A_602 : vector<16x1xi32> to vector<16xi32>
      %gather3A_604 = tpu.dynamic_gather %get3A_298[%gather3A_603] in [0] : vector<16xf32>, vector<16xi32> -> vector<16xf32>
      %swap3A_605 = arith.index_cast %mul3A_594 : i32 to index
      %swap3A_606 = tpu.vector_load %arg18[%swap3A_605] {strides = array<i32>} : memref<2048xf32, #tpu.memory_space<vmem>>, vector<16xf32>,
      %swap3A_607 = vector.shape_cast %swap3A_606 : vector<16xf32> to vector<16xf32>
      %swap3A_608 = vector.shape_cast %gather3A_604 : vector<16xf32> to vector<16xf32>
      tpu.vector_store %arg18[%swap3A_605], %swap3A_608 {strides = array<i32>} : memref<2048xf32, #tpu.memory_space<vmem>>, vector<16xf32>,
      %broadcast_in_dim3A_609 = vector.shape_cast %add3A_180 : vector<16xi32> to vector<16x1xi32>
      %gather3A_610 = vector.shape_cast %broadcast_in_dim3A_609 : vector<16x1xi32> to vector<16xi32>
      %gather3A_611 = tpu.dynamic_gather %get3A_301[%gather3A_610] in [0] : vector<16xf32>, vector<16xi32> -> vector<16xf32>
      %swap3A_612 = arith.index_cast %mul3A_594 : i32 to index
      %swap3A_613 = tpu.vector_load %arg19[%swap3A_612] {strides = array<i32>} : memref<2048xf32, #tpu.memory_space<vmem>>, vector<16xf32>,
      %swap3A_614 = vector.shape_cast %swap3A_613 : vector<16xf32> to vector<16xf32>
      %swap3A_615 = vector.shape_cast %gather3A_611 : vector<16xf32> to vector<16xf32>
      tpu.vector_store %arg19[%swap3A_612], %swap3A_615 {strides = array<i32>} : memref<2048xf32, #tpu.memory_space<vmem>>, vector<16xf32>,
      %broadcast_in_dim3A_616 = vector.shape_cast %add3A_180 : vector<16xi32> to vector<16x1xi32>
      %gather3A_617 = vector.shape_cast %broadcast_in_dim3A_616 : vector<16x1xi32> to vector<16xi32>
      %gather3A_618 = tpu.dynamic_gather %get3A_304[%gather3A_617] in [0] : vector<16xf32>, vector<16xi32> -> vector<16xf32>
      %swap3A_619 = arith.index_cast %mul3A_594 : i32 to index
      %swap3A_620 = tpu.vector_load %arg20[%swap3A_619] {strides = array<i32>} : memref<2048xf32, #tpu.memory_space<vmem>>, vector<16xf32>,
      %swap3A_621 = vector.shape_cast %swap3A_620 : vector<16xf32> to vector<16xf32>
      %swap3A_622 = vector.shape_cast %gather3A_618 : vector<16xf32> to vector<16xf32>
      tpu.vector_store %arg20[%swap3A_619], %swap3A_622 {strides = array<i32>} : memref<2048xf32, #tpu.memory_space<vmem>>, vector<16xf32>,
      %add3A_623 = arith.constant 10 : i32
      %add3A_624 = arith.addi %mul3A_293, %add3A_623 : i32
      %mul3A_625 = arith.constant 16 : i32
      %mul3A_626 = arith.muli %add3A_624, %mul3A_625 : i32
      %broadcast_in_dim3A_627 = vector.shape_cast %add3A_186 : vector<16xi32> to vector<16x1xi32>
      %gather3A_628 = vector.shape_cast %broadcast_in_dim3A_627 : vector<16x1xi32> to vector<16xi32>
      %gather3A_629 = tpu.dynamic_gather %get3A_295[%gather3A_628] in [0] : vector<16xf32>, vector<16xi32> -> vector<16xf32>
      %swap3A_630 = arith.index_cast %mul3A_626 : i32 to index
      %swap3A_631 = tpu.vector_load %arg17[%swap3A_630] {strides = array<i32>} : memref<2048xf32, #tpu.memory_space<vmem>>, vector<16xf32>,
      %swap3A_632 = vector.shape_cast %swap3A_631 : vector<16xf32> to vector<16xf32>
      %swap3A_633 = vector.shape_cast %gather3A_629 : vector<16xf32> to vector<16xf32>
      tpu.vector_store %arg17[%swap3A_630], %swap3A_633 {strides = array<i32>} : memref<2048xf32, #tpu.memory_space<vmem>>, vector<16xf32>,
      %broadcast_in_dim3A_634 = vector.shape_cast %add3A_186 : vector<16xi32> to vector<16x1xi32>
      %gather3A_635 = vector.shape_cast %broadcast_in_dim3A_634 : vector<16x1xi32> to vector<16xi32>
      %gather3A_636 = tpu.dynamic_gather %get3A_298[%gather3A_635] in [0] : vector<16xf32>, vector<16xi32> -> vector<16xf32>
      %swap3A_637 = arith.index_cast %mul3A_626 : i32 to index
      %swap3A_638 = tpu.vector_load %arg18[%swap3A_637] {strides = array<i32>} : memref<2048xf32, #tpu.memory_space<vmem>>, vector<16xf32>,
      %swap3A_639 = vector.shape_cast %swap3A_638 : vector<16xf32> to vector<16xf32>
      %swap3A_640 = vector.shape_cast %gather3A_636 : vector<16xf32> to vector<16xf32>
      tpu.vector_store %arg18[%swap3A_637], %swap3A_640 {strides = array<i32>} : memref<2048xf32, #tpu.memory_space<vmem>>, vector<16xf32>,
      %broadcast_in_dim3A_641 = vector.shape_cast %add3A_186 : vector<16xi32> to vector<16x1xi32>
      %gather3A_642 = vector.shape_cast %broadcast_in_dim3A_641 : vector<16x1xi32> to vector<16xi32>
      %gather3A_643 = tpu.dynamic_gather %get3A_301[%gather3A_642] in [0] : vector<16xf32>, vector<16xi32> -> vector<16xf32>
      %swap3A_644 = arith.index_cast %mul3A_626 : i32 to index
      %swap3A_645 = tpu.vector_load %arg19[%swap3A_644] {strides = array<i32>} : memref<2048xf32, #tpu.memory_space<vmem>>, vector<16xf32>,
      %swap3A_646 = vector.shape_cast %swap3A_645 : vector<16xf32> to vector<16xf32>
      %swap3A_647 = vector.shape_cast %gather3A_643 : vector<16xf32> to vector<16xf32>
      tpu.vector_store %arg19[%swap3A_644], %swap3A_647 {strides = array<i32>} : memref<2048xf32, #tpu.memory_space<vmem>>, vector<16xf32>,
      %broadcast_in_dim3A_648 = vector.shape_cast %add3A_186 : vector<16xi32> to vector<16x1xi32>
      %gather3A_649 = vector.shape_cast %broadcast_in_dim3A_648 : vector<16x1xi32> to vector<16xi32>
      %gather3A_650 = tpu.dynamic_gather %get3A_304[%gather3A_649] in [0] : vector<16xf32>, vector<16xi32> -> vector<16xf32>
      %swap3A_651 = arith.index_cast %mul3A_626 : i32 to index
      %swap3A_652 = tpu.vector_load %arg20[%swap3A_651] {strides = array<i32>} : memref<2048xf32, #tpu.memory_space<vmem>>, vector<16xf32>,
      %swap3A_653 = vector.shape_cast %swap3A_652 : vector<16xf32> to vector<16xf32>
      %swap3A_654 = vector.shape_cast %gather3A_650 : vector<16xf32> to vector<16xf32>
      tpu.vector_store %arg20[%swap3A_651], %swap3A_654 {strides = array<i32>} : memref<2048xf32, #tpu.memory_space<vmem>>, vector<16xf32>,
      %add3A_655 = arith.constant 11 : i32
      %add3A_656 = arith.addi %mul3A_293, %add3A_655 : i32
      %mul3A_657 = arith.constant 16 : i32
      %mul3A_658 = arith.muli %add3A_656, %mul3A_657 : i32
      %broadcast_in_dim3A_659 = vector.shape_cast %add3A_192 : vector<16xi32> to vector<16x1xi32>
      %gather3A_660 = vector.shape_cast %broadcast_in_dim3A_659 : vector<16x1xi32> to vector<16xi32>
      %gather3A_661 = tpu.dynamic_gather %get3A_295[%gather3A_660] in [0] : vector<16xf32>, vector<16xi32> -> vector<16xf32>
      %swap3A_662 = arith.index_cast %mul3A_658 : i32 to index
      %swap3A_663 = tpu.vector_load %arg17[%swap3A_662] {strides = array<i32>} : memref<2048xf32, #tpu.memory_space<vmem>>, vector<16xf32>,
      %swap3A_664 = vector.shape_cast %swap3A_663 : vector<16xf32> to vector<16xf32>
      %swap3A_665 = vector.shape_cast %gather3A_661 : vector<16xf32> to vector<16xf32>
      tpu.vector_store %arg17[%swap3A_662], %swap3A_665 {strides = array<i32>} : memref<2048xf32, #tpu.memory_space<vmem>>, vector<16xf32>,
      %broadcast_in_dim3A_666 = vector.shape_cast %add3A_192 : vector<16xi32> to vector<16x1xi32>
      %gather3A_667 = vector.shape_cast %broadcast_in_dim3A_666 : vector<16x1xi32> to vector<16xi32>
      %gather3A_668 = tpu.dynamic_gather %get3A_298[%gather3A_667] in [0] : vector<16xf32>, vector<16xi32> -> vector<16xf32>
      %swap3A_669 = arith.index_cast %mul3A_658 : i32 to index
      %swap3A_670 = tpu.vector_load %arg18[%swap3A_669] {strides = array<i32>} : memref<2048xf32, #tpu.memory_space<vmem>>, vector<16xf32>,
      %swap3A_671 = vector.shape_cast %swap3A_670 : vector<16xf32> to vector<16xf32>
      %swap3A_672 = vector.shape_cast %gather3A_668 : vector<16xf32> to vector<16xf32>
      tpu.vector_store %arg18[%swap3A_669], %swap3A_672 {strides = array<i32>} : memref<2048xf32, #tpu.memory_space<vmem>>, vector<16xf32>,
      %broadcast_in_dim3A_673 = vector.shape_cast %add3A_192 : vector<16xi32> to vector<16x1xi32>
      %gather3A_674 = vector.shape_cast %broadcast_in_dim3A_673 : vector<16x1xi32> to vector<16xi32>
      %gather3A_675 = tpu.dynamic_gather %get3A_301[%gather3A_674] in [0] : vector<16xf32>, vector<16xi32> -> vector<16xf32>
      %swap3A_676 = arith.index_cast %mul3A_658 : i32 to index
      %swap3A_677 = tpu.vector_load %arg19[%swap3A_676] {strides = array<i32>} : memref<2048xf32, #tpu.memory_space<vmem>>, vector<16xf32>,
      %swap3A_678 = vector.shape_cast %swap3A_677 : vector<16xf32> to vector<16xf32>
      %swap3A_679 = vector.shape_cast %gather3A_675 : vector<16xf32> to vector<16xf32>
      tpu.vector_store %arg19[%swap3A_676], %swap3A_679 {strides = array<i32>} : memref<2048xf32, #tpu.memory_space<vmem>>, vector<16xf32>,
      %broadcast_in_dim3A_680 = vector.shape_cast %add3A_192 : vector<16xi32> to vector<16x1xi32>
      %gather3A_681 = vector.shape_cast %broadcast_in_dim3A_680 : vector<16x1xi32> to vector<16xi32>
      %gather3A_682 = tpu.dynamic_gather %get3A_304[%gather3A_681] in [0] : vector<16xf32>, vector<16xi32> -> vector<16xf32>
      %swap3A_683 = arith.index_cast %mul3A_658 : i32 to index
      %swap3A_684 = tpu.vector_load %arg20[%swap3A_683] {strides = array<i32>} : memref<2048xf32, #tpu.memory_space<vmem>>, vector<16xf32>,
      %swap3A_685 = vector.shape_cast %swap3A_684 : vector<16xf32> to vector<16xf32>
      %swap3A_686 = vector.shape_cast %gather3A_682 : vector<16xf32> to vector<16xf32>
      tpu.vector_store %arg20[%swap3A_683], %swap3A_686 {strides = array<i32>} : memref<2048xf32, #tpu.memory_space<vmem>>, vector<16xf32>,
      %add3A_687 = arith.constant 12 : i32
      %add3A_688 = arith.addi %mul3A_293, %add3A_687 : i32
      %mul3A_689 = arith.constant 16 : i32
      %mul3A_690 = arith.muli %add3A_688, %mul3A_689 : i32
      %broadcast_in_dim3A_691 = vector.shape_cast %add3A_198 : vector<16xi32> to vector<16x1xi32>
      %gather3A_692 = vector.shape_cast %broadcast_in_dim3A_691 : vector<16x1xi32> to vector<16xi32>
      %gather3A_693 = tpu.dynamic_gather %get3A_295[%gather3A_692] in [0] : vector<16xf32>, vector<16xi32> -> vector<16xf32>
      %swap3A_694 = arith.index_cast %mul3A_690 : i32 to index
      %swap3A_695 = tpu.vector_load %arg17[%swap3A_694] {strides = array<i32>} : memref<2048xf32, #tpu.memory_space<vmem>>, vector<16xf32>,
      %swap3A_696 = vector.shape_cast %swap3A_695 : vector<16xf32> to vector<16xf32>
      %swap3A_697 = vector.shape_cast %gather3A_693 : vector<16xf32> to vector<16xf32>
      tpu.vector_store %arg17[%swap3A_694], %swap3A_697 {strides = array<i32>} : memref<2048xf32, #tpu.memory_space<vmem>>, vector<16xf32>,
      %broadcast_in_dim3A_698 = vector.shape_cast %add3A_198 : vector<16xi32> to vector<16x1xi32>
      %gather3A_699 = vector.shape_cast %broadcast_in_dim3A_698 : vector<16x1xi32> to vector<16xi32>
      %gather3A_700 = tpu.dynamic_gather %get3A_298[%gather3A_699] in [0] : vector<16xf32>, vector<16xi32> -> vector<16xf32>
      %swap3A_701 = arith.index_cast %mul3A_690 : i32 to index
      %swap3A_702 = tpu.vector_load %arg18[%swap3A_701] {strides = array<i32>} : memref<2048xf32, #tpu.memory_space<vmem>>, vector<16xf32>,
      %swap3A_703 = vector.shape_cast %swap3A_702 : vector<16xf32> to vector<16xf32>
      %swap3A_704 = vector.shape_cast %gather3A_700 : vector<16xf32> to vector<16xf32>
      tpu.vector_store %arg18[%swap3A_701], %swap3A_704 {strides = array<i32>} : memref<2048xf32, #tpu.memory_space<vmem>>, vector<16xf32>,
      %broadcast_in_dim3A_705 = vector.shape_cast %add3A_198 : vector<16xi32> to vector<16x1xi32>
      %gather3A_706 = vector.shape_cast %broadcast_in_dim3A_705 : vector<16x1xi32> to vector<16xi32>
      %gather3A_707 = tpu.dynamic_gather %get3A_301[%gather3A_706] in [0] : vector<16xf32>, vector<16xi32> -> vector<16xf32>
      %swap3A_708 = arith.index_cast %mul3A_690 : i32 to index
      %swap3A_709 = tpu.vector_load %arg19[%swap3A_708] {strides = array<i32>} : memref<2048xf32, #tpu.memory_space<vmem>>, vector<16xf32>,
      %swap3A_710 = vector.shape_cast %swap3A_709 : vector<16xf32> to vector<16xf32>
      %swap3A_711 = vector.shape_cast %gather3A_707 : vector<16xf32> to vector<16xf32>
      tpu.vector_store %arg19[%swap3A_708], %swap3A_711 {strides = array<i32>} : memref<2048xf32, #tpu.memory_space<vmem>>, vector<16xf32>,
      %broadcast_in_dim3A_712 = vector.shape_cast %add3A_198 : vector<16xi32> to vector<16x1xi32>
      %gather3A_713 = vector.shape_cast %broadcast_in_dim3A_712 : vector<16x1xi32> to vector<16xi32>
      %gather3A_714 = tpu.dynamic_gather %get3A_304[%gather3A_713] in [0] : vector<16xf32>, vector<16xi32> -> vector<16xf32>
      %swap3A_715 = arith.index_cast %mul3A_690 : i32 to index
      %swap3A_716 = tpu.vector_load %arg20[%swap3A_715] {strides = array<i32>} : memref<2048xf32, #tpu.memory_space<vmem>>, vector<16xf32>,
      %swap3A_717 = vector.shape_cast %swap3A_716 : vector<16xf32> to vector<16xf32>
      %swap3A_718 = vector.shape_cast %gather3A_714 : vector<16xf32> to vector<16xf32>
      tpu.vector_store %arg20[%swap3A_715], %swap3A_718 {strides = array<i32>} : memref<2048xf32, #tpu.memory_space<vmem>>, vector<16xf32>,
      %add3A_719 = arith.constant 13 : i32
      %add3A_720 = arith.addi %mul3A_293, %add3A_719 : i32
      %mul3A_721 = arith.constant 16 : i32
      %mul3A_722 = arith.muli %add3A_720, %mul3A_721 : i32
      %broadcast_in_dim3A_723 = vector.shape_cast %add3A_204 : vector<16xi32> to vector<16x1xi32>
      %gather3A_724 = vector.shape_cast %broadcast_in_dim3A_723 : vector<16x1xi32> to vector<16xi32>
      %gather3A_725 = tpu.dynamic_gather %get3A_295[%gather3A_724] in [0] : vector<16xf32>, vector<16xi32> -> vector<16xf32>
      %swap3A_726 = arith.index_cast %mul3A_722 : i32 to index
      %swap3A_727 = tpu.vector_load %arg17[%swap3A_726] {strides = array<i32>} : memref<2048xf32, #tpu.memory_space<vmem>>, vector<16xf32>,
      %swap3A_728 = vector.shape_cast %swap3A_727 : vector<16xf32> to vector<16xf32>
      %swap3A_729 = vector.shape_cast %gather3A_725 : vector<16xf32> to vector<16xf32>
      tpu.vector_store %arg17[%swap3A_726], %swap3A_729 {strides = array<i32>} : memref<2048xf32, #tpu.memory_space<vmem>>, vector<16xf32>,
      %broadcast_in_dim3A_730 = vector.shape_cast %add3A_204 : vector<16xi32> to vector<16x1xi32>
      %gather3A_731 = vector.shape_cast %broadcast_in_dim3A_730 : vector<16x1xi32> to vector<16xi32>
      %gather3A_732 = tpu.dynamic_gather %get3A_298[%gather3A_731] in [0] : vector<16xf32>, vector<16xi32> -> vector<16xf32>
      %swap3A_733 = arith.index_cast %mul3A_722 : i32 to index
      %swap3A_734 = tpu.vector_load %arg18[%swap3A_733] {strides = array<i32>} : memref<2048xf32, #tpu.memory_space<vmem>>, vector<16xf32>,
      %swap3A_735 = vector.shape_cast %swap3A_734 : vector<16xf32> to vector<16xf32>
      %swap3A_736 = vector.shape_cast %gather3A_732 : vector<16xf32> to vector<16xf32>
      tpu.vector_store %arg18[%swap3A_733], %swap3A_736 {strides = array<i32>} : memref<2048xf32, #tpu.memory_space<vmem>>, vector<16xf32>,
      %broadcast_in_dim3A_737 = vector.shape_cast %add3A_204 : vector<16xi32> to vector<16x1xi32>
      %gather3A_738 = vector.shape_cast %broadcast_in_dim3A_737 : vector<16x1xi32> to vector<16xi32>
      %gather3A_739 = tpu.dynamic_gather %get3A_301[%gather3A_738] in [0] : vector<16xf32>, vector<16xi32> -> vector<16xf32>
      %swap3A_740 = arith.index_cast %mul3A_722 : i32 to index
      %swap3A_741 = tpu.vector_load %arg19[%swap3A_740] {strides = array<i32>} : memref<2048xf32, #tpu.memory_space<vmem>>, vector<16xf32>,
      %swap3A_742 = vector.shape_cast %swap3A_741 : vector<16xf32> to vector<16xf32>
      %swap3A_743 = vector.shape_cast %gather3A_739 : vector<16xf32> to vector<16xf32>
      tpu.vector_store %arg19[%swap3A_740], %swap3A_743 {strides = array<i32>} : memref<2048xf32, #tpu.memory_space<vmem>>, vector<16xf32>,
      %broadcast_in_dim3A_744 = vector.shape_cast %add3A_204 : vector<16xi32> to vector<16x1xi32>
      %gather3A_745 = vector.shape_cast %broadcast_in_dim3A_744 : vector<16x1xi32> to vector<16xi32>
      %gather3A_746 = tpu.dynamic_gather %get3A_304[%gather3A_745] in [0] : vector<16xf32>, vector<16xi32> -> vector<16xf32>
      %swap3A_747 = arith.index_cast %mul3A_722 : i32 to index
      %swap3A_748 = tpu.vector_load %arg20[%swap3A_747] {strides = array<i32>} : memref<2048xf32, #tpu.memory_space<vmem>>, vector<16xf32>,
      %swap3A_749 = vector.shape_cast %swap3A_748 : vector<16xf32> to vector<16xf32>
      %swap3A_750 = vector.shape_cast %gather3A_746 : vector<16xf32> to vector<16xf32>
      tpu.vector_store %arg20[%swap3A_747], %swap3A_750 {strides = array<i32>} : memref<2048xf32, #tpu.memory_space<vmem>>, vector<16xf32>,
      %add3A_751 = arith.constant 14 : i32
      %add3A_752 = arith.addi %mul3A_293, %add3A_751 : i32
      %mul3A_753 = arith.constant 16 : i32
      %mul3A_754 = arith.muli %add3A_752, %mul3A_753 : i32
      %broadcast_in_dim3A_755 = vector.shape_cast %add3A_210 : vector<16xi32> to vector<16x1xi32>
      %gather3A_756 = vector.shape_cast %broadcast_in_dim3A_755 : vector<16x1xi32> to vector<16xi32>
      %gather3A_757 = tpu.dynamic_gather %get3A_295[%gather3A_756] in [0] : vector<16xf32>, vector<16xi32> -> vector<16xf32>
      %swap3A_758 = arith.index_cast %mul3A_754 : i32 to index
      %swap3A_759 = tpu.vector_load %arg17[%swap3A_758] {strides = array<i32>} : memref<2048xf32, #tpu.memory_space<vmem>>, vector<16xf32>,
      %swap3A_760 = vector.shape_cast %swap3A_759 : vector<16xf32> to vector<16xf32>
      %swap3A_761 = vector.shape_cast %gather3A_757 : vector<16xf32> to vector<16xf32>
      tpu.vector_store %arg17[%swap3A_758], %swap3A_761 {strides = array<i32>} : memref<2048xf32, #tpu.memory_space<vmem>>, vector<16xf32>,
      %broadcast_in_dim3A_762 = vector.shape_cast %add3A_210 : vector<16xi32> to vector<16x1xi32>
      %gather3A_763 = vector.shape_cast %broadcast_in_dim3A_762 : vector<16x1xi32> to vector<16xi32>
      %gather3A_764 = tpu.dynamic_gather %get3A_298[%gather3A_763] in [0] : vector<16xf32>, vector<16xi32> -> vector<16xf32>
      %swap3A_765 = arith.index_cast %mul3A_754 : i32 to index
      %swap3A_766 = tpu.vector_load %arg18[%swap3A_765] {strides = array<i32>} : memref<2048xf32, #tpu.memory_space<vmem>>, vector<16xf32>,
      %swap3A_767 = vector.shape_cast %swap3A_766 : vector<16xf32> to vector<16xf32>
      %swap3A_768 = vector.shape_cast %gather3A_764 : vector<16xf32> to vector<16xf32>
      tpu.vector_store %arg18[%swap3A_765], %swap3A_768 {strides = array<i32>} : memref<2048xf32, #tpu.memory_space<vmem>>, vector<16xf32>,
      %broadcast_in_dim3A_769 = vector.shape_cast %add3A_210 : vector<16xi32> to vector<16x1xi32>
      %gather3A_770 = vector.shape_cast %broadcast_in_dim3A_769 : vector<16x1xi32> to vector<16xi32>
      %gather3A_771 = tpu.dynamic_gather %get3A_301[%gather3A_770] in [0] : vector<16xf32>, vector<16xi32> -> vector<16xf32>
      %swap3A_772 = arith.index_cast %mul3A_754 : i32 to index
      %swap3A_773 = tpu.vector_load %arg19[%swap3A_772] {strides = array<i32>} : memref<2048xf32, #tpu.memory_space<vmem>>, vector<16xf32>,
      %swap3A_774 = vector.shape_cast %swap3A_773 : vector<16xf32> to vector<16xf32>
      %swap3A_775 = vector.shape_cast %gather3A_771 : vector<16xf32> to vector<16xf32>
      tpu.vector_store %arg19[%swap3A_772], %swap3A_775 {strides = array<i32>} : memref<2048xf32, #tpu.memory_space<vmem>>, vector<16xf32>,
      %broadcast_in_dim3A_776 = vector.shape_cast %add3A_210 : vector<16xi32> to vector<16x1xi32>
      %gather3A_777 = vector.shape_cast %broadcast_in_dim3A_776 : vector<16x1xi32> to vector<16xi32>
      %gather3A_778 = tpu.dynamic_gather %get3A_304[%gather3A_777] in [0] : vector<16xf32>, vector<16xi32> -> vector<16xf32>
      %swap3A_779 = arith.index_cast %mul3A_754 : i32 to index
      %swap3A_780 = tpu.vector_load %arg20[%swap3A_779] {strides = array<i32>} : memref<2048xf32, #tpu.memory_space<vmem>>, vector<16xf32>,
      %swap3A_781 = vector.shape_cast %swap3A_780 : vector<16xf32> to vector<16xf32>
      %swap3A_782 = vector.shape_cast %gather3A_778 : vector<16xf32> to vector<16xf32>
      tpu.vector_store %arg20[%swap3A_779], %swap3A_782 {strides = array<i32>} : memref<2048xf32, #tpu.memory_space<vmem>>, vector<16xf32>,
      %add3A_783 = arith.constant 15 : i32
      %add3A_784 = arith.addi %mul3A_293, %add3A_783 : i32
      %mul3A_785 = arith.constant 16 : i32
      %mul3A_786 = arith.muli %add3A_784, %mul3A_785 : i32
      %broadcast_in_dim3A_787 = vector.shape_cast %add3A_216 : vector<16xi32> to vector<16x1xi32>
      %gather3A_788 = vector.shape_cast %broadcast_in_dim3A_787 : vector<16x1xi32> to vector<16xi32>
      %gather3A_789 = tpu.dynamic_gather %get3A_295[%gather3A_788] in [0] : vector<16xf32>, vector<16xi32> -> vector<16xf32>
      %swap3A_790 = arith.index_cast %mul3A_786 : i32 to index
      %swap3A_791 = tpu.vector_load %arg17[%swap3A_790] {strides = array<i32>} : memref<2048xf32, #tpu.memory_space<vmem>>, vector<16xf32>,
      %swap3A_792 = vector.shape_cast %swap3A_791 : vector<16xf32> to vector<16xf32>
      %swap3A_793 = vector.shape_cast %gather3A_789 : vector<16xf32> to vector<16xf32>
      tpu.vector_store %arg17[%swap3A_790], %swap3A_793 {strides = array<i32>} : memref<2048xf32, #tpu.memory_space<vmem>>, vector<16xf32>,
      %broadcast_in_dim3A_794 = vector.shape_cast %add3A_216 : vector<16xi32> to vector<16x1xi32>
      %gather3A_795 = vector.shape_cast %broadcast_in_dim3A_794 : vector<16x1xi32> to vector<16xi32>
      %gather3A_796 = tpu.dynamic_gather %get3A_298[%gather3A_795] in [0] : vector<16xf32>, vector<16xi32> -> vector<16xf32>
      %swap3A_797 = arith.index_cast %mul3A_786 : i32 to index
      %swap3A_798 = tpu.vector_load %arg18[%swap3A_797] {strides = array<i32>} : memref<2048xf32, #tpu.memory_space<vmem>>, vector<16xf32>,
      %swap3A_799 = vector.shape_cast %swap3A_798 : vector<16xf32> to vector<16xf32>
      %swap3A_800 = vector.shape_cast %gather3A_796 : vector<16xf32> to vector<16xf32>
      tpu.vector_store %arg18[%swap3A_797], %swap3A_800 {strides = array<i32>} : memref<2048xf32, #tpu.memory_space<vmem>>, vector<16xf32>,
      %broadcast_in_dim3A_801 = vector.shape_cast %add3A_216 : vector<16xi32> to vector<16x1xi32>
      %gather3A_802 = vector.shape_cast %broadcast_in_dim3A_801 : vector<16x1xi32> to vector<16xi32>
      %gather3A_803 = tpu.dynamic_gather %get3A_301[%gather3A_802] in [0] : vector<16xf32>, vector<16xi32> -> vector<16xf32>
      %swap3A_804 = arith.index_cast %mul3A_786 : i32 to index
      %swap3A_805 = tpu.vector_load %arg19[%swap3A_804] {strides = array<i32>} : memref<2048xf32, #tpu.memory_space<vmem>>, vector<16xf32>,
      %swap3A_806 = vector.shape_cast %swap3A_805 : vector<16xf32> to vector<16xf32>
      %swap3A_807 = vector.shape_cast %gather3A_803 : vector<16xf32> to vector<16xf32>
      tpu.vector_store %arg19[%swap3A_804], %swap3A_807 {strides = array<i32>} : memref<2048xf32, #tpu.memory_space<vmem>>, vector<16xf32>,
      %broadcast_in_dim3A_808 = vector.shape_cast %add3A_216 : vector<16xi32> to vector<16x1xi32>
      %gather3A_809 = vector.shape_cast %broadcast_in_dim3A_808 : vector<16x1xi32> to vector<16xi32>
      %gather3A_810 = tpu.dynamic_gather %get3A_304[%gather3A_809] in [0] : vector<16xf32>, vector<16xi32> -> vector<16xf32>
      %swap3A_811 = arith.index_cast %mul3A_786 : i32 to index
      %swap3A_812 = tpu.vector_load %arg20[%swap3A_811] {strides = array<i32>} : memref<2048xf32, #tpu.memory_space<vmem>>, vector<16xf32>,
      %swap3A_813 = vector.shape_cast %swap3A_812 : vector<16xf32> to vector<16xf32>
      %swap3A_814 = vector.shape_cast %gather3A_810 : vector<16xf32> to vector<16xf32>
      tpu.vector_store %arg20[%swap3A_811], %swap3A_814 {strides = array<i32>} : memref<2048xf32, #tpu.memory_space<vmem>>, vector<16xf32>,
    }
    %scan3A_222 = arith.constant 8 : i32
    %scan3A_223 = arith.constant 0 : i32
    %scan3A_224 = arith.constant 0 : i32
    %scan3A_225 = arith.constant 8 : i32
    %scan3A_226 = arith.addi %scan3A_224, %scan3A_225 : i32
    %scan3A_227 = arith.constant 1 : i32
    scf.for %scan3A_291 = %scan3A_224 to %scan3A_226 step %scan3A_227  : i32 {
      %mul3A_292 = arith.constant 16 : i32
      %mul3A_293 = arith.muli %scan3A_291, %mul3A_292 : i32
      %get3A = arith.index_cast %mul3A_293 : i32 to index
      %get3A_294 = tpu.vector_load %arg13[%get3A] {strides = array<i32>} : memref<128xf32, #tpu.memory_space<vmem>>, vector<16xf32>,
      %get3A_295 = vector.shape_cast %get3A_294 : vector<16xf32> to vector<16xf32>
      %scan3A_296 = arith.constant 0 : i32
      %scan3A_297 = arith.constant 64 : i32
      %scan3A_298 = arith.addi %scan3A_296, %scan3A_297 : i32
      %scan3A_299 = arith.constant 1 : i32
      %scan3A_300:16 = scf.for %scan3A_441 = %scan3A_296 to %scan3A_298 step %scan3A_299 iter_args(%scan3A_442 = %broadcast_in_dim3A_49, %scan3A_443 = %broadcast_in_dim3A_49, %scan3A_444 = %broadcast_in_dim3A_49, %scan3A_445 = %broadcast_in_dim3A_49, %scan3A_446 = %broadcast_in_dim3A_49, %scan3A_447 = %broadcast_in_dim3A_49, %scan3A_448 = %broadcast_in_dim3A_49, %scan3A_449 = %broadcast_in_dim3A_49, %scan3A_450 = %broadcast_in_dim3A_49, %scan3A_451 = %broadcast_in_dim3A_49, %scan3A_452 = %broadcast_in_dim3A_49, %scan3A_453 = %broadcast_in_dim3A_49, %scan3A_454 = %broadcast_in_dim3A_49, %scan3A_455 = %broadcast_in_dim3A_49, %scan3A_456 = %broadcast_in_dim3A_49, %scan3A_457 = %broadcast_in_dim3A_49) -> (vector<16xf32>, vector<16xf32>, vector<16xf32>, vector<16xf32>, vector<16xf32>, vector<16xf32>, vector<16xf32>, vector<16xf32>, vector<16xf32>, vector<16xf32>, vector<16xf32>, vector<16xf32>, vector<16xf32>, vector<16xf32>, vector<16xf32>, vector<16xf32>)  : i32 {
        %mul3A_458 = arith.constant 64 : i32
        %mul3A_459 = arith.muli %scan3A_441, %mul3A_458 : i32
        %add3A_460 = arith.constant 0 : i32
        %add3A_461 = arith.addi %mul3A_459, %add3A_460 : i32
        %get3A_462 = arith.index_cast %add3A_461 : i32 to index
        %get3A_463 = tpu.vector_load %arg6[%get3A_462] {strides = array<i32>} : memref<4096xf32, #tpu.memory_space<vmem>>, vector<16xf32>,
        %get3A_464 = vector.shape_cast %get3A_463 : vector<16xf32> to vector<16xf32>
        %add3A_465 = arith.constant 16 : i32
        %add3A_466 = arith.addi %mul3A_459, %add3A_465 : i32
        %get3A_467 = arith.index_cast %add3A_466 : i32 to index
        %get3A_468 = tpu.vector_load %arg6[%get3A_467] {strides = array<i32>} : memref<4096xf32, #tpu.memory_space<vmem>>, vector<16xf32>,
        %get3A_469 = vector.shape_cast %get3A_468 : vector<16xf32> to vector<16xf32>
        %add3A_470 = arith.constant 32 : i32
        %add3A_471 = arith.addi %mul3A_459, %add3A_470 : i32
        %get3A_472 = arith.index_cast %add3A_471 : i32 to index
        %get3A_473 = tpu.vector_load %arg6[%get3A_472] {strides = array<i32>} : memref<4096xf32, #tpu.memory_space<vmem>>, vector<16xf32>,
        %get3A_474 = vector.shape_cast %get3A_473 : vector<16xf32> to vector<16xf32>
        %add3A_475 = arith.constant 48 : i32
        %add3A_476 = arith.addi %mul3A_459, %add3A_475 : i32
        %get3A_477 = arith.index_cast %add3A_476 : i32 to index
        %get3A_478 = tpu.vector_load %arg6[%get3A_477] {strides = array<i32>} : memref<4096xf32, #tpu.memory_space<vmem>>, vector<16xf32>,
        %get3A_479 = vector.shape_cast %get3A_478 : vector<16xf32> to vector<16xf32>
        %add3A_480 = arith.constant 0 : i32
        %add3A_481 = arith.addi %mul3A_459, %add3A_480 : i32
        %get3A_482 = arith.index_cast %add3A_481 : i32 to index
        %get3A_483 = tpu.vector_load %arg7[%get3A_482] {strides = array<i32>} : memref<4096xf32, #tpu.memory_space<vmem>>, vector<16xf32>,
        %get3A_484 = vector.shape_cast %get3A_483 : vector<16xf32> to vector<16xf32>
        %add3A_485 = arith.constant 16 : i32
        %add3A_486 = arith.addi %mul3A_459, %add3A_485 : i32
        %get3A_487 = arith.index_cast %add3A_486 : i32 to index
        %get3A_488 = tpu.vector_load %arg7[%get3A_487] {strides = array<i32>} : memref<4096xf32, #tpu.memory_space<vmem>>, vector<16xf32>,
        %get3A_489 = vector.shape_cast %get3A_488 : vector<16xf32> to vector<16xf32>
        %add3A_490 = arith.constant 32 : i32
        %add3A_491 = arith.addi %mul3A_459, %add3A_490 : i32
        %get3A_492 = arith.index_cast %add3A_491 : i32 to index
        %get3A_493 = tpu.vector_load %arg7[%get3A_492] {strides = array<i32>} : memref<4096xf32, #tpu.memory_space<vmem>>, vector<16xf32>,
        %get3A_494 = vector.shape_cast %get3A_493 : vector<16xf32> to vector<16xf32>
        %add3A_495 = arith.constant 48 : i32
        %add3A_496 = arith.addi %mul3A_459, %add3A_495 : i32
        %get3A_497 = arith.index_cast %add3A_496 : i32 to index
        %get3A_498 = tpu.vector_load %arg7[%get3A_497] {strides = array<i32>} : memref<4096xf32, #tpu.memory_space<vmem>>, vector<16xf32>,
        %get3A_499 = vector.shape_cast %get3A_498 : vector<16xf32> to vector<16xf32>
        %add3A_500 = arith.constant 0 : i32
        %add3A_501 = arith.addi %mul3A_459, %add3A_500 : i32
        %get3A_502 = arith.index_cast %add3A_501 : i32 to index
        %get3A_503 = tpu.vector_load %arg8[%get3A_502] {strides = array<i32>} : memref<4096xf32, #tpu.memory_space<vmem>>, vector<16xf32>,
        %get3A_504 = vector.shape_cast %get3A_503 : vector<16xf32> to vector<16xf32>
        %add3A_505 = arith.constant 16 : i32
        %add3A_506 = arith.addi %mul3A_459, %add3A_505 : i32
        %get3A_507 = arith.index_cast %add3A_506 : i32 to index
        %get3A_508 = tpu.vector_load %arg8[%get3A_507] {strides = array<i32>} : memref<4096xf32, #tpu.memory_space<vmem>>, vector<16xf32>,
        %get3A_509 = vector.shape_cast %get3A_508 : vector<16xf32> to vector<16xf32>
        %add3A_510 = arith.constant 32 : i32
        %add3A_511 = arith.addi %mul3A_459, %add3A_510 : i32
        %get3A_512 = arith.index_cast %add3A_511 : i32 to index
        %get3A_513 = tpu.vector_load %arg8[%get3A_512] {strides = array<i32>} : memref<4096xf32, #tpu.memory_space<vmem>>, vector<16xf32>,
        %get3A_514 = vector.shape_cast %get3A_513 : vector<16xf32> to vector<16xf32>
        %add3A_515 = arith.constant 48 : i32
        %add3A_516 = arith.addi %mul3A_459, %add3A_515 : i32
        %get3A_517 = arith.index_cast %add3A_516 : i32 to index
        %get3A_518 = tpu.vector_load %arg8[%get3A_517] {strides = array<i32>} : memref<4096xf32, #tpu.memory_space<vmem>>, vector<16xf32>,
        %get3A_519 = vector.shape_cast %get3A_518 : vector<16xf32> to vector<16xf32>
        %add3A_520 = arith.constant 0 : i32
        %add3A_521 = arith.addi %mul3A_459, %add3A_520 : i32
        %get3A_522 = arith.index_cast %add3A_521 : i32 to index
        %get3A_523 = tpu.vector_load %arg9[%get3A_522] {strides = array<i32>} : memref<4096xf32, #tpu.memory_space<vmem>>, vector<16xf32>,
        %get3A_524 = vector.shape_cast %get3A_523 : vector<16xf32> to vector<16xf32>
        %add3A_525 = arith.constant 16 : i32
        %add3A_526 = arith.addi %mul3A_459, %add3A_525 : i32
        %get3A_527 = arith.index_cast %add3A_526 : i32 to index
        %get3A_528 = tpu.vector_load %arg9[%get3A_527] {strides = array<i32>} : memref<4096xf32, #tpu.memory_space<vmem>>, vector<16xf32>,
        %get3A_529 = vector.shape_cast %get3A_528 : vector<16xf32> to vector<16xf32>
        %add3A_530 = arith.constant 32 : i32
        %add3A_531 = arith.addi %mul3A_459, %add3A_530 : i32
        %get3A_532 = arith.index_cast %add3A_531 : i32 to index
        %get3A_533 = tpu.vector_load %arg9[%get3A_532] {strides = array<i32>} : memref<4096xf32, #tpu.memory_space<vmem>>, vector<16xf32>,
        %get3A_534 = vector.shape_cast %get3A_533 : vector<16xf32> to vector<16xf32>
        %add3A_535 = arith.constant 48 : i32
        %add3A_536 = arith.addi %mul3A_459, %add3A_535 : i32
        %get3A_537 = arith.index_cast %add3A_536 : i32 to index
        %get3A_538 = tpu.vector_load %arg9[%get3A_537] {strides = array<i32>} : memref<4096xf32, #tpu.memory_space<vmem>>, vector<16xf32>,
        %get3A_539 = vector.shape_cast %get3A_538 : vector<16xf32> to vector<16xf32>
        %add3A_540 = arith.constant 0 : i32
        %add3A_541 = arith.addi %mul3A_459, %add3A_540 : i32
        %get3A_542 = arith.index_cast %add3A_541 : i32 to index
        %get3A_543 = tpu.vector_load %arg15[%get3A_542] {strides = array<i32>} : memref<4096xf32, #tpu.memory_space<vmem>>, vector<16xf32>,
        %get3A_544 = vector.shape_cast %get3A_543 : vector<16xf32> to vector<16xf32>
        %add3A_545 = arith.constant 16 : i32
        %add3A_546 = arith.addi %mul3A_459, %add3A_545 : i32
        %get3A_547 = arith.index_cast %add3A_546 : i32 to index
        %get3A_548 = tpu.vector_load %arg15[%get3A_547] {strides = array<i32>} : memref<4096xf32, #tpu.memory_space<vmem>>, vector<16xf32>,
        %get3A_549 = vector.shape_cast %get3A_548 : vector<16xf32> to vector<16xf32>
        %add3A_550 = arith.constant 32 : i32
        %add3A_551 = arith.addi %mul3A_459, %add3A_550 : i32
        %get3A_552 = arith.index_cast %add3A_551 : i32 to index
        %get3A_553 = tpu.vector_load %arg15[%get3A_552] {strides = array<i32>} : memref<4096xf32, #tpu.memory_space<vmem>>, vector<16xf32>,
        %get3A_554 = vector.shape_cast %get3A_553 : vector<16xf32> to vector<16xf32>
        %add3A_555 = arith.constant 48 : i32
        %add3A_556 = arith.addi %mul3A_459, %add3A_555 : i32
        %get3A_557 = arith.index_cast %add3A_556 : i32 to index
        %get3A_558 = tpu.vector_load %arg15[%get3A_557] {strides = array<i32>} : memref<4096xf32, #tpu.memory_space<vmem>>, vector<16xf32>,
        %get3A_559 = vector.shape_cast %get3A_558 : vector<16xf32> to vector<16xf32>
        %add3A_560 = arith.constant 0 : i32
        %add3A_561 = arith.addi %mul3A_293, %add3A_560 : i32
        %mul3A_562 = arith.constant 16 : i32
        %mul3A_563 = arith.muli %add3A_561, %mul3A_562 : i32
        %get3A_564 = arith.index_cast %mul3A_563 : i32 to index
        %get3A_565 = tpu.vector_load %arg17[%get3A_564] {strides = array<i32>} : memref<2048xf32, #tpu.memory_space<vmem>>, vector<16xf32>,
        %get3A_566 = vector.shape_cast %get3A_565 : vector<16xf32> to vector<16xf32>
        %get3A_567 = arith.index_cast %mul3A_563 : i32 to index
        %get3A_568 = tpu.vector_load %arg18[%get3A_567] {strides = array<i32>} : memref<2048xf32, #tpu.memory_space<vmem>>, vector<16xf32>,
        %get3A_569 = vector.shape_cast %get3A_568 : vector<16xf32> to vector<16xf32>
        %get3A_570 = arith.index_cast %mul3A_563 : i32 to index
        %get3A_571 = tpu.vector_load %arg19[%get3A_570] {strides = array<i32>} : memref<2048xf32, #tpu.memory_space<vmem>>, vector<16xf32>,
        %get3A_572 = vector.shape_cast %get3A_571 : vector<16xf32> to vector<16xf32>
        %get3A_573 = arith.index_cast %mul3A_563 : i32 to index
        %get3A_574 = tpu.vector_load %arg20[%get3A_573] {strides = array<i32>} : memref<2048xf32, #tpu.memory_space<vmem>>, vector<16xf32>,
        %get3A_575 = vector.shape_cast %get3A_574 : vector<16xf32> to vector<16xf32>
        %mul3A_576 = arith.mulf %get3A_464, %get3A_566 : vector<16xf32>
        %mul3A_577 = arith.mulf %get3A_484, %get3A_569 : vector<16xf32>
        %add3A_578 = arith.addf %mul3A_576, %mul3A_577 : vector<16xf32>
        %mul3A_579 = arith.mulf %get3A_504, %get3A_572 : vector<16xf32>
        %add3A_580 = arith.addf %add3A_578, %mul3A_579 : vector<16xf32>
        %add3A_581 = arith.addf %add3A_580, %get3A_524 : vector<16xf32>
        %min3A_582 = arith.minimumf %scan3A_442, %add3A_581 : vector<16xf32>
        %add3A_583 = arith.addf %add3A_580, %get3A_575 : vector<16xf32>
        %min3A_584 = arith.minimumf %get3A_544, %add3A_583 : vector<16xf32>
        %mul3A_585 = arith.mulf %get3A_469, %get3A_566 : vector<16xf32>
        %mul3A_586 = arith.mulf %get3A_489, %get3A_569 : vector<16xf32>
        %add3A_587 = arith.addf %mul3A_585, %mul3A_586 : vector<16xf32>
        %mul3A_588 = arith.mulf %get3A_509, %get3A_572 : vector<16xf32>
        %add3A_589 = arith.addf %add3A_587, %mul3A_588 : vector<16xf32>
        %add3A_590 = arith.addf %add3A_589, %get3A_529 : vector<16xf32>
        %min3A_591 = arith.minimumf %min3A_582, %add3A_590 : vector<16xf32>
        %add3A_592 = arith.addf %add3A_589, %get3A_575 : vector<16xf32>
        %min3A_593 = arith.minimumf %get3A_549, %add3A_592 : vector<16xf32>
        %mul3A_594 = arith.mulf %get3A_474, %get3A_566 : vector<16xf32>
        %mul3A_595 = arith.mulf %get3A_494, %get3A_569 : vector<16xf32>
        %add3A_596 = arith.addf %mul3A_594, %mul3A_595 : vector<16xf32>
        %mul3A_597 = arith.mulf %get3A_514, %get3A_572 : vector<16xf32>
        %add3A_598 = arith.addf %add3A_596, %mul3A_597 : vector<16xf32>
        %add3A_599 = arith.addf %add3A_598, %get3A_534 : vector<16xf32>
        %min3A_600 = arith.minimumf %min3A_591, %add3A_599 : vector<16xf32>
        %add3A_601 = arith.addf %add3A_598, %get3A_575 : vector<16xf32>
        %min3A_602 = arith.minimumf %get3A_554, %add3A_601 : vector<16xf32>
        %mul3A_603 = arith.mulf %get3A_479, %get3A_566 : vector<16xf32>
        %mul3A_604 = arith.mulf %get3A_499, %get3A_569 : vector<16xf32>
        %add3A_605 = arith.addf %mul3A_603, %mul3A_604 : vector<16xf32>
        %mul3A_606 = arith.mulf %get3A_519, %get3A_572 : vector<16xf32>
        %add3A_607 = arith.addf %add3A_605, %mul3A_606 : vector<16xf32>
        %add3A_608 = arith.addf %add3A_607, %get3A_539 : vector<16xf32>
        %min3A_609 = arith.minimumf %min3A_600, %add3A_608 : vector<16xf32>
        %add3A_610 = arith.addf %add3A_607, %get3A_575 : vector<16xf32>
        %min3A_611 = arith.minimumf %get3A_559, %add3A_610 : vector<16xf32>
        %add3A_612 = arith.constant 1 : i32
        %add3A_613 = arith.addi %mul3A_293, %add3A_612 : i32
        %mul3A_614 = arith.constant 16 : i32
        %mul3A_615 = arith.muli %add3A_613, %mul3A_614 : i32
        %get3A_616 = arith.index_cast %mul3A_615 : i32 to index
        %get3A_617 = tpu.vector_load %arg17[%get3A_616] {strides = array<i32>} : memref<2048xf32, #tpu.memory_space<vmem>>, vector<16xf32>,
        %get3A_618 = vector.shape_cast %get3A_617 : vector<16xf32> to vector<16xf32>
        %get3A_619 = arith.index_cast %mul3A_615 : i32 to index
        %get3A_620 = tpu.vector_load %arg18[%get3A_619] {strides = array<i32>} : memref<2048xf32, #tpu.memory_space<vmem>>, vector<16xf32>,
        %get3A_621 = vector.shape_cast %get3A_620 : vector<16xf32> to vector<16xf32>
        %get3A_622 = arith.index_cast %mul3A_615 : i32 to index
        %get3A_623 = tpu.vector_load %arg19[%get3A_622] {strides = array<i32>} : memref<2048xf32, #tpu.memory_space<vmem>>, vector<16xf32>,
        %get3A_624 = vector.shape_cast %get3A_623 : vector<16xf32> to vector<16xf32>
        %get3A_625 = arith.index_cast %mul3A_615 : i32 to index
        %get3A_626 = tpu.vector_load %arg20[%get3A_625] {strides = array<i32>} : memref<2048xf32, #tpu.memory_space<vmem>>, vector<16xf32>,
        %get3A_627 = vector.shape_cast %get3A_626 : vector<16xf32> to vector<16xf32>
        %mul3A_628 = arith.mulf %get3A_464, %get3A_618 : vector<16xf32>
        %mul3A_629 = arith.mulf %get3A_484, %get3A_621 : vector<16xf32>
        %add3A_630 = arith.addf %mul3A_628, %mul3A_629 : vector<16xf32>
        %mul3A_631 = arith.mulf %get3A_504, %get3A_624 : vector<16xf32>
        %add3A_632 = arith.addf %add3A_630, %mul3A_631 : vector<16xf32>
        %add3A_633 = arith.addf %add3A_632, %get3A_524 : vector<16xf32>
        %min3A_634 = arith.minimumf %scan3A_443, %add3A_633 : vector<16xf32>
        %add3A_635 = arith.addf %add3A_632, %get3A_627 : vector<16xf32>
        %min3A_636 = arith.minimumf %min3A_584, %add3A_635 : vector<16xf32>
        %mul3A_637 = arith.mulf %get3A_469, %get3A_618 : vector<16xf32>
        %mul3A_638 = arith.mulf %get3A_489, %get3A_621 : vector<16xf32>
        %add3A_639 = arith.addf %mul3A_637, %mul3A_638 : vector<16xf32>
        %mul3A_640 = arith.mulf %get3A_509, %get3A_624 : vector<16xf32>
        %add3A_641 = arith.addf %add3A_639, %mul3A_640 : vector<16xf32>
        %add3A_642 = arith.addf %add3A_641, %get3A_529 : vector<16xf32>
        %min3A_643 = arith.minimumf %min3A_634, %add3A_642 : vector<16xf32>
        %add3A_644 = arith.addf %add3A_641, %get3A_627 : vector<16xf32>
        %min3A_645 = arith.minimumf %min3A_593, %add3A_644 : vector<16xf32>
        %mul3A_646 = arith.mulf %get3A_474, %get3A_618 : vector<16xf32>
        %mul3A_647 = arith.mulf %get3A_494, %get3A_621 : vector<16xf32>
        %add3A_648 = arith.addf %mul3A_646, %mul3A_647 : vector<16xf32>
        %mul3A_649 = arith.mulf %get3A_514, %get3A_624 : vector<16xf32>
        %add3A_650 = arith.addf %add3A_648, %mul3A_649 : vector<16xf32>
        %add3A_651 = arith.addf %add3A_650, %get3A_534 : vector<16xf32>
        %min3A_652 = arith.minimumf %min3A_643, %add3A_651 : vector<16xf32>
        %add3A_653 = arith.addf %add3A_650, %get3A_627 : vector<16xf32>
        %min3A_654 = arith.minimumf %min3A_602, %add3A_653 : vector<16xf32>
        %mul3A_655 = arith.mulf %get3A_479, %get3A_618 : vector<16xf32>
        %mul3A_656 = arith.mulf %get3A_499, %get3A_621 : vector<16xf32>
        %add3A_657 = arith.addf %mul3A_655, %mul3A_656 : vector<16xf32>
        %mul3A_658 = arith.mulf %get3A_519, %get3A_624 : vector<16xf32>
        %add3A_659 = arith.addf %add3A_657, %mul3A_658 : vector<16xf32>
        %add3A_660 = arith.addf %add3A_659, %get3A_539 : vector<16xf32>
        %min3A_661 = arith.minimumf %min3A_652, %add3A_660 : vector<16xf32>
        %add3A_662 = arith.addf %add3A_659, %get3A_627 : vector<16xf32>
        %min3A_663 = arith.minimumf %min3A_611, %add3A_662 : vector<16xf32>
        %add3A_664 = arith.constant 2 : i32
        %add3A_665 = arith.addi %mul3A_293, %add3A_664 : i32
        %mul3A_666 = arith.constant 16 : i32
        %mul3A_667 = arith.muli %add3A_665, %mul3A_666 : i32
        %get3A_668 = arith.index_cast %mul3A_667 : i32 to index
        %get3A_669 = tpu.vector_load %arg17[%get3A_668] {strides = array<i32>} : memref<2048xf32, #tpu.memory_space<vmem>>, vector<16xf32>,
        %get3A_670 = vector.shape_cast %get3A_669 : vector<16xf32> to vector<16xf32>
        %get3A_671 = arith.index_cast %mul3A_667 : i32 to index
        %get3A_672 = tpu.vector_load %arg18[%get3A_671] {strides = array<i32>} : memref<2048xf32, #tpu.memory_space<vmem>>, vector<16xf32>,
        %get3A_673 = vector.shape_cast %get3A_672 : vector<16xf32> to vector<16xf32>
        %get3A_674 = arith.index_cast %mul3A_667 : i32 to index
        %get3A_675 = tpu.vector_load %arg19[%get3A_674] {strides = array<i32>} : memref<2048xf32, #tpu.memory_space<vmem>>, vector<16xf32>,
        %get3A_676 = vector.shape_cast %get3A_675 : vector<16xf32> to vector<16xf32>
        %get3A_677 = arith.index_cast %mul3A_667 : i32 to index
        %get3A_678 = tpu.vector_load %arg20[%get3A_677] {strides = array<i32>} : memref<2048xf32, #tpu.memory_space<vmem>>, vector<16xf32>,
        %get3A_679 = vector.shape_cast %get3A_678 : vector<16xf32> to vector<16xf32>
        %mul3A_680 = arith.mulf %get3A_464, %get3A_670 : vector<16xf32>
        %mul3A_681 = arith.mulf %get3A_484, %get3A_673 : vector<16xf32>
        %add3A_682 = arith.addf %mul3A_680, %mul3A_681 : vector<16xf32>
        %mul3A_683 = arith.mulf %get3A_504, %get3A_676 : vector<16xf32>
        %add3A_684 = arith.addf %add3A_682, %mul3A_683 : vector<16xf32>
        %add3A_685 = arith.addf %add3A_684, %get3A_524 : vector<16xf32>
        %min3A_686 = arith.minimumf %scan3A_444, %add3A_685 : vector<16xf32>
        %add3A_687 = arith.addf %add3A_684, %get3A_679 : vector<16xf32>
        %min3A_688 = arith.minimumf %min3A_636, %add3A_687 : vector<16xf32>
        %mul3A_689 = arith.mulf %get3A_469, %get3A_670 : vector<16xf32>
        %mul3A_690 = arith.mulf %get3A_489, %get3A_673 : vector<16xf32>
        %add3A_691 = arith.addf %mul3A_689, %mul3A_690 : vector<16xf32>
        %mul3A_692 = arith.mulf %get3A_509, %get3A_676 : vector<16xf32>
        %add3A_693 = arith.addf %add3A_691, %mul3A_692 : vector<16xf32>
        %add3A_694 = arith.addf %add3A_693, %get3A_529 : vector<16xf32>
        %min3A_695 = arith.minimumf %min3A_686, %add3A_694 : vector<16xf32>
        %add3A_696 = arith.addf %add3A_693, %get3A_679 : vector<16xf32>
        %min3A_697 = arith.minimumf %min3A_645, %add3A_696 : vector<16xf32>
        %mul3A_698 = arith.mulf %get3A_474, %get3A_670 : vector<16xf32>
        %mul3A_699 = arith.mulf %get3A_494, %get3A_673 : vector<16xf32>
        %add3A_700 = arith.addf %mul3A_698, %mul3A_699 : vector<16xf32>
        %mul3A_701 = arith.mulf %get3A_514, %get3A_676 : vector<16xf32>
        %add3A_702 = arith.addf %add3A_700, %mul3A_701 : vector<16xf32>
        %add3A_703 = arith.addf %add3A_702, %get3A_534 : vector<16xf32>
        %min3A_704 = arith.minimumf %min3A_695, %add3A_703 : vector<16xf32>
        %add3A_705 = arith.addf %add3A_702, %get3A_679 : vector<16xf32>
        %min3A_706 = arith.minimumf %min3A_654, %add3A_705 : vector<16xf32>
        %mul3A_707 = arith.mulf %get3A_479, %get3A_670 : vector<16xf32>
        %mul3A_708 = arith.mulf %get3A_499, %get3A_673 : vector<16xf32>
        %add3A_709 = arith.addf %mul3A_707, %mul3A_708 : vector<16xf32>
        %mul3A_710 = arith.mulf %get3A_519, %get3A_676 : vector<16xf32>
        %add3A_711 = arith.addf %add3A_709, %mul3A_710 : vector<16xf32>
        %add3A_712 = arith.addf %add3A_711, %get3A_539 : vector<16xf32>
        %min3A_713 = arith.minimumf %min3A_704, %add3A_712 : vector<16xf32>
        %add3A_714 = arith.addf %add3A_711, %get3A_679 : vector<16xf32>
        %min3A_715 = arith.minimumf %min3A_663, %add3A_714 : vector<16xf32>
        %add3A_716 = arith.constant 3 : i32
        %add3A_717 = arith.addi %mul3A_293, %add3A_716 : i32
        %mul3A_718 = arith.constant 16 : i32
        %mul3A_719 = arith.muli %add3A_717, %mul3A_718 : i32
        %get3A_720 = arith.index_cast %mul3A_719 : i32 to index
        %get3A_721 = tpu.vector_load %arg17[%get3A_720] {strides = array<i32>} : memref<2048xf32, #tpu.memory_space<vmem>>, vector<16xf32>,
        %get3A_722 = vector.shape_cast %get3A_721 : vector<16xf32> to vector<16xf32>
        %get3A_723 = arith.index_cast %mul3A_719 : i32 to index
        %get3A_724 = tpu.vector_load %arg18[%get3A_723] {strides = array<i32>} : memref<2048xf32, #tpu.memory_space<vmem>>, vector<16xf32>,
        %get3A_725 = vector.shape_cast %get3A_724 : vector<16xf32> to vector<16xf32>
        %get3A_726 = arith.index_cast %mul3A_719 : i32 to index
        %get3A_727 = tpu.vector_load %arg19[%get3A_726] {strides = array<i32>} : memref<2048xf32, #tpu.memory_space<vmem>>, vector<16xf32>,
        %get3A_728 = vector.shape_cast %get3A_727 : vector<16xf32> to vector<16xf32>
        %get3A_729 = arith.index_cast %mul3A_719 : i32 to index
        %get3A_730 = tpu.vector_load %arg20[%get3A_729] {strides = array<i32>} : memref<2048xf32, #tpu.memory_space<vmem>>, vector<16xf32>,
        %get3A_731 = vector.shape_cast %get3A_730 : vector<16xf32> to vector<16xf32>
        %mul3A_732 = arith.mulf %get3A_464, %get3A_722 : vector<16xf32>
        %mul3A_733 = arith.mulf %get3A_484, %get3A_725 : vector<16xf32>
        %add3A_734 = arith.addf %mul3A_732, %mul3A_733 : vector<16xf32>
        %mul3A_735 = arith.mulf %get3A_504, %get3A_728 : vector<16xf32>
        %add3A_736 = arith.addf %add3A_734, %mul3A_735 : vector<16xf32>
        %add3A_737 = arith.addf %add3A_736, %get3A_524 : vector<16xf32>
        %min3A_738 = arith.minimumf %scan3A_445, %add3A_737 : vector<16xf32>
        %add3A_739 = arith.addf %add3A_736, %get3A_731 : vector<16xf32>
        %min3A_740 = arith.minimumf %min3A_688, %add3A_739 : vector<16xf32>
        %mul3A_741 = arith.mulf %get3A_469, %get3A_722 : vector<16xf32>
        %mul3A_742 = arith.mulf %get3A_489, %get3A_725 : vector<16xf32>
        %add3A_743 = arith.addf %mul3A_741, %mul3A_742 : vector<16xf32>
        %mul3A_744 = arith.mulf %get3A_509, %get3A_728 : vector<16xf32>
        %add3A_745 = arith.addf %add3A_743, %mul3A_744 : vector<16xf32>
        %add3A_746 = arith.addf %add3A_745, %get3A_529 : vector<16xf32>
        %min3A_747 = arith.minimumf %min3A_738, %add3A_746 : vector<16xf32>
        %add3A_748 = arith.addf %add3A_745, %get3A_731 : vector<16xf32>
        %min3A_749 = arith.minimumf %min3A_697, %add3A_748 : vector<16xf32>
        %mul3A_750 = arith.mulf %get3A_474, %get3A_722 : vector<16xf32>
        %mul3A_751 = arith.mulf %get3A_494, %get3A_725 : vector<16xf32>
        %add3A_752 = arith.addf %mul3A_750, %mul3A_751 : vector<16xf32>
        %mul3A_753 = arith.mulf %get3A_514, %get3A_728 : vector<16xf32>
        %add3A_754 = arith.addf %add3A_752, %mul3A_753 : vector<16xf32>
        %add3A_755 = arith.addf %add3A_754, %get3A_534 : vector<16xf32>
        %min3A_756 = arith.minimumf %min3A_747, %add3A_755 : vector<16xf32>
        %add3A_757 = arith.addf %add3A_754, %get3A_731 : vector<16xf32>
        %min3A_758 = arith.minimumf %min3A_706, %add3A_757 : vector<16xf32>
        %mul3A_759 = arith.mulf %get3A_479, %get3A_722 : vector<16xf32>
        %mul3A_760 = arith.mulf %get3A_499, %get3A_725 : vector<16xf32>
        %add3A_761 = arith.addf %mul3A_759, %mul3A_760 : vector<16xf32>
        %mul3A_762 = arith.mulf %get3A_519, %get3A_728 : vector<16xf32>
        %add3A_763 = arith.addf %add3A_761, %mul3A_762 : vector<16xf32>
        %add3A_764 = arith.addf %add3A_763, %get3A_539 : vector<16xf32>
        %min3A_765 = arith.minimumf %min3A_756, %add3A_764 : vector<16xf32>
        %add3A_766 = arith.addf %add3A_763, %get3A_731 : vector<16xf32>
        %min3A_767 = arith.minimumf %min3A_715, %add3A_766 : vector<16xf32>
        %add3A_768 = arith.constant 4 : i32
        %add3A_769 = arith.addi %mul3A_293, %add3A_768 : i32
        %mul3A_770 = arith.constant 16 : i32
        %mul3A_771 = arith.muli %add3A_769, %mul3A_770 : i32
        %get3A_772 = arith.index_cast %mul3A_771 : i32 to index
        %get3A_773 = tpu.vector_load %arg17[%get3A_772] {strides = array<i32>} : memref<2048xf32, #tpu.memory_space<vmem>>, vector<16xf32>,
        %get3A_774 = vector.shape_cast %get3A_773 : vector<16xf32> to vector<16xf32>
        %get3A_775 = arith.index_cast %mul3A_771 : i32 to index
        %get3A_776 = tpu.vector_load %arg18[%get3A_775] {strides = array<i32>} : memref<2048xf32, #tpu.memory_space<vmem>>, vector<16xf32>,
        %get3A_777 = vector.shape_cast %get3A_776 : vector<16xf32> to vector<16xf32>
        %get3A_778 = arith.index_cast %mul3A_771 : i32 to index
        %get3A_779 = tpu.vector_load %arg19[%get3A_778] {strides = array<i32>} : memref<2048xf32, #tpu.memory_space<vmem>>, vector<16xf32>,
        %get3A_780 = vector.shape_cast %get3A_779 : vector<16xf32> to vector<16xf32>
        %get3A_781 = arith.index_cast %mul3A_771 : i32 to index
        %get3A_782 = tpu.vector_load %arg20[%get3A_781] {strides = array<i32>} : memref<2048xf32, #tpu.memory_space<vmem>>, vector<16xf32>,
        %get3A_783 = vector.shape_cast %get3A_782 : vector<16xf32> to vector<16xf32>
        %mul3A_784 = arith.mulf %get3A_464, %get3A_774 : vector<16xf32>
        %mul3A_785 = arith.mulf %get3A_484, %get3A_777 : vector<16xf32>
        %add3A_786 = arith.addf %mul3A_784, %mul3A_785 : vector<16xf32>
        %mul3A_787 = arith.mulf %get3A_504, %get3A_780 : vector<16xf32>
        %add3A_788 = arith.addf %add3A_786, %mul3A_787 : vector<16xf32>
        %add3A_789 = arith.addf %add3A_788, %get3A_524 : vector<16xf32>
        %min3A_790 = arith.minimumf %scan3A_446, %add3A_789 : vector<16xf32>
        %add3A_791 = arith.addf %add3A_788, %get3A_783 : vector<16xf32>
        %min3A_792 = arith.minimumf %min3A_740, %add3A_791 : vector<16xf32>
        %mul3A_793 = arith.mulf %get3A_469, %get3A_774 : vector<16xf32>
        %mul3A_794 = arith.mulf %get3A_489, %get3A_777 : vector<16xf32>
        %add3A_795 = arith.addf %mul3A_793, %mul3A_794 : vector<16xf32>
        %mul3A_796 = arith.mulf %get3A_509, %get3A_780 : vector<16xf32>
        %add3A_797 = arith.addf %add3A_795, %mul3A_796 : vector<16xf32>
        %add3A_798 = arith.addf %add3A_797, %get3A_529 : vector<16xf32>
        %min3A_799 = arith.minimumf %min3A_790, %add3A_798 : vector<16xf32>
        %add3A_800 = arith.addf %add3A_797, %get3A_783 : vector<16xf32>
        %min3A_801 = arith.minimumf %min3A_749, %add3A_800 : vector<16xf32>
        %mul3A_802 = arith.mulf %get3A_474, %get3A_774 : vector<16xf32>
        %mul3A_803 = arith.mulf %get3A_494, %get3A_777 : vector<16xf32>
        %add3A_804 = arith.addf %mul3A_802, %mul3A_803 : vector<16xf32>
        %mul3A_805 = arith.mulf %get3A_514, %get3A_780 : vector<16xf32>
        %add3A_806 = arith.addf %add3A_804, %mul3A_805 : vector<16xf32>
        %add3A_807 = arith.addf %add3A_806, %get3A_534 : vector<16xf32>
        %min3A_808 = arith.minimumf %min3A_799, %add3A_807 : vector<16xf32>
        %add3A_809 = arith.addf %add3A_806, %get3A_783 : vector<16xf32>
        %min3A_810 = arith.minimumf %min3A_758, %add3A_809 : vector<16xf32>
        %mul3A_811 = arith.mulf %get3A_479, %get3A_774 : vector<16xf32>
        %mul3A_812 = arith.mulf %get3A_499, %get3A_777 : vector<16xf32>
        %add3A_813 = arith.addf %mul3A_811, %mul3A_812 : vector<16xf32>
        %mul3A_814 = arith.mulf %get3A_519, %get3A_780 : vector<16xf32>
        %add3A_815 = arith.addf %add3A_813, %mul3A_814 : vector<16xf32>
        %add3A_816 = arith.addf %add3A_815, %get3A_539 : vector<16xf32>
        %min3A_817 = arith.minimumf %min3A_808, %add3A_816 : vector<16xf32>
        %add3A_818 = arith.addf %add3A_815, %get3A_783 : vector<16xf32>
        %min3A_819 = arith.minimumf %min3A_767, %add3A_818 : vector<16xf32>
        %add3A_820 = arith.constant 5 : i32
        %add3A_821 = arith.addi %mul3A_293, %add3A_820 : i32
        %mul3A_822 = arith.constant 16 : i32
        %mul3A_823 = arith.muli %add3A_821, %mul3A_822 : i32
        %get3A_824 = arith.index_cast %mul3A_823 : i32 to index
        %get3A_825 = tpu.vector_load %arg17[%get3A_824] {strides = array<i32>} : memref<2048xf32, #tpu.memory_space<vmem>>, vector<16xf32>,
        %get3A_826 = vector.shape_cast %get3A_825 : vector<16xf32> to vector<16xf32>
        %get3A_827 = arith.index_cast %mul3A_823 : i32 to index
        %get3A_828 = tpu.vector_load %arg18[%get3A_827] {strides = array<i32>} : memref<2048xf32, #tpu.memory_space<vmem>>, vector<16xf32>,
        %get3A_829 = vector.shape_cast %get3A_828 : vector<16xf32> to vector<16xf32>
        %get3A_830 = arith.index_cast %mul3A_823 : i32 to index
        %get3A_831 = tpu.vector_load %arg19[%get3A_830] {strides = array<i32>} : memref<2048xf32, #tpu.memory_space<vmem>>, vector<16xf32>,
        %get3A_832 = vector.shape_cast %get3A_831 : vector<16xf32> to vector<16xf32>
        %get3A_833 = arith.index_cast %mul3A_823 : i32 to index
        %get3A_834 = tpu.vector_load %arg20[%get3A_833] {strides = array<i32>} : memref<2048xf32, #tpu.memory_space<vmem>>, vector<16xf32>,
        %get3A_835 = vector.shape_cast %get3A_834 : vector<16xf32> to vector<16xf32>
        %mul3A_836 = arith.mulf %get3A_464, %get3A_826 : vector<16xf32>
        %mul3A_837 = arith.mulf %get3A_484, %get3A_829 : vector<16xf32>
        %add3A_838 = arith.addf %mul3A_836, %mul3A_837 : vector<16xf32>
        %mul3A_839 = arith.mulf %get3A_504, %get3A_832 : vector<16xf32>
        %add3A_840 = arith.addf %add3A_838, %mul3A_839 : vector<16xf32>
        %add3A_841 = arith.addf %add3A_840, %get3A_524 : vector<16xf32>
        %min3A_842 = arith.minimumf %scan3A_447, %add3A_841 : vector<16xf32>
        %add3A_843 = arith.addf %add3A_840, %get3A_835 : vector<16xf32>
        %min3A_844 = arith.minimumf %min3A_792, %add3A_843 : vector<16xf32>
        %mul3A_845 = arith.mulf %get3A_469, %get3A_826 : vector<16xf32>
        %mul3A_846 = arith.mulf %get3A_489, %get3A_829 : vector<16xf32>
        %add3A_847 = arith.addf %mul3A_845, %mul3A_846 : vector<16xf32>
        %mul3A_848 = arith.mulf %get3A_509, %get3A_832 : vector<16xf32>
        %add3A_849 = arith.addf %add3A_847, %mul3A_848 : vector<16xf32>
        %add3A_850 = arith.addf %add3A_849, %get3A_529 : vector<16xf32>
        %min3A_851 = arith.minimumf %min3A_842, %add3A_850 : vector<16xf32>
        %add3A_852 = arith.addf %add3A_849, %get3A_835 : vector<16xf32>
        %min3A_853 = arith.minimumf %min3A_801, %add3A_852 : vector<16xf32>
        %mul3A_854 = arith.mulf %get3A_474, %get3A_826 : vector<16xf32>
        %mul3A_855 = arith.mulf %get3A_494, %get3A_829 : vector<16xf32>
        %add3A_856 = arith.addf %mul3A_854, %mul3A_855 : vector<16xf32>
        %mul3A_857 = arith.mulf %get3A_514, %get3A_832 : vector<16xf32>
        %add3A_858 = arith.addf %add3A_856, %mul3A_857 : vector<16xf32>
        %add3A_859 = arith.addf %add3A_858, %get3A_534 : vector<16xf32>
        %min3A_860 = arith.minimumf %min3A_851, %add3A_859 : vector<16xf32>
        %add3A_861 = arith.addf %add3A_858, %get3A_835 : vector<16xf32>
        %min3A_862 = arith.minimumf %min3A_810, %add3A_861 : vector<16xf32>
        %mul3A_863 = arith.mulf %get3A_479, %get3A_826 : vector<16xf32>
        %mul3A_864 = arith.mulf %get3A_499, %get3A_829 : vector<16xf32>
        %add3A_865 = arith.addf %mul3A_863, %mul3A_864 : vector<16xf32>
        %mul3A_866 = arith.mulf %get3A_519, %get3A_832 : vector<16xf32>
        %add3A_867 = arith.addf %add3A_865, %mul3A_866 : vector<16xf32>
        %add3A_868 = arith.addf %add3A_867, %get3A_539 : vector<16xf32>
        %min3A_869 = arith.minimumf %min3A_860, %add3A_868 : vector<16xf32>
        %add3A_870 = arith.addf %add3A_867, %get3A_835 : vector<16xf32>
        %min3A_871 = arith.minimumf %min3A_819, %add3A_870 : vector<16xf32>
        %add3A_872 = arith.constant 6 : i32
        %add3A_873 = arith.addi %mul3A_293, %add3A_872 : i32
        %mul3A_874 = arith.constant 16 : i32
        %mul3A_875 = arith.muli %add3A_873, %mul3A_874 : i32
        %get3A_876 = arith.index_cast %mul3A_875 : i32 to index
        %get3A_877 = tpu.vector_load %arg17[%get3A_876] {strides = array<i32>} : memref<2048xf32, #tpu.memory_space<vmem>>, vector<16xf32>,
        %get3A_878 = vector.shape_cast %get3A_877 : vector<16xf32> to vector<16xf32>
        %get3A_879 = arith.index_cast %mul3A_875 : i32 to index
        %get3A_880 = tpu.vector_load %arg18[%get3A_879] {strides = array<i32>} : memref<2048xf32, #tpu.memory_space<vmem>>, vector<16xf32>,
        %get3A_881 = vector.shape_cast %get3A_880 : vector<16xf32> to vector<16xf32>
        %get3A_882 = arith.index_cast %mul3A_875 : i32 to index
        %get3A_883 = tpu.vector_load %arg19[%get3A_882] {strides = array<i32>} : memref<2048xf32, #tpu.memory_space<vmem>>, vector<16xf32>,
        %get3A_884 = vector.shape_cast %get3A_883 : vector<16xf32> to vector<16xf32>
        %get3A_885 = arith.index_cast %mul3A_875 : i32 to index
        %get3A_886 = tpu.vector_load %arg20[%get3A_885] {strides = array<i32>} : memref<2048xf32, #tpu.memory_space<vmem>>, vector<16xf32>,
        %get3A_887 = vector.shape_cast %get3A_886 : vector<16xf32> to vector<16xf32>
        %mul3A_888 = arith.mulf %get3A_464, %get3A_878 : vector<16xf32>
        %mul3A_889 = arith.mulf %get3A_484, %get3A_881 : vector<16xf32>
        %add3A_890 = arith.addf %mul3A_888, %mul3A_889 : vector<16xf32>
        %mul3A_891 = arith.mulf %get3A_504, %get3A_884 : vector<16xf32>
        %add3A_892 = arith.addf %add3A_890, %mul3A_891 : vector<16xf32>
        %add3A_893 = arith.addf %add3A_892, %get3A_524 : vector<16xf32>
        %min3A_894 = arith.minimumf %scan3A_448, %add3A_893 : vector<16xf32>
        %add3A_895 = arith.addf %add3A_892, %get3A_887 : vector<16xf32>
        %min3A_896 = arith.minimumf %min3A_844, %add3A_895 : vector<16xf32>
        %mul3A_897 = arith.mulf %get3A_469, %get3A_878 : vector<16xf32>
        %mul3A_898 = arith.mulf %get3A_489, %get3A_881 : vector<16xf32>
        %add3A_899 = arith.addf %mul3A_897, %mul3A_898 : vector<16xf32>
        %mul3A_900 = arith.mulf %get3A_509, %get3A_884 : vector<16xf32>
        %add3A_901 = arith.addf %add3A_899, %mul3A_900 : vector<16xf32>
        %add3A_902 = arith.addf %add3A_901, %get3A_529 : vector<16xf32>
        %min3A_903 = arith.minimumf %min3A_894, %add3A_902 : vector<16xf32>
        %add3A_904 = arith.addf %add3A_901, %get3A_887 : vector<16xf32>
        %min3A_905 = arith.minimumf %min3A_853, %add3A_904 : vector<16xf32>
        %mul3A_906 = arith.mulf %get3A_474, %get3A_878 : vector<16xf32>
        %mul3A_907 = arith.mulf %get3A_494, %get3A_881 : vector<16xf32>
        %add3A_908 = arith.addf %mul3A_906, %mul3A_907 : vector<16xf32>
        %mul3A_909 = arith.mulf %get3A_514, %get3A_884 : vector<16xf32>
        %add3A_910 = arith.addf %add3A_908, %mul3A_909 : vector<16xf32>
        %add3A_911 = arith.addf %add3A_910, %get3A_534 : vector<16xf32>
        %min3A_912 = arith.minimumf %min3A_903, %add3A_911 : vector<16xf32>
        %add3A_913 = arith.addf %add3A_910, %get3A_887 : vector<16xf32>
        %min3A_914 = arith.minimumf %min3A_862, %add3A_913 : vector<16xf32>
        %mul3A_915 = arith.mulf %get3A_479, %get3A_878 : vector<16xf32>
        %mul3A_916 = arith.mulf %get3A_499, %get3A_881 : vector<16xf32>
        %add3A_917 = arith.addf %mul3A_915, %mul3A_916 : vector<16xf32>
        %mul3A_918 = arith.mulf %get3A_519, %get3A_884 : vector<16xf32>
        %add3A_919 = arith.addf %add3A_917, %mul3A_918 : vector<16xf32>
        %add3A_920 = arith.addf %add3A_919, %get3A_539 : vector<16xf32>
        %min3A_921 = arith.minimumf %min3A_912, %add3A_920 : vector<16xf32>
        %add3A_922 = arith.addf %add3A_919, %get3A_887 : vector<16xf32>
        %min3A_923 = arith.minimumf %min3A_871, %add3A_922 : vector<16xf32>
        %add3A_924 = arith.constant 7 : i32
        %add3A_925 = arith.addi %mul3A_293, %add3A_924 : i32
        %mul3A_926 = arith.constant 16 : i32
        %mul3A_927 = arith.muli %add3A_925, %mul3A_926 : i32
        %get3A_928 = arith.index_cast %mul3A_927 : i32 to index
        %get3A_929 = tpu.vector_load %arg17[%get3A_928] {strides = array<i32>} : memref<2048xf32, #tpu.memory_space<vmem>>, vector<16xf32>,
        %get3A_930 = vector.shape_cast %get3A_929 : vector<16xf32> to vector<16xf32>
        %get3A_931 = arith.index_cast %mul3A_927 : i32 to index
        %get3A_932 = tpu.vector_load %arg18[%get3A_931] {strides = array<i32>} : memref<2048xf32, #tpu.memory_space<vmem>>, vector<16xf32>,
        %get3A_933 = vector.shape_cast %get3A_932 : vector<16xf32> to vector<16xf32>
        %get3A_934 = arith.index_cast %mul3A_927 : i32 to index
        %get3A_935 = tpu.vector_load %arg19[%get3A_934] {strides = array<i32>} : memref<2048xf32, #tpu.memory_space<vmem>>, vector<16xf32>,
        %get3A_936 = vector.shape_cast %get3A_935 : vector<16xf32> to vector<16xf32>
        %get3A_937 = arith.index_cast %mul3A_927 : i32 to index
        %get3A_938 = tpu.vector_load %arg20[%get3A_937] {strides = array<i32>} : memref<2048xf32, #tpu.memory_space<vmem>>, vector<16xf32>,
        %get3A_939 = vector.shape_cast %get3A_938 : vector<16xf32> to vector<16xf32>
        %mul3A_940 = arith.mulf %get3A_464, %get3A_930 : vector<16xf32>
        %mul3A_941 = arith.mulf %get3A_484, %get3A_933 : vector<16xf32>
        %add3A_942 = arith.addf %mul3A_940, %mul3A_941 : vector<16xf32>
        %mul3A_943 = arith.mulf %get3A_504, %get3A_936 : vector<16xf32>
        %add3A_944 = arith.addf %add3A_942, %mul3A_943 : vector<16xf32>
        %add3A_945 = arith.addf %add3A_944, %get3A_524 : vector<16xf32>
        %min3A_946 = arith.minimumf %scan3A_449, %add3A_945 : vector<16xf32>
        %add3A_947 = arith.addf %add3A_944, %get3A_939 : vector<16xf32>
        %min3A_948 = arith.minimumf %min3A_896, %add3A_947 : vector<16xf32>
        %mul3A_949 = arith.mulf %get3A_469, %get3A_930 : vector<16xf32>
        %mul3A_950 = arith.mulf %get3A_489, %get3A_933 : vector<16xf32>
        %add3A_951 = arith.addf %mul3A_949, %mul3A_950 : vector<16xf32>
        %mul3A_952 = arith.mulf %get3A_509, %get3A_936 : vector<16xf32>
        %add3A_953 = arith.addf %add3A_951, %mul3A_952 : vector<16xf32>
        %add3A_954 = arith.addf %add3A_953, %get3A_529 : vector<16xf32>
        %min3A_955 = arith.minimumf %min3A_946, %add3A_954 : vector<16xf32>
        %add3A_956 = arith.addf %add3A_953, %get3A_939 : vector<16xf32>
        %min3A_957 = arith.minimumf %min3A_905, %add3A_956 : vector<16xf32>
        %mul3A_958 = arith.mulf %get3A_474, %get3A_930 : vector<16xf32>
        %mul3A_959 = arith.mulf %get3A_494, %get3A_933 : vector<16xf32>
        %add3A_960 = arith.addf %mul3A_958, %mul3A_959 : vector<16xf32>
        %mul3A_961 = arith.mulf %get3A_514, %get3A_936 : vector<16xf32>
        %add3A_962 = arith.addf %add3A_960, %mul3A_961 : vector<16xf32>
        %add3A_963 = arith.addf %add3A_962, %get3A_534 : vector<16xf32>
        %min3A_964 = arith.minimumf %min3A_955, %add3A_963 : vector<16xf32>
        %add3A_965 = arith.addf %add3A_962, %get3A_939 : vector<16xf32>
        %min3A_966 = arith.minimumf %min3A_914, %add3A_965 : vector<16xf32>
        %mul3A_967 = arith.mulf %get3A_479, %get3A_930 : vector<16xf32>
        %mul3A_968 = arith.mulf %get3A_499, %get3A_933 : vector<16xf32>
        %add3A_969 = arith.addf %mul3A_967, %mul3A_968 : vector<16xf32>
        %mul3A_970 = arith.mulf %get3A_519, %get3A_936 : vector<16xf32>
        %add3A_971 = arith.addf %add3A_969, %mul3A_970 : vector<16xf32>
        %add3A_972 = arith.addf %add3A_971, %get3A_539 : vector<16xf32>
        %min3A_973 = arith.minimumf %min3A_964, %add3A_972 : vector<16xf32>
        %add3A_974 = arith.addf %add3A_971, %get3A_939 : vector<16xf32>
        %min3A_975 = arith.minimumf %min3A_923, %add3A_974 : vector<16xf32>
        %add3A_976 = arith.constant 8 : i32
        %add3A_977 = arith.addi %mul3A_293, %add3A_976 : i32
        %mul3A_978 = arith.constant 16 : i32
        %mul3A_979 = arith.muli %add3A_977, %mul3A_978 : i32
        %get3A_980 = arith.index_cast %mul3A_979 : i32 to index
        %get3A_981 = tpu.vector_load %arg17[%get3A_980] {strides = array<i32>} : memref<2048xf32, #tpu.memory_space<vmem>>, vector<16xf32>,
        %get3A_982 = vector.shape_cast %get3A_981 : vector<16xf32> to vector<16xf32>
        %get3A_983 = arith.index_cast %mul3A_979 : i32 to index
        %get3A_984 = tpu.vector_load %arg18[%get3A_983] {strides = array<i32>} : memref<2048xf32, #tpu.memory_space<vmem>>, vector<16xf32>,
        %get3A_985 = vector.shape_cast %get3A_984 : vector<16xf32> to vector<16xf32>
        %get3A_986 = arith.index_cast %mul3A_979 : i32 to index
        %get3A_987 = tpu.vector_load %arg19[%get3A_986] {strides = array<i32>} : memref<2048xf32, #tpu.memory_space<vmem>>, vector<16xf32>,
        %get3A_988 = vector.shape_cast %get3A_987 : vector<16xf32> to vector<16xf32>
        %get3A_989 = arith.index_cast %mul3A_979 : i32 to index
        %get3A_990 = tpu.vector_load %arg20[%get3A_989] {strides = array<i32>} : memref<2048xf32, #tpu.memory_space<vmem>>, vector<16xf32>,
        %get3A_991 = vector.shape_cast %get3A_990 : vector<16xf32> to vector<16xf32>
        %mul3A_992 = arith.mulf %get3A_464, %get3A_982 : vector<16xf32>
        %mul3A_993 = arith.mulf %get3A_484, %get3A_985 : vector<16xf32>
        %add3A_994 = arith.addf %mul3A_992, %mul3A_993 : vector<16xf32>
        %mul3A_995 = arith.mulf %get3A_504, %get3A_988 : vector<16xf32>
        %add3A_996 = arith.addf %add3A_994, %mul3A_995 : vector<16xf32>
        %add3A_997 = arith.addf %add3A_996, %get3A_524 : vector<16xf32>
        %min3A_998 = arith.minimumf %scan3A_450, %add3A_997 : vector<16xf32>
        %add3A_999 = arith.addf %add3A_996, %get3A_991 : vector<16xf32>
        %min3A_1000 = arith.minimumf %min3A_948, %add3A_999 : vector<16xf32>
        %mul3A_1001 = arith.mulf %get3A_469, %get3A_982 : vector<16xf32>
        %mul3A_1002 = arith.mulf %get3A_489, %get3A_985 : vector<16xf32>
        %add3A_1003 = arith.addf %mul3A_1001, %mul3A_1002 : vector<16xf32>
        %mul3A_1004 = arith.mulf %get3A_509, %get3A_988 : vector<16xf32>
        %add3A_1005 = arith.addf %add3A_1003, %mul3A_1004 : vector<16xf32>
        %add3A_1006 = arith.addf %add3A_1005, %get3A_529 : vector<16xf32>
        %min3A_1007 = arith.minimumf %min3A_998, %add3A_1006 : vector<16xf32>
        %add3A_1008 = arith.addf %add3A_1005, %get3A_991 : vector<16xf32>
        %min3A_1009 = arith.minimumf %min3A_957, %add3A_1008 : vector<16xf32>
        %mul3A_1010 = arith.mulf %get3A_474, %get3A_982 : vector<16xf32>
        %mul3A_1011 = arith.mulf %get3A_494, %get3A_985 : vector<16xf32>
        %add3A_1012 = arith.addf %mul3A_1010, %mul3A_1011 : vector<16xf32>
        %mul3A_1013 = arith.mulf %get3A_514, %get3A_988 : vector<16xf32>
        %add3A_1014 = arith.addf %add3A_1012, %mul3A_1013 : vector<16xf32>
        %add3A_1015 = arith.addf %add3A_1014, %get3A_534 : vector<16xf32>
        %min3A_1016 = arith.minimumf %min3A_1007, %add3A_1015 : vector<16xf32>
        %add3A_1017 = arith.addf %add3A_1014, %get3A_991 : vector<16xf32>
        %min3A_1018 = arith.minimumf %min3A_966, %add3A_1017 : vector<16xf32>
        %mul3A_1019 = arith.mulf %get3A_479, %get3A_982 : vector<16xf32>
        %mul3A_1020 = arith.mulf %get3A_499, %get3A_985 : vector<16xf32>
        %add3A_1021 = arith.addf %mul3A_1019, %mul3A_1020 : vector<16xf32>
        %mul3A_1022 = arith.mulf %get3A_519, %get3A_988 : vector<16xf32>
        %add3A_1023 = arith.addf %add3A_1021, %mul3A_1022 : vector<16xf32>
        %add3A_1024 = arith.addf %add3A_1023, %get3A_539 : vector<16xf32>
        %min3A_1025 = arith.minimumf %min3A_1016, %add3A_1024 : vector<16xf32>
        %add3A_1026 = arith.addf %add3A_1023, %get3A_991 : vector<16xf32>
        %min3A_1027 = arith.minimumf %min3A_975, %add3A_1026 : vector<16xf32>
        %add3A_1028 = arith.constant 9 : i32
        %add3A_1029 = arith.addi %mul3A_293, %add3A_1028 : i32
        %mul3A_1030 = arith.constant 16 : i32
        %mul3A_1031 = arith.muli %add3A_1029, %mul3A_1030 : i32
        %get3A_1032 = arith.index_cast %mul3A_1031 : i32 to index
        %get3A_1033 = tpu.vector_load %arg17[%get3A_1032] {strides = array<i32>} : memref<2048xf32, #tpu.memory_space<vmem>>, vector<16xf32>,
        %get3A_1034 = vector.shape_cast %get3A_1033 : vector<16xf32> to vector<16xf32>
        %get3A_1035 = arith.index_cast %mul3A_1031 : i32 to index
        %get3A_1036 = tpu.vector_load %arg18[%get3A_1035] {strides = array<i32>} : memref<2048xf32, #tpu.memory_space<vmem>>, vector<16xf32>,
        %get3A_1037 = vector.shape_cast %get3A_1036 : vector<16xf32> to vector<16xf32>
        %get3A_1038 = arith.index_cast %mul3A_1031 : i32 to index
        %get3A_1039 = tpu.vector_load %arg19[%get3A_1038] {strides = array<i32>} : memref<2048xf32, #tpu.memory_space<vmem>>, vector<16xf32>,
        %get3A_1040 = vector.shape_cast %get3A_1039 : vector<16xf32> to vector<16xf32>
        %get3A_1041 = arith.index_cast %mul3A_1031 : i32 to index
        %get3A_1042 = tpu.vector_load %arg20[%get3A_1041] {strides = array<i32>} : memref<2048xf32, #tpu.memory_space<vmem>>, vector<16xf32>,
        %get3A_1043 = vector.shape_cast %get3A_1042 : vector<16xf32> to vector<16xf32>
        %mul3A_1044 = arith.mulf %get3A_464, %get3A_1034 : vector<16xf32>
        %mul3A_1045 = arith.mulf %get3A_484, %get3A_1037 : vector<16xf32>
        %add3A_1046 = arith.addf %mul3A_1044, %mul3A_1045 : vector<16xf32>
        %mul3A_1047 = arith.mulf %get3A_504, %get3A_1040 : vector<16xf32>
        %add3A_1048 = arith.addf %add3A_1046, %mul3A_1047 : vector<16xf32>
        %add3A_1049 = arith.addf %add3A_1048, %get3A_524 : vector<16xf32>
        %min3A_1050 = arith.minimumf %scan3A_451, %add3A_1049 : vector<16xf32>
        %add3A_1051 = arith.addf %add3A_1048, %get3A_1043 : vector<16xf32>
        %min3A_1052 = arith.minimumf %min3A_1000, %add3A_1051 : vector<16xf32>
        %mul3A_1053 = arith.mulf %get3A_469, %get3A_1034 : vector<16xf32>
        %mul3A_1054 = arith.mulf %get3A_489, %get3A_1037 : vector<16xf32>
        %add3A_1055 = arith.addf %mul3A_1053, %mul3A_1054 : vector<16xf32>
        %mul3A_1056 = arith.mulf %get3A_509, %get3A_1040 : vector<16xf32>
        %add3A_1057 = arith.addf %add3A_1055, %mul3A_1056 : vector<16xf32>
        %add3A_1058 = arith.addf %add3A_1057, %get3A_529 : vector<16xf32>
        %min3A_1059 = arith.minimumf %min3A_1050, %add3A_1058 : vector<16xf32>
        %add3A_1060 = arith.addf %add3A_1057, %get3A_1043 : vector<16xf32>
        %min3A_1061 = arith.minimumf %min3A_1009, %add3A_1060 : vector<16xf32>
        %mul3A_1062 = arith.mulf %get3A_474, %get3A_1034 : vector<16xf32>
        %mul3A_1063 = arith.mulf %get3A_494, %get3A_1037 : vector<16xf32>
        %add3A_1064 = arith.addf %mul3A_1062, %mul3A_1063 : vector<16xf32>
        %mul3A_1065 = arith.mulf %get3A_514, %get3A_1040 : vector<16xf32>
        %add3A_1066 = arith.addf %add3A_1064, %mul3A_1065 : vector<16xf32>
        %add3A_1067 = arith.addf %add3A_1066, %get3A_534 : vector<16xf32>
        %min3A_1068 = arith.minimumf %min3A_1059, %add3A_1067 : vector<16xf32>
        %add3A_1069 = arith.addf %add3A_1066, %get3A_1043 : vector<16xf32>
        %min3A_1070 = arith.minimumf %min3A_1018, %add3A_1069 : vector<16xf32>
        %mul3A_1071 = arith.mulf %get3A_479, %get3A_1034 : vector<16xf32>
        %mul3A_1072 = arith.mulf %get3A_499, %get3A_1037 : vector<16xf32>
        %add3A_1073 = arith.addf %mul3A_1071, %mul3A_1072 : vector<16xf32>
        %mul3A_1074 = arith.mulf %get3A_519, %get3A_1040 : vector<16xf32>
        %add3A_1075 = arith.addf %add3A_1073, %mul3A_1074 : vector<16xf32>
        %add3A_1076 = arith.addf %add3A_1075, %get3A_539 : vector<16xf32>
        %min3A_1077 = arith.minimumf %min3A_1068, %add3A_1076 : vector<16xf32>
        %add3A_1078 = arith.addf %add3A_1075, %get3A_1043 : vector<16xf32>
        %min3A_1079 = arith.minimumf %min3A_1027, %add3A_1078 : vector<16xf32>
        %add3A_1080 = arith.constant 10 : i32
        %add3A_1081 = arith.addi %mul3A_293, %add3A_1080 : i32
        %mul3A_1082 = arith.constant 16 : i32
        %mul3A_1083 = arith.muli %add3A_1081, %mul3A_1082 : i32
        %get3A_1084 = arith.index_cast %mul3A_1083 : i32 to index
        %get3A_1085 = tpu.vector_load %arg17[%get3A_1084] {strides = array<i32>} : memref<2048xf32, #tpu.memory_space<vmem>>, vector<16xf32>,
        %get3A_1086 = vector.shape_cast %get3A_1085 : vector<16xf32> to vector<16xf32>
        %get3A_1087 = arith.index_cast %mul3A_1083 : i32 to index
        %get3A_1088 = tpu.vector_load %arg18[%get3A_1087] {strides = array<i32>} : memref<2048xf32, #tpu.memory_space<vmem>>, vector<16xf32>,
        %get3A_1089 = vector.shape_cast %get3A_1088 : vector<16xf32> to vector<16xf32>
        %get3A_1090 = arith.index_cast %mul3A_1083 : i32 to index
        %get3A_1091 = tpu.vector_load %arg19[%get3A_1090] {strides = array<i32>} : memref<2048xf32, #tpu.memory_space<vmem>>, vector<16xf32>,
        %get3A_1092 = vector.shape_cast %get3A_1091 : vector<16xf32> to vector<16xf32>
        %get3A_1093 = arith.index_cast %mul3A_1083 : i32 to index
        %get3A_1094 = tpu.vector_load %arg20[%get3A_1093] {strides = array<i32>} : memref<2048xf32, #tpu.memory_space<vmem>>, vector<16xf32>,
        %get3A_1095 = vector.shape_cast %get3A_1094 : vector<16xf32> to vector<16xf32>
        %mul3A_1096 = arith.mulf %get3A_464, %get3A_1086 : vector<16xf32>
        %mul3A_1097 = arith.mulf %get3A_484, %get3A_1089 : vector<16xf32>
        %add3A_1098 = arith.addf %mul3A_1096, %mul3A_1097 : vector<16xf32>
        %mul3A_1099 = arith.mulf %get3A_504, %get3A_1092 : vector<16xf32>
        %add3A_1100 = arith.addf %add3A_1098, %mul3A_1099 : vector<16xf32>
        %add3A_1101 = arith.addf %add3A_1100, %get3A_524 : vector<16xf32>
        %min3A_1102 = arith.minimumf %scan3A_452, %add3A_1101 : vector<16xf32>
        %add3A_1103 = arith.addf %add3A_1100, %get3A_1095 : vector<16xf32>
        %min3A_1104 = arith.minimumf %min3A_1052, %add3A_1103 : vector<16xf32>
        %mul3A_1105 = arith.mulf %get3A_469, %get3A_1086 : vector<16xf32>
        %mul3A_1106 = arith.mulf %get3A_489, %get3A_1089 : vector<16xf32>
        %add3A_1107 = arith.addf %mul3A_1105, %mul3A_1106 : vector<16xf32>
        %mul3A_1108 = arith.mulf %get3A_509, %get3A_1092 : vector<16xf32>
        %add3A_1109 = arith.addf %add3A_1107, %mul3A_1108 : vector<16xf32>
        %add3A_1110 = arith.addf %add3A_1109, %get3A_529 : vector<16xf32>
        %min3A_1111 = arith.minimumf %min3A_1102, %add3A_1110 : vector<16xf32>
        %add3A_1112 = arith.addf %add3A_1109, %get3A_1095 : vector<16xf32>
        %min3A_1113 = arith.minimumf %min3A_1061, %add3A_1112 : vector<16xf32>
        %mul3A_1114 = arith.mulf %get3A_474, %get3A_1086 : vector<16xf32>
        %mul3A_1115 = arith.mulf %get3A_494, %get3A_1089 : vector<16xf32>
        %add3A_1116 = arith.addf %mul3A_1114, %mul3A_1115 : vector<16xf32>
        %mul3A_1117 = arith.mulf %get3A_514, %get3A_1092 : vector<16xf32>
        %add3A_1118 = arith.addf %add3A_1116, %mul3A_1117 : vector<16xf32>
        %add3A_1119 = arith.addf %add3A_1118, %get3A_534 : vector<16xf32>
        %min3A_1120 = arith.minimumf %min3A_1111, %add3A_1119 : vector<16xf32>
        %add3A_1121 = arith.addf %add3A_1118, %get3A_1095 : vector<16xf32>
        %min3A_1122 = arith.minimumf %min3A_1070, %add3A_1121 : vector<16xf32>
        %mul3A_1123 = arith.mulf %get3A_479, %get3A_1086 : vector<16xf32>
        %mul3A_1124 = arith.mulf %get3A_499, %get3A_1089 : vector<16xf32>
        %add3A_1125 = arith.addf %mul3A_1123, %mul3A_1124 : vector<16xf32>
        %mul3A_1126 = arith.mulf %get3A_519, %get3A_1092 : vector<16xf32>
        %add3A_1127 = arith.addf %add3A_1125, %mul3A_1126 : vector<16xf32>
        %add3A_1128 = arith.addf %add3A_1127, %get3A_539 : vector<16xf32>
        %min3A_1129 = arith.minimumf %min3A_1120, %add3A_1128 : vector<16xf32>
        %add3A_1130 = arith.addf %add3A_1127, %get3A_1095 : vector<16xf32>
        %min3A_1131 = arith.minimumf %min3A_1079, %add3A_1130 : vector<16xf32>
        %add3A_1132 = arith.constant 11 : i32
        %add3A_1133 = arith.addi %mul3A_293, %add3A_1132 : i32
        %mul3A_1134 = arith.constant 16 : i32
        %mul3A_1135 = arith.muli %add3A_1133, %mul3A_1134 : i32
        %get3A_1136 = arith.index_cast %mul3A_1135 : i32 to index
        %get3A_1137 = tpu.vector_load %arg17[%get3A_1136] {strides = array<i32>} : memref<2048xf32, #tpu.memory_space<vmem>>, vector<16xf32>,
        %get3A_1138 = vector.shape_cast %get3A_1137 : vector<16xf32> to vector<16xf32>
        %get3A_1139 = arith.index_cast %mul3A_1135 : i32 to index
        %get3A_1140 = tpu.vector_load %arg18[%get3A_1139] {strides = array<i32>} : memref<2048xf32, #tpu.memory_space<vmem>>, vector<16xf32>,
        %get3A_1141 = vector.shape_cast %get3A_1140 : vector<16xf32> to vector<16xf32>
        %get3A_1142 = arith.index_cast %mul3A_1135 : i32 to index
        %get3A_1143 = tpu.vector_load %arg19[%get3A_1142] {strides = array<i32>} : memref<2048xf32, #tpu.memory_space<vmem>>, vector<16xf32>,
        %get3A_1144 = vector.shape_cast %get3A_1143 : vector<16xf32> to vector<16xf32>
        %get3A_1145 = arith.index_cast %mul3A_1135 : i32 to index
        %get3A_1146 = tpu.vector_load %arg20[%get3A_1145] {strides = array<i32>} : memref<2048xf32, #tpu.memory_space<vmem>>, vector<16xf32>,
        %get3A_1147 = vector.shape_cast %get3A_1146 : vector<16xf32> to vector<16xf32>
        %mul3A_1148 = arith.mulf %get3A_464, %get3A_1138 : vector<16xf32>
        %mul3A_1149 = arith.mulf %get3A_484, %get3A_1141 : vector<16xf32>
        %add3A_1150 = arith.addf %mul3A_1148, %mul3A_1149 : vector<16xf32>
        %mul3A_1151 = arith.mulf %get3A_504, %get3A_1144 : vector<16xf32>
        %add3A_1152 = arith.addf %add3A_1150, %mul3A_1151 : vector<16xf32>
        %add3A_1153 = arith.addf %add3A_1152, %get3A_524 : vector<16xf32>
        %min3A_1154 = arith.minimumf %scan3A_453, %add3A_1153 : vector<16xf32>
        %add3A_1155 = arith.addf %add3A_1152, %get3A_1147 : vector<16xf32>
        %min3A_1156 = arith.minimumf %min3A_1104, %add3A_1155 : vector<16xf32>
        %mul3A_1157 = arith.mulf %get3A_469, %get3A_1138 : vector<16xf32>
        %mul3A_1158 = arith.mulf %get3A_489, %get3A_1141 : vector<16xf32>
        %add3A_1159 = arith.addf %mul3A_1157, %mul3A_1158 : vector<16xf32>
        %mul3A_1160 = arith.mulf %get3A_509, %get3A_1144 : vector<16xf32>
        %add3A_1161 = arith.addf %add3A_1159, %mul3A_1160 : vector<16xf32>
        %add3A_1162 = arith.addf %add3A_1161, %get3A_529 : vector<16xf32>
        %min3A_1163 = arith.minimumf %min3A_1154, %add3A_1162 : vector<16xf32>
        %add3A_1164 = arith.addf %add3A_1161, %get3A_1147 : vector<16xf32>
        %min3A_1165 = arith.minimumf %min3A_1113, %add3A_1164 : vector<16xf32>
        %mul3A_1166 = arith.mulf %get3A_474, %get3A_1138 : vector<16xf32>
        %mul3A_1167 = arith.mulf %get3A_494, %get3A_1141 : vector<16xf32>
        %add3A_1168 = arith.addf %mul3A_1166, %mul3A_1167 : vector<16xf32>
        %mul3A_1169 = arith.mulf %get3A_514, %get3A_1144 : vector<16xf32>
        %add3A_1170 = arith.addf %add3A_1168, %mul3A_1169 : vector<16xf32>
        %add3A_1171 = arith.addf %add3A_1170, %get3A_534 : vector<16xf32>
        %min3A_1172 = arith.minimumf %min3A_1163, %add3A_1171 : vector<16xf32>
        %add3A_1173 = arith.addf %add3A_1170, %get3A_1147 : vector<16xf32>
        %min3A_1174 = arith.minimumf %min3A_1122, %add3A_1173 : vector<16xf32>
        %mul3A_1175 = arith.mulf %get3A_479, %get3A_1138 : vector<16xf32>
        %mul3A_1176 = arith.mulf %get3A_499, %get3A_1141 : vector<16xf32>
        %add3A_1177 = arith.addf %mul3A_1175, %mul3A_1176 : vector<16xf32>
        %mul3A_1178 = arith.mulf %get3A_519, %get3A_1144 : vector<16xf32>
        %add3A_1179 = arith.addf %add3A_1177, %mul3A_1178 : vector<16xf32>
        %add3A_1180 = arith.addf %add3A_1179, %get3A_539 : vector<16xf32>
        %min3A_1181 = arith.minimumf %min3A_1172, %add3A_1180 : vector<16xf32>
        %add3A_1182 = arith.addf %add3A_1179, %get3A_1147 : vector<16xf32>
        %min3A_1183 = arith.minimumf %min3A_1131, %add3A_1182 : vector<16xf32>
        %add3A_1184 = arith.constant 12 : i32
        %add3A_1185 = arith.addi %mul3A_293, %add3A_1184 : i32
        %mul3A_1186 = arith.constant 16 : i32
        %mul3A_1187 = arith.muli %add3A_1185, %mul3A_1186 : i32
        %get3A_1188 = arith.index_cast %mul3A_1187 : i32 to index
        %get3A_1189 = tpu.vector_load %arg17[%get3A_1188] {strides = array<i32>} : memref<2048xf32, #tpu.memory_space<vmem>>, vector<16xf32>,
        %get3A_1190 = vector.shape_cast %get3A_1189 : vector<16xf32> to vector<16xf32>
        %get3A_1191 = arith.index_cast %mul3A_1187 : i32 to index
        %get3A_1192 = tpu.vector_load %arg18[%get3A_1191] {strides = array<i32>} : memref<2048xf32, #tpu.memory_space<vmem>>, vector<16xf32>,
        %get3A_1193 = vector.shape_cast %get3A_1192 : vector<16xf32> to vector<16xf32>
        %get3A_1194 = arith.index_cast %mul3A_1187 : i32 to index
        %get3A_1195 = tpu.vector_load %arg19[%get3A_1194] {strides = array<i32>} : memref<2048xf32, #tpu.memory_space<vmem>>, vector<16xf32>,
        %get3A_1196 = vector.shape_cast %get3A_1195 : vector<16xf32> to vector<16xf32>
        %get3A_1197 = arith.index_cast %mul3A_1187 : i32 to index
        %get3A_1198 = tpu.vector_load %arg20[%get3A_1197] {strides = array<i32>} : memref<2048xf32, #tpu.memory_space<vmem>>, vector<16xf32>,
        %get3A_1199 = vector.shape_cast %get3A_1198 : vector<16xf32> to vector<16xf32>
        %mul3A_1200 = arith.mulf %get3A_464, %get3A_1190 : vector<16xf32>
        %mul3A_1201 = arith.mulf %get3A_484, %get3A_1193 : vector<16xf32>
        %add3A_1202 = arith.addf %mul3A_1200, %mul3A_1201 : vector<16xf32>
        %mul3A_1203 = arith.mulf %get3A_504, %get3A_1196 : vector<16xf32>
        %add3A_1204 = arith.addf %add3A_1202, %mul3A_1203 : vector<16xf32>
        %add3A_1205 = arith.addf %add3A_1204, %get3A_524 : vector<16xf32>
        %min3A_1206 = arith.minimumf %scan3A_454, %add3A_1205 : vector<16xf32>
        %add3A_1207 = arith.addf %add3A_1204, %get3A_1199 : vector<16xf32>
        %min3A_1208 = arith.minimumf %min3A_1156, %add3A_1207 : vector<16xf32>
        %mul3A_1209 = arith.mulf %get3A_469, %get3A_1190 : vector<16xf32>
        %mul3A_1210 = arith.mulf %get3A_489, %get3A_1193 : vector<16xf32>
        %add3A_1211 = arith.addf %mul3A_1209, %mul3A_1210 : vector<16xf32>
        %mul3A_1212 = arith.mulf %get3A_509, %get3A_1196 : vector<16xf32>
        %add3A_1213 = arith.addf %add3A_1211, %mul3A_1212 : vector<16xf32>
        %add3A_1214 = arith.addf %add3A_1213, %get3A_529 : vector<16xf32>
        %min3A_1215 = arith.minimumf %min3A_1206, %add3A_1214 : vector<16xf32>
        %add3A_1216 = arith.addf %add3A_1213, %get3A_1199 : vector<16xf32>
        %min3A_1217 = arith.minimumf %min3A_1165, %add3A_1216 : vector<16xf32>
        %mul3A_1218 = arith.mulf %get3A_474, %get3A_1190 : vector<16xf32>
        %mul3A_1219 = arith.mulf %get3A_494, %get3A_1193 : vector<16xf32>
        %add3A_1220 = arith.addf %mul3A_1218, %mul3A_1219 : vector<16xf32>
        %mul3A_1221 = arith.mulf %get3A_514, %get3A_1196 : vector<16xf32>
        %add3A_1222 = arith.addf %add3A_1220, %mul3A_1221 : vector<16xf32>
        %add3A_1223 = arith.addf %add3A_1222, %get3A_534 : vector<16xf32>
        %min3A_1224 = arith.minimumf %min3A_1215, %add3A_1223 : vector<16xf32>
        %add3A_1225 = arith.addf %add3A_1222, %get3A_1199 : vector<16xf32>
        %min3A_1226 = arith.minimumf %min3A_1174, %add3A_1225 : vector<16xf32>
        %mul3A_1227 = arith.mulf %get3A_479, %get3A_1190 : vector<16xf32>
        %mul3A_1228 = arith.mulf %get3A_499, %get3A_1193 : vector<16xf32>
        %add3A_1229 = arith.addf %mul3A_1227, %mul3A_1228 : vector<16xf32>
        %mul3A_1230 = arith.mulf %get3A_519, %get3A_1196 : vector<16xf32>
        %add3A_1231 = arith.addf %add3A_1229, %mul3A_1230 : vector<16xf32>
        %add3A_1232 = arith.addf %add3A_1231, %get3A_539 : vector<16xf32>
        %min3A_1233 = arith.minimumf %min3A_1224, %add3A_1232 : vector<16xf32>
        %add3A_1234 = arith.addf %add3A_1231, %get3A_1199 : vector<16xf32>
        %min3A_1235 = arith.minimumf %min3A_1183, %add3A_1234 : vector<16xf32>
        %add3A_1236 = arith.constant 13 : i32
        %add3A_1237 = arith.addi %mul3A_293, %add3A_1236 : i32
        %mul3A_1238 = arith.constant 16 : i32
        %mul3A_1239 = arith.muli %add3A_1237, %mul3A_1238 : i32
        %get3A_1240 = arith.index_cast %mul3A_1239 : i32 to index
        %get3A_1241 = tpu.vector_load %arg17[%get3A_1240] {strides = array<i32>} : memref<2048xf32, #tpu.memory_space<vmem>>, vector<16xf32>,
        %get3A_1242 = vector.shape_cast %get3A_1241 : vector<16xf32> to vector<16xf32>
        %get3A_1243 = arith.index_cast %mul3A_1239 : i32 to index
        %get3A_1244 = tpu.vector_load %arg18[%get3A_1243] {strides = array<i32>} : memref<2048xf32, #tpu.memory_space<vmem>>, vector<16xf32>,
        %get3A_1245 = vector.shape_cast %get3A_1244 : vector<16xf32> to vector<16xf32>
        %get3A_1246 = arith.index_cast %mul3A_1239 : i32 to index
        %get3A_1247 = tpu.vector_load %arg19[%get3A_1246] {strides = array<i32>} : memref<2048xf32, #tpu.memory_space<vmem>>, vector<16xf32>,
        %get3A_1248 = vector.shape_cast %get3A_1247 : vector<16xf32> to vector<16xf32>
        %get3A_1249 = arith.index_cast %mul3A_1239 : i32 to index
        %get3A_1250 = tpu.vector_load %arg20[%get3A_1249] {strides = array<i32>} : memref<2048xf32, #tpu.memory_space<vmem>>, vector<16xf32>,
        %get3A_1251 = vector.shape_cast %get3A_1250 : vector<16xf32> to vector<16xf32>
        %mul3A_1252 = arith.mulf %get3A_464, %get3A_1242 : vector<16xf32>
        %mul3A_1253 = arith.mulf %get3A_484, %get3A_1245 : vector<16xf32>
        %add3A_1254 = arith.addf %mul3A_1252, %mul3A_1253 : vector<16xf32>
        %mul3A_1255 = arith.mulf %get3A_504, %get3A_1248 : vector<16xf32>
        %add3A_1256 = arith.addf %add3A_1254, %mul3A_1255 : vector<16xf32>
        %add3A_1257 = arith.addf %add3A_1256, %get3A_524 : vector<16xf32>
        %min3A_1258 = arith.minimumf %scan3A_455, %add3A_1257 : vector<16xf32>
        %add3A_1259 = arith.addf %add3A_1256, %get3A_1251 : vector<16xf32>
        %min3A_1260 = arith.minimumf %min3A_1208, %add3A_1259 : vector<16xf32>
        %mul3A_1261 = arith.mulf %get3A_469, %get3A_1242 : vector<16xf32>
        %mul3A_1262 = arith.mulf %get3A_489, %get3A_1245 : vector<16xf32>
        %add3A_1263 = arith.addf %mul3A_1261, %mul3A_1262 : vector<16xf32>
        %mul3A_1264 = arith.mulf %get3A_509, %get3A_1248 : vector<16xf32>
        %add3A_1265 = arith.addf %add3A_1263, %mul3A_1264 : vector<16xf32>
        %add3A_1266 = arith.addf %add3A_1265, %get3A_529 : vector<16xf32>
        %min3A_1267 = arith.minimumf %min3A_1258, %add3A_1266 : vector<16xf32>
        %add3A_1268 = arith.addf %add3A_1265, %get3A_1251 : vector<16xf32>
        %min3A_1269 = arith.minimumf %min3A_1217, %add3A_1268 : vector<16xf32>
        %mul3A_1270 = arith.mulf %get3A_474, %get3A_1242 : vector<16xf32>
        %mul3A_1271 = arith.mulf %get3A_494, %get3A_1245 : vector<16xf32>
        %add3A_1272 = arith.addf %mul3A_1270, %mul3A_1271 : vector<16xf32>
        %mul3A_1273 = arith.mulf %get3A_514, %get3A_1248 : vector<16xf32>
        %add3A_1274 = arith.addf %add3A_1272, %mul3A_1273 : vector<16xf32>
        %add3A_1275 = arith.addf %add3A_1274, %get3A_534 : vector<16xf32>
        %min3A_1276 = arith.minimumf %min3A_1267, %add3A_1275 : vector<16xf32>
        %add3A_1277 = arith.addf %add3A_1274, %get3A_1251 : vector<16xf32>
        %min3A_1278 = arith.minimumf %min3A_1226, %add3A_1277 : vector<16xf32>
        %mul3A_1279 = arith.mulf %get3A_479, %get3A_1242 : vector<16xf32>
        %mul3A_1280 = arith.mulf %get3A_499, %get3A_1245 : vector<16xf32>
        %add3A_1281 = arith.addf %mul3A_1279, %mul3A_1280 : vector<16xf32>
        %mul3A_1282 = arith.mulf %get3A_519, %get3A_1248 : vector<16xf32>
        %add3A_1283 = arith.addf %add3A_1281, %mul3A_1282 : vector<16xf32>
        %add3A_1284 = arith.addf %add3A_1283, %get3A_539 : vector<16xf32>
        %min3A_1285 = arith.minimumf %min3A_1276, %add3A_1284 : vector<16xf32>
        %add3A_1286 = arith.addf %add3A_1283, %get3A_1251 : vector<16xf32>
        %min3A_1287 = arith.minimumf %min3A_1235, %add3A_1286 : vector<16xf32>
        %add3A_1288 = arith.constant 14 : i32
        %add3A_1289 = arith.addi %mul3A_293, %add3A_1288 : i32
        %mul3A_1290 = arith.constant 16 : i32
        %mul3A_1291 = arith.muli %add3A_1289, %mul3A_1290 : i32
        %get3A_1292 = arith.index_cast %mul3A_1291 : i32 to index
        %get3A_1293 = tpu.vector_load %arg17[%get3A_1292] {strides = array<i32>} : memref<2048xf32, #tpu.memory_space<vmem>>, vector<16xf32>,
        %get3A_1294 = vector.shape_cast %get3A_1293 : vector<16xf32> to vector<16xf32>
        %get3A_1295 = arith.index_cast %mul3A_1291 : i32 to index
        %get3A_1296 = tpu.vector_load %arg18[%get3A_1295] {strides = array<i32>} : memref<2048xf32, #tpu.memory_space<vmem>>, vector<16xf32>,
        %get3A_1297 = vector.shape_cast %get3A_1296 : vector<16xf32> to vector<16xf32>
        %get3A_1298 = arith.index_cast %mul3A_1291 : i32 to index
        %get3A_1299 = tpu.vector_load %arg19[%get3A_1298] {strides = array<i32>} : memref<2048xf32, #tpu.memory_space<vmem>>, vector<16xf32>,
        %get3A_1300 = vector.shape_cast %get3A_1299 : vector<16xf32> to vector<16xf32>
        %get3A_1301 = arith.index_cast %mul3A_1291 : i32 to index
        %get3A_1302 = tpu.vector_load %arg20[%get3A_1301] {strides = array<i32>} : memref<2048xf32, #tpu.memory_space<vmem>>, vector<16xf32>,
        %get3A_1303 = vector.shape_cast %get3A_1302 : vector<16xf32> to vector<16xf32>
        %mul3A_1304 = arith.mulf %get3A_464, %get3A_1294 : vector<16xf32>
        %mul3A_1305 = arith.mulf %get3A_484, %get3A_1297 : vector<16xf32>
        %add3A_1306 = arith.addf %mul3A_1304, %mul3A_1305 : vector<16xf32>
        %mul3A_1307 = arith.mulf %get3A_504, %get3A_1300 : vector<16xf32>
        %add3A_1308 = arith.addf %add3A_1306, %mul3A_1307 : vector<16xf32>
        %add3A_1309 = arith.addf %add3A_1308, %get3A_524 : vector<16xf32>
        %min3A_1310 = arith.minimumf %scan3A_456, %add3A_1309 : vector<16xf32>
        %add3A_1311 = arith.addf %add3A_1308, %get3A_1303 : vector<16xf32>
        %min3A_1312 = arith.minimumf %min3A_1260, %add3A_1311 : vector<16xf32>
        %mul3A_1313 = arith.mulf %get3A_469, %get3A_1294 : vector<16xf32>
        %mul3A_1314 = arith.mulf %get3A_489, %get3A_1297 : vector<16xf32>
        %add3A_1315 = arith.addf %mul3A_1313, %mul3A_1314 : vector<16xf32>
        %mul3A_1316 = arith.mulf %get3A_509, %get3A_1300 : vector<16xf32>
        %add3A_1317 = arith.addf %add3A_1315, %mul3A_1316 : vector<16xf32>
        %add3A_1318 = arith.addf %add3A_1317, %get3A_529 : vector<16xf32>
        %min3A_1319 = arith.minimumf %min3A_1310, %add3A_1318 : vector<16xf32>
        %add3A_1320 = arith.addf %add3A_1317, %get3A_1303 : vector<16xf32>
        %min3A_1321 = arith.minimumf %min3A_1269, %add3A_1320 : vector<16xf32>
        %mul3A_1322 = arith.mulf %get3A_474, %get3A_1294 : vector<16xf32>
        %mul3A_1323 = arith.mulf %get3A_494, %get3A_1297 : vector<16xf32>
        %add3A_1324 = arith.addf %mul3A_1322, %mul3A_1323 : vector<16xf32>
        %mul3A_1325 = arith.mulf %get3A_514, %get3A_1300 : vector<16xf32>
        %add3A_1326 = arith.addf %add3A_1324, %mul3A_1325 : vector<16xf32>
        %add3A_1327 = arith.addf %add3A_1326, %get3A_534 : vector<16xf32>
        %min3A_1328 = arith.minimumf %min3A_1319, %add3A_1327 : vector<16xf32>
        %add3A_1329 = arith.addf %add3A_1326, %get3A_1303 : vector<16xf32>
        %min3A_1330 = arith.minimumf %min3A_1278, %add3A_1329 : vector<16xf32>
        %mul3A_1331 = arith.mulf %get3A_479, %get3A_1294 : vector<16xf32>
        %mul3A_1332 = arith.mulf %get3A_499, %get3A_1297 : vector<16xf32>
        %add3A_1333 = arith.addf %mul3A_1331, %mul3A_1332 : vector<16xf32>
        %mul3A_1334 = arith.mulf %get3A_519, %get3A_1300 : vector<16xf32>
        %add3A_1335 = arith.addf %add3A_1333, %mul3A_1334 : vector<16xf32>
        %add3A_1336 = arith.addf %add3A_1335, %get3A_539 : vector<16xf32>
        %min3A_1337 = arith.minimumf %min3A_1328, %add3A_1336 : vector<16xf32>
        %add3A_1338 = arith.addf %add3A_1335, %get3A_1303 : vector<16xf32>
        %min3A_1339 = arith.minimumf %min3A_1287, %add3A_1338 : vector<16xf32>
        %add3A_1340 = arith.constant 15 : i32
        %add3A_1341 = arith.addi %mul3A_293, %add3A_1340 : i32
        %mul3A_1342 = arith.constant 16 : i32
        %mul3A_1343 = arith.muli %add3A_1341, %mul3A_1342 : i32
        %get3A_1344 = arith.index_cast %mul3A_1343 : i32 to index
        %get3A_1345 = tpu.vector_load %arg17[%get3A_1344] {strides = array<i32>} : memref<2048xf32, #tpu.memory_space<vmem>>, vector<16xf32>,
        %get3A_1346 = vector.shape_cast %get3A_1345 : vector<16xf32> to vector<16xf32>
        %get3A_1347 = arith.index_cast %mul3A_1343 : i32 to index
        %get3A_1348 = tpu.vector_load %arg18[%get3A_1347] {strides = array<i32>} : memref<2048xf32, #tpu.memory_space<vmem>>, vector<16xf32>,
        %get3A_1349 = vector.shape_cast %get3A_1348 : vector<16xf32> to vector<16xf32>
        %get3A_1350 = arith.index_cast %mul3A_1343 : i32 to index
        %get3A_1351 = tpu.vector_load %arg19[%get3A_1350] {strides = array<i32>} : memref<2048xf32, #tpu.memory_space<vmem>>, vector<16xf32>,
        %get3A_1352 = vector.shape_cast %get3A_1351 : vector<16xf32> to vector<16xf32>
        %get3A_1353 = arith.index_cast %mul3A_1343 : i32 to index
        %get3A_1354 = tpu.vector_load %arg20[%get3A_1353] {strides = array<i32>} : memref<2048xf32, #tpu.memory_space<vmem>>, vector<16xf32>,
        %get3A_1355 = vector.shape_cast %get3A_1354 : vector<16xf32> to vector<16xf32>
        %mul3A_1356 = arith.mulf %get3A_464, %get3A_1346 : vector<16xf32>
        %mul3A_1357 = arith.mulf %get3A_484, %get3A_1349 : vector<16xf32>
        %add3A_1358 = arith.addf %mul3A_1356, %mul3A_1357 : vector<16xf32>
        %mul3A_1359 = arith.mulf %get3A_504, %get3A_1352 : vector<16xf32>
        %add3A_1360 = arith.addf %add3A_1358, %mul3A_1359 : vector<16xf32>
        %add3A_1361 = arith.addf %add3A_1360, %get3A_524 : vector<16xf32>
        %min3A_1362 = arith.minimumf %scan3A_457, %add3A_1361 : vector<16xf32>
        %add3A_1363 = arith.addf %add3A_1360, %get3A_1355 : vector<16xf32>
        %min3A_1364 = arith.minimumf %min3A_1312, %add3A_1363 : vector<16xf32>
        %mul3A_1365 = arith.mulf %get3A_469, %get3A_1346 : vector<16xf32>
        %mul3A_1366 = arith.mulf %get3A_489, %get3A_1349 : vector<16xf32>
        %add3A_1367 = arith.addf %mul3A_1365, %mul3A_1366 : vector<16xf32>
        %mul3A_1368 = arith.mulf %get3A_509, %get3A_1352 : vector<16xf32>
        %add3A_1369 = arith.addf %add3A_1367, %mul3A_1368 : vector<16xf32>
        %add3A_1370 = arith.addf %add3A_1369, %get3A_529 : vector<16xf32>
        %min3A_1371 = arith.minimumf %min3A_1362, %add3A_1370 : vector<16xf32>
        %add3A_1372 = arith.addf %add3A_1369, %get3A_1355 : vector<16xf32>
        %min3A_1373 = arith.minimumf %min3A_1321, %add3A_1372 : vector<16xf32>
        %mul3A_1374 = arith.mulf %get3A_474, %get3A_1346 : vector<16xf32>
        %mul3A_1375 = arith.mulf %get3A_494, %get3A_1349 : vector<16xf32>
        %add3A_1376 = arith.addf %mul3A_1374, %mul3A_1375 : vector<16xf32>
        %mul3A_1377 = arith.mulf %get3A_514, %get3A_1352 : vector<16xf32>
        %add3A_1378 = arith.addf %add3A_1376, %mul3A_1377 : vector<16xf32>
        %add3A_1379 = arith.addf %add3A_1378, %get3A_534 : vector<16xf32>
        %min3A_1380 = arith.minimumf %min3A_1371, %add3A_1379 : vector<16xf32>
        %add3A_1381 = arith.addf %add3A_1378, %get3A_1355 : vector<16xf32>
        %min3A_1382 = arith.minimumf %min3A_1330, %add3A_1381 : vector<16xf32>
        %mul3A_1383 = arith.mulf %get3A_479, %get3A_1346 : vector<16xf32>
        %mul3A_1384 = arith.mulf %get3A_499, %get3A_1349 : vector<16xf32>
        %add3A_1385 = arith.addf %mul3A_1383, %mul3A_1384 : vector<16xf32>
        %mul3A_1386 = arith.mulf %get3A_519, %get3A_1352 : vector<16xf32>
        %add3A_1387 = arith.addf %add3A_1385, %mul3A_1386 : vector<16xf32>
        %add3A_1388 = arith.addf %add3A_1387, %get3A_539 : vector<16xf32>
        %min3A_1389 = arith.minimumf %min3A_1380, %add3A_1388 : vector<16xf32>
        %add3A_1390 = arith.addf %add3A_1387, %get3A_1355 : vector<16xf32>
        %min3A_1391 = arith.minimumf %min3A_1339, %add3A_1390 : vector<16xf32>
        %add3A_1392 = arith.constant 0 : i32
        %add3A_1393 = arith.addi %mul3A_459, %add3A_1392 : i32
        %swap3A_1394 = arith.index_cast %add3A_1393 : i32 to index
        %swap3A_1395 = tpu.vector_load %arg15[%swap3A_1394] {strides = array<i32>} : memref<4096xf32, #tpu.memory_space<vmem>>, vector<16xf32>,
        %swap3A_1396 = vector.shape_cast %swap3A_1395 : vector<16xf32> to vector<16xf32>
        %swap3A_1397 = vector.shape_cast %min3A_1364 : vector<16xf32> to vector<16xf32>
        tpu.vector_store %arg15[%swap3A_1394], %swap3A_1397 {strides = array<i32>} : memref<4096xf32, #tpu.memory_space<vmem>>, vector<16xf32>,
        %add3A_1398 = arith.constant 16 : i32
        %add3A_1399 = arith.addi %mul3A_459, %add3A_1398 : i32
        %swap3A_1400 = arith.index_cast %add3A_1399 : i32 to index
        %swap3A_1401 = tpu.vector_load %arg15[%swap3A_1400] {strides = array<i32>} : memref<4096xf32, #tpu.memory_space<vmem>>, vector<16xf32>,
        %swap3A_1402 = vector.shape_cast %swap3A_1401 : vector<16xf32> to vector<16xf32>
        %swap3A_1403 = vector.shape_cast %min3A_1373 : vector<16xf32> to vector<16xf32>
        tpu.vector_store %arg15[%swap3A_1400], %swap3A_1403 {strides = array<i32>} : memref<4096xf32, #tpu.memory_space<vmem>>, vector<16xf32>,
        %add3A_1404 = arith.constant 32 : i32
        %add3A_1405 = arith.addi %mul3A_459, %add3A_1404 : i32
        %swap3A_1406 = arith.index_cast %add3A_1405 : i32 to index
        %swap3A_1407 = tpu.vector_load %arg15[%swap3A_1406] {strides = array<i32>} : memref<4096xf32, #tpu.memory_space<vmem>>, vector<16xf32>,
        %swap3A_1408 = vector.shape_cast %swap3A_1407 : vector<16xf32> to vector<16xf32>
        %swap3A_1409 = vector.shape_cast %min3A_1382 : vector<16xf32> to vector<16xf32>
        tpu.vector_store %arg15[%swap3A_1406], %swap3A_1409 {strides = array<i32>} : memref<4096xf32, #tpu.memory_space<vmem>>, vector<16xf32>,
        %add3A_1410 = arith.constant 48 : i32
        %add3A_1411 = arith.addi %mul3A_459, %add3A_1410 : i32
        %swap3A_1412 = arith.index_cast %add3A_1411 : i32 to index
        %swap3A_1413 = tpu.vector_load %arg15[%swap3A_1412] {strides = array<i32>} : memref<4096xf32, #tpu.memory_space<vmem>>, vector<16xf32>,
        %swap3A_1414 = vector.shape_cast %swap3A_1413 : vector<16xf32> to vector<16xf32>
        %swap3A_1415 = vector.shape_cast %min3A_1391 : vector<16xf32> to vector<16xf32>
        tpu.vector_store %arg15[%swap3A_1412], %swap3A_1415 {strides = array<i32>} : memref<4096xf32, #tpu.memory_space<vmem>>, vector<16xf32>,
        scf.yield %min3A_609, %min3A_661, %min3A_713, %min3A_765, %min3A_817, %min3A_869, %min3A_921, %min3A_973, %min3A_1025, %min3A_1077, %min3A_1129, %min3A_1181, %min3A_1233, %min3A_1285, %min3A_1337, %min3A_1389 : vector<16xf32>, vector<16xf32>, vector<16xf32>, vector<16xf32>, vector<16xf32>, vector<16xf32>, vector<16xf32>, vector<16xf32>, vector<16xf32>, vector<16xf32>, vector<16xf32>, vector<16xf32>, vector<16xf32>, vector<16xf32>, vector<16xf32>, vector<16xf32>
      }
      %scan3A_301 = arith.constant 64 : i32
      %broadcast_in_dim3A_302 = vector.shape_cast %xor3A_63 : vector<16xi32> to vector<16x1xi32>
      %gather3A = vector.shape_cast %broadcast_in_dim3A_302 : vector<16x1xi32> to vector<16xi32>
      %gather3A_303 = tpu.dynamic_gather %scan3A_300#0[%gather3A] in [0] : vector<16xf32>, vector<16xi32> -> vector<16xf32>
      %min3A = arith.minimumf %scan3A_300#0, %gather3A_303 : vector<16xf32>
      %broadcast_in_dim3A_304 = vector.shape_cast %xor3A_63 : vector<16xi32> to vector<16x1xi32>
      %gather3A_305 = vector.shape_cast %broadcast_in_dim3A_304 : vector<16x1xi32> to vector<16xi32>
      %gather3A_306 = tpu.dynamic_gather %scan3A_300#1[%gather3A_305] in [0] : vector<16xf32>, vector<16xi32> -> vector<16xf32>
      %min3A_307 = arith.minimumf %scan3A_300#1, %gather3A_306 : vector<16xf32>
      %broadcast_in_dim3A_308 = vector.shape_cast %xor3A_63 : vector<16xi32> to vector<16x1xi32>
      %gather3A_309 = vector.shape_cast %broadcast_in_dim3A_308 : vector<16x1xi32> to vector<16xi32>
      %gather3A_310 = tpu.dynamic_gather %scan3A_300#2[%gather3A_309] in [0] : vector<16xf32>, vector<16xi32> -> vector<16xf32>
      %min3A_311 = arith.minimumf %scan3A_300#2, %gather3A_310 : vector<16xf32>
      %broadcast_in_dim3A_312 = vector.shape_cast %xor3A_63 : vector<16xi32> to vector<16x1xi32>
      %gather3A_313 = vector.shape_cast %broadcast_in_dim3A_312 : vector<16x1xi32> to vector<16xi32>
      %gather3A_314 = tpu.dynamic_gather %scan3A_300#3[%gather3A_313] in [0] : vector<16xf32>, vector<16xi32> -> vector<16xf32>
      %min3A_315 = arith.minimumf %scan3A_300#3, %gather3A_314 : vector<16xf32>
      %broadcast_in_dim3A_316 = vector.shape_cast %xor3A_63 : vector<16xi32> to vector<16x1xi32>
      %gather3A_317 = vector.shape_cast %broadcast_in_dim3A_316 : vector<16x1xi32> to vector<16xi32>
      %gather3A_318 = tpu.dynamic_gather %scan3A_300#4[%gather3A_317] in [0] : vector<16xf32>, vector<16xi32> -> vector<16xf32>
      %min3A_319 = arith.minimumf %scan3A_300#4, %gather3A_318 : vector<16xf32>
      %broadcast_in_dim3A_320 = vector.shape_cast %xor3A_63 : vector<16xi32> to vector<16x1xi32>
      %gather3A_321 = vector.shape_cast %broadcast_in_dim3A_320 : vector<16x1xi32> to vector<16xi32>
      %gather3A_322 = tpu.dynamic_gather %scan3A_300#5[%gather3A_321] in [0] : vector<16xf32>, vector<16xi32> -> vector<16xf32>
      %min3A_323 = arith.minimumf %scan3A_300#5, %gather3A_322 : vector<16xf32>
      %broadcast_in_dim3A_324 = vector.shape_cast %xor3A_63 : vector<16xi32> to vector<16x1xi32>
      %gather3A_325 = vector.shape_cast %broadcast_in_dim3A_324 : vector<16x1xi32> to vector<16xi32>
      %gather3A_326 = tpu.dynamic_gather %scan3A_300#6[%gather3A_325] in [0] : vector<16xf32>, vector<16xi32> -> vector<16xf32>
      %min3A_327 = arith.minimumf %scan3A_300#6, %gather3A_326 : vector<16xf32>
      %broadcast_in_dim3A_328 = vector.shape_cast %xor3A_63 : vector<16xi32> to vector<16x1xi32>
      %gather3A_329 = vector.shape_cast %broadcast_in_dim3A_328 : vector<16x1xi32> to vector<16xi32>
      %gather3A_330 = tpu.dynamic_gather %scan3A_300#7[%gather3A_329] in [0] : vector<16xf32>, vector<16xi32> -> vector<16xf32>
      %min3A_331 = arith.minimumf %scan3A_300#7, %gather3A_330 : vector<16xf32>
      %broadcast_in_dim3A_332 = vector.shape_cast %xor3A_63 : vector<16xi32> to vector<16x1xi32>
      %gather3A_333 = vector.shape_cast %broadcast_in_dim3A_332 : vector<16x1xi32> to vector<16xi32>
      %gather3A_334 = tpu.dynamic_gather %scan3A_300#8[%gather3A_333] in [0] : vector<16xf32>, vector<16xi32> -> vector<16xf32>
      %min3A_335 = arith.minimumf %scan3A_300#8, %gather3A_334 : vector<16xf32>
      %broadcast_in_dim3A_336 = vector.shape_cast %xor3A_63 : vector<16xi32> to vector<16x1xi32>
      %gather3A_337 = vector.shape_cast %broadcast_in_dim3A_336 : vector<16x1xi32> to vector<16xi32>
      %gather3A_338 = tpu.dynamic_gather %scan3A_300#9[%gather3A_337] in [0] : vector<16xf32>, vector<16xi32> -> vector<16xf32>
      %min3A_339 = arith.minimumf %scan3A_300#9, %gather3A_338 : vector<16xf32>
      %broadcast_in_dim3A_340 = vector.shape_cast %xor3A_63 : vector<16xi32> to vector<16x1xi32>
      %gather3A_341 = vector.shape_cast %broadcast_in_dim3A_340 : vector<16x1xi32> to vector<16xi32>
      %gather3A_342 = tpu.dynamic_gather %scan3A_300#10[%gather3A_341] in [0] : vector<16xf32>, vector<16xi32> -> vector<16xf32>
      %min3A_343 = arith.minimumf %scan3A_300#10, %gather3A_342 : vector<16xf32>
      %broadcast_in_dim3A_344 = vector.shape_cast %xor3A_63 : vector<16xi32> to vector<16x1xi32>
      %gather3A_345 = vector.shape_cast %broadcast_in_dim3A_344 : vector<16x1xi32> to vector<16xi32>
      %gather3A_346 = tpu.dynamic_gather %scan3A_300#11[%gather3A_345] in [0] : vector<16xf32>, vector<16xi32> -> vector<16xf32>
      %min3A_347 = arith.minimumf %scan3A_300#11, %gather3A_346 : vector<16xf32>
      %broadcast_in_dim3A_348 = vector.shape_cast %xor3A_63 : vector<16xi32> to vector<16x1xi32>
      %gather3A_349 = vector.shape_cast %broadcast_in_dim3A_348 : vector<16x1xi32> to vector<16xi32>
      %gather3A_350 = tpu.dynamic_gather %scan3A_300#12[%gather3A_349] in [0] : vector<16xf32>, vector<16xi32> -> vector<16xf32>
      %min3A_351 = arith.minimumf %scan3A_300#12, %gather3A_350 : vector<16xf32>
      %broadcast_in_dim3A_352 = vector.shape_cast %xor3A_63 : vector<16xi32> to vector<16x1xi32>
      %gather3A_353 = vector.shape_cast %broadcast_in_dim3A_352 : vector<16x1xi32> to vector<16xi32>
      %gather3A_354 = tpu.dynamic_gather %scan3A_300#13[%gather3A_353] in [0] : vector<16xf32>, vector<16xi32> -> vector<16xf32>
      %min3A_355 = arith.minimumf %scan3A_300#13, %gather3A_354 : vector<16xf32>
      %broadcast_in_dim3A_356 = vector.shape_cast %xor3A_63 : vector<16xi32> to vector<16x1xi32>
      %gather3A_357 = vector.shape_cast %broadcast_in_dim3A_356 : vector<16x1xi32> to vector<16xi32>
      %gather3A_358 = tpu.dynamic_gather %scan3A_300#14[%gather3A_357] in [0] : vector<16xf32>, vector<16xi32> -> vector<16xf32>
      %min3A_359 = arith.minimumf %scan3A_300#14, %gather3A_358 : vector<16xf32>
      %broadcast_in_dim3A_360 = vector.shape_cast %xor3A_63 : vector<16xi32> to vector<16x1xi32>
      %gather3A_361 = vector.shape_cast %broadcast_in_dim3A_360 : vector<16x1xi32> to vector<16xi32>
      %gather3A_362 = tpu.dynamic_gather %scan3A_300#15[%gather3A_361] in [0] : vector<16xf32>, vector<16xi32> -> vector<16xf32>
      %min3A_363 = arith.minimumf %scan3A_300#15, %gather3A_362 : vector<16xf32>
      %select_n3A = arith.select %eq3A_77, %min3A, %min3A_307 : vector<16xi1>, vector<16xf32>
      %select_n3A_364 = arith.select %eq3A_77, %min3A_311, %min3A_315 : vector<16xi1>, vector<16xf32>
      %select_n3A_365 = arith.select %eq3A_77, %min3A_319, %min3A_323 : vector<16xi1>, vector<16xf32>
      %select_n3A_366 = arith.select %eq3A_77, %min3A_327, %min3A_331 : vector<16xi1>, vector<16xf32>
      %select_n3A_367 = arith.select %eq3A_77, %min3A_335, %min3A_339 : vector<16xi1>, vector<16xf32>
      %select_n3A_368 = arith.select %eq3A_77, %min3A_343, %min3A_347 : vector<16xi1>, vector<16xf32>
      %select_n3A_369 = arith.select %eq3A_77, %min3A_351, %min3A_355 : vector<16xi1>, vector<16xf32>
      %select_n3A_370 = arith.select %eq3A_77, %min3A_359, %min3A_363 : vector<16xi1>, vector<16xf32>
      %broadcast_in_dim3A_371 = vector.shape_cast %xor3A_66 : vector<16xi32> to vector<16x1xi32>
      %gather3A_372 = vector.shape_cast %broadcast_in_dim3A_371 : vector<16x1xi32> to vector<16xi32>
      %gather3A_373 = tpu.dynamic_gather %select_n3A[%gather3A_372] in [0] : vector<16xf32>, vector<16xi32> -> vector<16xf32>
      %min3A_374 = arith.minimumf %select_n3A, %gather3A_373 : vector<16xf32>
      %broadcast_in_dim3A_375 = vector.shape_cast %xor3A_66 : vector<16xi32> to vector<16x1xi32>
      %gather3A_376 = vector.shape_cast %broadcast_in_dim3A_375 : vector<16x1xi32> to vector<16xi32>
      %gather3A_377 = tpu.dynamic_gather %select_n3A_364[%gather3A_376] in [0] : vector<16xf32>, vector<16xi32> -> vector<16xf32>
      %min3A_378 = arith.minimumf %select_n3A_364, %gather3A_377 : vector<16xf32>
      %broadcast_in_dim3A_379 = vector.shape_cast %xor3A_66 : vector<16xi32> to vector<16x1xi32>
      %gather3A_380 = vector.shape_cast %broadcast_in_dim3A_379 : vector<16x1xi32> to vector<16xi32>
      %gather3A_381 = tpu.dynamic_gather %select_n3A_365[%gather3A_380] in [0] : vector<16xf32>, vector<16xi32> -> vector<16xf32>
      %min3A_382 = arith.minimumf %select_n3A_365, %gather3A_381 : vector<16xf32>
      %broadcast_in_dim3A_383 = vector.shape_cast %xor3A_66 : vector<16xi32> to vector<16x1xi32>
      %gather3A_384 = vector.shape_cast %broadcast_in_dim3A_383 : vector<16x1xi32> to vector<16xi32>
      %gather3A_385 = tpu.dynamic_gather %select_n3A_366[%gather3A_384] in [0] : vector<16xf32>, vector<16xi32> -> vector<16xf32>
      %min3A_386 = arith.minimumf %select_n3A_366, %gather3A_385 : vector<16xf32>
      %broadcast_in_dim3A_387 = vector.shape_cast %xor3A_66 : vector<16xi32> to vector<16x1xi32>
      %gather3A_388 = vector.shape_cast %broadcast_in_dim3A_387 : vector<16x1xi32> to vector<16xi32>
      %gather3A_389 = tpu.dynamic_gather %select_n3A_367[%gather3A_388] in [0] : vector<16xf32>, vector<16xi32> -> vector<16xf32>
      %min3A_390 = arith.minimumf %select_n3A_367, %gather3A_389 : vector<16xf32>
      %broadcast_in_dim3A_391 = vector.shape_cast %xor3A_66 : vector<16xi32> to vector<16x1xi32>
      %gather3A_392 = vector.shape_cast %broadcast_in_dim3A_391 : vector<16x1xi32> to vector<16xi32>
      %gather3A_393 = tpu.dynamic_gather %select_n3A_368[%gather3A_392] in [0] : vector<16xf32>, vector<16xi32> -> vector<16xf32>
      %min3A_394 = arith.minimumf %select_n3A_368, %gather3A_393 : vector<16xf32>
      %broadcast_in_dim3A_395 = vector.shape_cast %xor3A_66 : vector<16xi32> to vector<16x1xi32>
      %gather3A_396 = vector.shape_cast %broadcast_in_dim3A_395 : vector<16x1xi32> to vector<16xi32>
      %gather3A_397 = tpu.dynamic_gather %select_n3A_369[%gather3A_396] in [0] : vector<16xf32>, vector<16xi32> -> vector<16xf32>
      %min3A_398 = arith.minimumf %select_n3A_369, %gather3A_397 : vector<16xf32>
      %broadcast_in_dim3A_399 = vector.shape_cast %xor3A_66 : vector<16xi32> to vector<16x1xi32>
      %gather3A_400 = vector.shape_cast %broadcast_in_dim3A_399 : vector<16x1xi32> to vector<16xi32>
      %gather3A_401 = tpu.dynamic_gather %select_n3A_370[%gather3A_400] in [0] : vector<16xf32>, vector<16xi32> -> vector<16xf32>
      %min3A_402 = arith.minimumf %select_n3A_370, %gather3A_401 : vector<16xf32>
      %select_n3A_403 = arith.select %eq3A_83, %min3A_374, %min3A_378 : vector<16xi1>, vector<16xf32>
      %select_n3A_404 = arith.select %eq3A_83, %min3A_382, %min3A_386 : vector<16xi1>, vector<16xf32>
      %select_n3A_405 = arith.select %eq3A_83, %min3A_390, %min3A_394 : vector<16xi1>, vector<16xf32>
      %select_n3A_406 = arith.select %eq3A_83, %min3A_398, %min3A_402 : vector<16xi1>, vector<16xf32>
      %broadcast_in_dim3A_407 = vector.shape_cast %xor3A_69 : vector<16xi32> to vector<16x1xi32>
      %gather3A_408 = vector.shape_cast %broadcast_in_dim3A_407 : vector<16x1xi32> to vector<16xi32>
      %gather3A_409 = tpu.dynamic_gather %select_n3A_403[%gather3A_408] in [0] : vector<16xf32>, vector<16xi32> -> vector<16xf32>
      %min3A_410 = arith.minimumf %select_n3A_403, %gather3A_409 : vector<16xf32>
      %broadcast_in_dim3A_411 = vector.shape_cast %xor3A_69 : vector<16xi32> to vector<16x1xi32>
      %gather3A_412 = vector.shape_cast %broadcast_in_dim3A_411 : vector<16x1xi32> to vector<16xi32>
      %gather3A_413 = tpu.dynamic_gather %select_n3A_404[%gather3A_412] in [0] : vector<16xf32>, vector<16xi32> -> vector<16xf32>
      %min3A_414 = arith.minimumf %select_n3A_404, %gather3A_413 : vector<16xf32>
      %broadcast_in_dim3A_415 = vector.shape_cast %xor3A_69 : vector<16xi32> to vector<16x1xi32>
      %gather3A_416 = vector.shape_cast %broadcast_in_dim3A_415 : vector<16x1xi32> to vector<16xi32>
      %gather3A_417 = tpu.dynamic_gather %select_n3A_405[%gather3A_416] in [0] : vector<16xf32>, vector<16xi32> -> vector<16xf32>
      %min3A_418 = arith.minimumf %select_n3A_405, %gather3A_417 : vector<16xf32>
      %broadcast_in_dim3A_419 = vector.shape_cast %xor3A_69 : vector<16xi32> to vector<16x1xi32>
      %gather3A_420 = vector.shape_cast %broadcast_in_dim3A_419 : vector<16x1xi32> to vector<16xi32>
      %gather3A_421 = tpu.dynamic_gather %select_n3A_406[%gather3A_420] in [0] : vector<16xf32>, vector<16xi32> -> vector<16xf32>
      %min3A_422 = arith.minimumf %select_n3A_406, %gather3A_421 : vector<16xf32>
      %select_n3A_423 = arith.select %eq3A_89, %min3A_410, %min3A_414 : vector<16xi1>, vector<16xf32>
      %select_n3A_424 = arith.select %eq3A_89, %min3A_418, %min3A_422 : vector<16xi1>, vector<16xf32>
      %broadcast_in_dim3A_425 = vector.shape_cast %xor3A_72 : vector<16xi32> to vector<16x1xi32>
      %gather3A_426 = vector.shape_cast %broadcast_in_dim3A_425 : vector<16x1xi32> to vector<16xi32>
      %gather3A_427 = tpu.dynamic_gather %select_n3A_423[%gather3A_426] in [0] : vector<16xf32>, vector<16xi32> -> vector<16xf32>
      %min3A_428 = arith.minimumf %select_n3A_423, %gather3A_427 : vector<16xf32>
      %broadcast_in_dim3A_429 = vector.shape_cast %xor3A_72 : vector<16xi32> to vector<16x1xi32>
      %gather3A_430 = vector.shape_cast %broadcast_in_dim3A_429 : vector<16x1xi32> to vector<16xi32>
      %gather3A_431 = tpu.dynamic_gather %select_n3A_424[%gather3A_430] in [0] : vector<16xf32>, vector<16xi32> -> vector<16xf32>
      %min3A_432 = arith.minimumf %select_n3A_424, %gather3A_431 : vector<16xf32>
      %select_n3A_433 = arith.select %eq3A_95, %min3A_428, %min3A_432 : vector<16xi1>, vector<16xf32>
      %broadcast_in_dim3A_434 = vector.shape_cast %or3A_120 : vector<16xi32> to vector<16x1xi32>
      %gather3A_435 = vector.shape_cast %broadcast_in_dim3A_434 : vector<16x1xi32> to vector<16xi32>
      %gather3A_436 = tpu.dynamic_gather %select_n3A_433[%gather3A_435] in [0] : vector<16xf32>, vector<16xi32> -> vector<16xf32>
      %add3A_437 = arith.addf %gather3A_436, %get3A_295 : vector<16xf32>
      %swap3A = arith.index_cast %mul3A_293 : i32 to index
      %swap3A_438 = tpu.vector_load %arg14[%swap3A] {strides = array<i32>} : memref<512xf32, #tpu.memory_space<vmem>>, vector<16xf32>,
      %swap3A_439 = vector.shape_cast %swap3A_438 : vector<16xf32> to vector<16xf32>
      %swap3A_440 = vector.shape_cast %add3A_437 : vector<16xf32> to vector<16xf32>
      tpu.vector_store %arg14[%swap3A], %swap3A_440 {strides = array<i32>} : memref<512xf32, #tpu.memory_space<vmem>>, vector<16xf32>,
    }
    %scan3A_228 = arith.constant 8 : i32
    %mul3A_229 = arith.constant 1024 : i32
    %mul3A_230 = arith.muli %add3A, %mul3A_229 : i32
    %add3A_231 = arith.addi %mul3A_230, %mul3A_4 : i32
    "tpu.region"() ({
      %run_scoped3A = tpu.sem_alloc : memref<!tpu.dma_semaphore, #tpu.memory_space<semaphore_mem>>
      %dma_start3A = arith.constant 0 : i32
      %dma_start3A_291 = tpu.memref_slice %arg14[%dma_start3A] : memref<512xf32, #tpu.memory_space<vmem>> -> memref<128xf32, #tpu.memory_space<vmem>>
      %dma_start3A_292 = tpu.memref_slice %arg4[%add3A_231] : memref<4096xf32, #tpu.memory_space<hbm>> -> memref<128xf32, #tpu.memory_space<hbm>>
      %dma_start3A_293 = tpu.memref_slice %arg4[%add3A_231] : memref<4096xf32, #tpu.memory_space<hbm>> -> memref<128xf32, #tpu.memory_space<hbm>>
      %dma_start3A_294 = arith.constant 0 : i32
      %dma_start3A_295 = tpu.memref_slice %arg14[%dma_start3A_294] : memref<512xf32, #tpu.memory_space<vmem>> -> memref<128xf32, #tpu.memory_space<vmem>>
      tpu.enqueue_dma source(%dma_start3A_295 : memref<128xf32, #tpu.memory_space<vmem>>) target(%dma_start3A_293 : memref<128xf32, #tpu.memory_space<hbm>>) target_semaphore(%run_scoped3A : memref<!tpu.dma_semaphore, #tpu.memory_space<semaphore_mem>>)
      %dma_wait3A = arith.constant 0 : i32
      %dma_wait3A_296 = tpu.memref_slice %arg14[%dma_wait3A] : memref<512xf32, #tpu.memory_space<vmem>> -> memref<128xf32, #tpu.memory_space<vmem>>
      %dma_wait3A_297 = tpu.memref_slice %arg4[%add3A_231] : memref<4096xf32, #tpu.memory_space<hbm>> -> memref<128xf32, #tpu.memory_space<hbm>>
      %dma_wait3A_298 = tpu.memref_slice %arg4[%add3A_231] : memref<4096xf32, #tpu.memory_space<hbm>> -> memref<128xf32, #tpu.memory_space<hbm>>
      %dma_wait3A_299 = arith.constant 0 : i32
      %dma_wait3A_300 = tpu.memref_slice %arg14[%dma_wait3A_299] : memref<512xf32, #tpu.memory_space<vmem>> -> memref<128xf32, #tpu.memory_space<vmem>>
      tpu.wait_dma2 semaphore(%run_scoped3A : memref<!tpu.dma_semaphore, #tpu.memory_space<semaphore_mem>>) src(%dma_wait3A_300 : memref<128xf32, #tpu.memory_space<vmem>>) dst(%dma_wait3A_298 : memref<128xf32, #tpu.memory_space<hbm>>)
      tpu.yield
    }) : () -> ()
    %mul3A_232 = arith.constant 4096 : i32
    %mul3A_233 = arith.muli %arg1, %mul3A_232 : i32
    "tpu.region"() ({
      %run_scoped3A = tpu.sem_alloc : memref<!tpu.dma_semaphore, #tpu.memory_space<semaphore_mem>>
      %dma_start3A = tpu.memref_slice %arg21[%mul3A_233] : memref<65536xf32, #tpu.memory_space<vmem_shared>> -> memref<4096xf32, #tpu.memory_space<vmem_shared>>
      %dma_start3A_291 = tpu.memref_slice %arg21[%mul3A_233] : memref<65536xf32, #tpu.memory_space<vmem_shared>> -> memref<4096xf32, #tpu.memory_space<vmem_shared>>
      tpu.enqueue_dma source(%arg15 : memref<4096xf32, #tpu.memory_space<vmem>>) target(%dma_start3A_291 : memref<4096xf32, #tpu.memory_space<vmem_shared>>) target_semaphore(%run_scoped3A : memref<!tpu.dma_semaphore, #tpu.memory_space<semaphore_mem>>)
      %dma_wait3A = tpu.memref_slice %arg21[%mul3A_233] : memref<65536xf32, #tpu.memory_space<vmem_shared>> -> memref<4096xf32, #tpu.memory_space<vmem_shared>>
      %dma_wait3A_292 = tpu.memref_slice %arg21[%mul3A_233] : memref<65536xf32, #tpu.memory_space<vmem_shared>> -> memref<4096xf32, #tpu.memory_space<vmem_shared>>
      tpu.wait_dma2 semaphore(%run_scoped3A : memref<!tpu.dma_semaphore, #tpu.memory_space<semaphore_mem>>) src(%arg15 : memref<4096xf32, #tpu.memory_space<vmem>>) dst(%dma_wait3A_292 : memref<4096xf32, #tpu.memory_space<vmem_shared>>)
      tpu.yield
    }) : () -> ()
    %barrier3A = arith.constant 0 : index
    tpu.barrier barrier_id(%barrier3A)
    %shift_right_arithmetic3A_234 = arith.constant 3 : i32
    %shift_right_arithmetic3A_235 = arith.shrsi %arg1, %shift_right_arithmetic3A_234 : i32
    %shift_left3A_236 = arith.constant 3 : i32
    %shift_left3A_237 = arith.shli %shift_right_arithmetic3A_235, %shift_left3A_236 : i32
    %and3A_238 = arith.constant 7 : i32
    %and3A_239 = arith.andi %arg1, %and3A_238 : i32
    %mul3A_240 = arith.constant 512 : i32
    %mul3A_241 = arith.muli %and3A_239, %mul3A_240 : i32
    %add3A_242 = arith.constant 0 : i32
    %add3A_243 = arith.addi %shift_left3A_237, %add3A_242 : i32
    %mul3A_244 = arith.constant 4096 : i32
    %mul3A_245 = arith.muli %add3A_243, %mul3A_244 : i32
    %add3A_246 = arith.addi %mul3A_245, %mul3A_241 : i32
    "tpu.region"() ({
      %run_scoped3A = tpu.sem_alloc : memref<!tpu.dma_semaphore, #tpu.memory_space<semaphore_mem>>
      %dma_start3A = arith.constant 0 : i32
      %dma_start3A_291 = tpu.memref_slice %arg16[%dma_start3A] : memref<4096xf32, #tpu.memory_space<vmem>> -> memref<512xf32, #tpu.memory_space<vmem>>
      %dma_start3A_292 = tpu.memref_slice %arg21[%add3A_246] : memref<65536xf32, #tpu.memory_space<vmem_shared>> -> memref<512xf32, #tpu.memory_space<vmem_shared>>
      %dma_start3A_293 = arith.constant 0 : i32
      %dma_start3A_294 = tpu.memref_slice %arg16[%dma_start3A_293] : memref<4096xf32, #tpu.memory_space<vmem>> -> memref<512xf32, #tpu.memory_space<vmem>>
      %dma_start3A_295 = tpu.memref_slice %arg21[%add3A_246] : memref<65536xf32, #tpu.memory_space<vmem_shared>> -> memref<512xf32, #tpu.memory_space<vmem_shared>>
      tpu.enqueue_dma source(%dma_start3A_295 : memref<512xf32, #tpu.memory_space<vmem_shared>>) target(%dma_start3A_294 : memref<512xf32, #tpu.memory_space<vmem>>) target_semaphore(%run_scoped3A : memref<!tpu.dma_semaphore, #tpu.memory_space<semaphore_mem>>)
      %dma_wait3A = arith.constant 0 : i32
      %dma_wait3A_296 = tpu.memref_slice %arg16[%dma_wait3A] : memref<4096xf32, #tpu.memory_space<vmem>> -> memref<512xf32, #tpu.memory_space<vmem>>
      %dma_wait3A_297 = tpu.memref_slice %arg21[%add3A_246] : memref<65536xf32, #tpu.memory_space<vmem_shared>> -> memref<512xf32, #tpu.memory_space<vmem_shared>>
      %dma_wait3A_298 = arith.constant 0 : i32
      %dma_wait3A_299 = tpu.memref_slice %arg16[%dma_wait3A_298] : memref<4096xf32, #tpu.memory_space<vmem>> -> memref<512xf32, #tpu.memory_space<vmem>>
      %dma_wait3A_300 = tpu.memref_slice %arg21[%add3A_246] : memref<65536xf32, #tpu.memory_space<vmem_shared>> -> memref<512xf32, #tpu.memory_space<vmem_shared>>
      tpu.wait_dma2 semaphore(%run_scoped3A : memref<!tpu.dma_semaphore, #tpu.memory_space<semaphore_mem>>) src(%dma_wait3A_300 : memref<512xf32, #tpu.memory_space<vmem_shared>>) dst(%dma_wait3A_299 : memref<512xf32, #tpu.memory_space<vmem>>)
      tpu.yield
    }) : () -> ()
    %add3A_247 = arith.constant 1 : i32
    %add3A_248 = arith.addi %shift_left3A_237, %add3A_247 : i32
    %mul3A_249 = arith.constant 4096 : i32
    %mul3A_250 = arith.muli %add3A_248, %mul3A_249 : i32
    %add3A_251 = arith.addi %mul3A_250, %mul3A_241 : i32
    "tpu.region"() ({
      %run_scoped3A = tpu.sem_alloc : memref<!tpu.dma_semaphore, #tpu.memory_space<semaphore_mem>>
      %dma_start3A = arith.constant 512 : i32
      %dma_start3A_291 = tpu.memref_slice %arg16[%dma_start3A] : memref<4096xf32, #tpu.memory_space<vmem>> -> memref<512xf32, #tpu.memory_space<vmem>>
      %dma_start3A_292 = tpu.memref_slice %arg21[%add3A_251] : memref<65536xf32, #tpu.memory_space<vmem_shared>> -> memref<512xf32, #tpu.memory_space<vmem_shared>>
      %dma_start3A_293 = arith.constant 512 : i32
      %dma_start3A_294 = tpu.memref_slice %arg16[%dma_start3A_293] : memref<4096xf32, #tpu.memory_space<vmem>> -> memref<512xf32, #tpu.memory_space<vmem>>
      %dma_start3A_295 = tpu.memref_slice %arg21[%add3A_251] : memref<65536xf32, #tpu.memory_space<vmem_shared>> -> memref<512xf32, #tpu.memory_space<vmem_shared>>
      tpu.enqueue_dma source(%dma_start3A_295 : memref<512xf32, #tpu.memory_space<vmem_shared>>) target(%dma_start3A_294 : memref<512xf32, #tpu.memory_space<vmem>>) target_semaphore(%run_scoped3A : memref<!tpu.dma_semaphore, #tpu.memory_space<semaphore_mem>>)
      %dma_wait3A = arith.constant 512 : i32
      %dma_wait3A_296 = tpu.memref_slice %arg16[%dma_wait3A] : memref<4096xf32, #tpu.memory_space<vmem>> -> memref<512xf32, #tpu.memory_space<vmem>>
      %dma_wait3A_297 = tpu.memref_slice %arg21[%add3A_251] : memref<65536xf32, #tpu.memory_space<vmem_shared>> -> memref<512xf32, #tpu.memory_space<vmem_shared>>
      %dma_wait3A_298 = arith.constant 512 : i32
      %dma_wait3A_299 = tpu.memref_slice %arg16[%dma_wait3A_298] : memref<4096xf32, #tpu.memory_space<vmem>> -> memref<512xf32, #tpu.memory_space<vmem>>
      %dma_wait3A_300 = tpu.memref_slice %arg21[%add3A_251] : memref<65536xf32, #tpu.memory_space<vmem_shared>> -> memref<512xf32, #tpu.memory_space<vmem_shared>>
      tpu.wait_dma2 semaphore(%run_scoped3A : memref<!tpu.dma_semaphore, #tpu.memory_space<semaphore_mem>>) src(%dma_wait3A_300 : memref<512xf32, #tpu.memory_space<vmem_shared>>) dst(%dma_wait3A_299 : memref<512xf32, #tpu.memory_space<vmem>>)
      tpu.yield
    }) : () -> ()
    %add3A_252 = arith.constant 2 : i32
    %add3A_253 = arith.addi %shift_left3A_237, %add3A_252 : i32
    %mul3A_254 = arith.constant 4096 : i32
    %mul3A_255 = arith.muli %add3A_253, %mul3A_254 : i32
    %add3A_256 = arith.addi %mul3A_255, %mul3A_241 : i32
    "tpu.region"() ({
      %run_scoped3A = tpu.sem_alloc : memref<!tpu.dma_semaphore, #tpu.memory_space<semaphore_mem>>
      %dma_start3A = arith.constant 1024 : i32
      %dma_start3A_291 = tpu.memref_slice %arg16[%dma_start3A] : memref<4096xf32, #tpu.memory_space<vmem>> -> memref<512xf32, #tpu.memory_space<vmem>>
      %dma_start3A_292 = tpu.memref_slice %arg21[%add3A_256] : memref<65536xf32, #tpu.memory_space<vmem_shared>> -> memref<512xf32, #tpu.memory_space<vmem_shared>>
      %dma_start3A_293 = arith.constant 1024 : i32
      %dma_start3A_294 = tpu.memref_slice %arg16[%dma_start3A_293] : memref<4096xf32, #tpu.memory_space<vmem>> -> memref<512xf32, #tpu.memory_space<vmem>>
      %dma_start3A_295 = tpu.memref_slice %arg21[%add3A_256] : memref<65536xf32, #tpu.memory_space<vmem_shared>> -> memref<512xf32, #tpu.memory_space<vmem_shared>>
      tpu.enqueue_dma source(%dma_start3A_295 : memref<512xf32, #tpu.memory_space<vmem_shared>>) target(%dma_start3A_294 : memref<512xf32, #tpu.memory_space<vmem>>) target_semaphore(%run_scoped3A : memref<!tpu.dma_semaphore, #tpu.memory_space<semaphore_mem>>)
      %dma_wait3A = arith.constant 1024 : i32
      %dma_wait3A_296 = tpu.memref_slice %arg16[%dma_wait3A] : memref<4096xf32, #tpu.memory_space<vmem>> -> memref<512xf32, #tpu.memory_space<vmem>>
      %dma_wait3A_297 = tpu.memref_slice %arg21[%add3A_256] : memref<65536xf32, #tpu.memory_space<vmem_shared>> -> memref<512xf32, #tpu.memory_space<vmem_shared>>
      %dma_wait3A_298 = arith.constant 1024 : i32
      %dma_wait3A_299 = tpu.memref_slice %arg16[%dma_wait3A_298] : memref<4096xf32, #tpu.memory_space<vmem>> -> memref<512xf32, #tpu.memory_space<vmem>>
      %dma_wait3A_300 = tpu.memref_slice %arg21[%add3A_256] : memref<65536xf32, #tpu.memory_space<vmem_shared>> -> memref<512xf32, #tpu.memory_space<vmem_shared>>
      tpu.wait_dma2 semaphore(%run_scoped3A : memref<!tpu.dma_semaphore, #tpu.memory_space<semaphore_mem>>) src(%dma_wait3A_300 : memref<512xf32, #tpu.memory_space<vmem_shared>>) dst(%dma_wait3A_299 : memref<512xf32, #tpu.memory_space<vmem>>)
      tpu.yield
    }) : () -> ()
    %add3A_257 = arith.constant 3 : i32
    %add3A_258 = arith.addi %shift_left3A_237, %add3A_257 : i32
    %mul3A_259 = arith.constant 4096 : i32
    %mul3A_260 = arith.muli %add3A_258, %mul3A_259 : i32
    %add3A_261 = arith.addi %mul3A_260, %mul3A_241 : i32
    "tpu.region"() ({
      %run_scoped3A = tpu.sem_alloc : memref<!tpu.dma_semaphore, #tpu.memory_space<semaphore_mem>>
      %dma_start3A = arith.constant 1536 : i32
      %dma_start3A_291 = tpu.memref_slice %arg16[%dma_start3A] : memref<4096xf32, #tpu.memory_space<vmem>> -> memref<512xf32, #tpu.memory_space<vmem>>
      %dma_start3A_292 = tpu.memref_slice %arg21[%add3A_261] : memref<65536xf32, #tpu.memory_space<vmem_shared>> -> memref<512xf32, #tpu.memory_space<vmem_shared>>
      %dma_start3A_293 = arith.constant 1536 : i32
      %dma_start3A_294 = tpu.memref_slice %arg16[%dma_start3A_293] : memref<4096xf32, #tpu.memory_space<vmem>> -> memref<512xf32, #tpu.memory_space<vmem>>
      %dma_start3A_295 = tpu.memref_slice %arg21[%add3A_261] : memref<65536xf32, #tpu.memory_space<vmem_shared>> -> memref<512xf32, #tpu.memory_space<vmem_shared>>
      tpu.enqueue_dma source(%dma_start3A_295 : memref<512xf32, #tpu.memory_space<vmem_shared>>) target(%dma_start3A_294 : memref<512xf32, #tpu.memory_space<vmem>>) target_semaphore(%run_scoped3A : memref<!tpu.dma_semaphore, #tpu.memory_space<semaphore_mem>>)
      %dma_wait3A = arith.constant 1536 : i32
      %dma_wait3A_296 = tpu.memref_slice %arg16[%dma_wait3A] : memref<4096xf32, #tpu.memory_space<vmem>> -> memref<512xf32, #tpu.memory_space<vmem>>
      %dma_wait3A_297 = tpu.memref_slice %arg21[%add3A_261] : memref<65536xf32, #tpu.memory_space<vmem_shared>> -> memref<512xf32, #tpu.memory_space<vmem_shared>>
      %dma_wait3A_298 = arith.constant 1536 : i32
      %dma_wait3A_299 = tpu.memref_slice %arg16[%dma_wait3A_298] : memref<4096xf32, #tpu.memory_space<vmem>> -> memref<512xf32, #tpu.memory_space<vmem>>
      %dma_wait3A_300 = tpu.memref_slice %arg21[%add3A_261] : memref<65536xf32, #tpu.memory_space<vmem_shared>> -> memref<512xf32, #tpu.memory_space<vmem_shared>>
      tpu.wait_dma2 semaphore(%run_scoped3A : memref<!tpu.dma_semaphore, #tpu.memory_space<semaphore_mem>>) src(%dma_wait3A_300 : memref<512xf32, #tpu.memory_space<vmem_shared>>) dst(%dma_wait3A_299 : memref<512xf32, #tpu.memory_space<vmem>>)
      tpu.yield
    }) : () -> ()
    %add3A_262 = arith.constant 4 : i32
    %add3A_263 = arith.addi %shift_left3A_237, %add3A_262 : i32
    %mul3A_264 = arith.constant 4096 : i32
    %mul3A_265 = arith.muli %add3A_263, %mul3A_264 : i32
    %add3A_266 = arith.addi %mul3A_265, %mul3A_241 : i32
    "tpu.region"() ({
      %run_scoped3A = tpu.sem_alloc : memref<!tpu.dma_semaphore, #tpu.memory_space<semaphore_mem>>
      %dma_start3A = arith.constant 2048 : i32
      %dma_start3A_291 = tpu.memref_slice %arg16[%dma_start3A] : memref<4096xf32, #tpu.memory_space<vmem>> -> memref<512xf32, #tpu.memory_space<vmem>>
      %dma_start3A_292 = tpu.memref_slice %arg21[%add3A_266] : memref<65536xf32, #tpu.memory_space<vmem_shared>> -> memref<512xf32, #tpu.memory_space<vmem_shared>>
      %dma_start3A_293 = arith.constant 2048 : i32
      %dma_start3A_294 = tpu.memref_slice %arg16[%dma_start3A_293] : memref<4096xf32, #tpu.memory_space<vmem>> -> memref<512xf32, #tpu.memory_space<vmem>>
      %dma_start3A_295 = tpu.memref_slice %arg21[%add3A_266] : memref<65536xf32, #tpu.memory_space<vmem_shared>> -> memref<512xf32, #tpu.memory_space<vmem_shared>>
      tpu.enqueue_dma source(%dma_start3A_295 : memref<512xf32, #tpu.memory_space<vmem_shared>>) target(%dma_start3A_294 : memref<512xf32, #tpu.memory_space<vmem>>) target_semaphore(%run_scoped3A : memref<!tpu.dma_semaphore, #tpu.memory_space<semaphore_mem>>)
      %dma_wait3A = arith.constant 2048 : i32
      %dma_wait3A_296 = tpu.memref_slice %arg16[%dma_wait3A] : memref<4096xf32, #tpu.memory_space<vmem>> -> memref<512xf32, #tpu.memory_space<vmem>>
      %dma_wait3A_297 = tpu.memref_slice %arg21[%add3A_266] : memref<65536xf32, #tpu.memory_space<vmem_shared>> -> memref<512xf32, #tpu.memory_space<vmem_shared>>
      %dma_wait3A_298 = arith.constant 2048 : i32
      %dma_wait3A_299 = tpu.memref_slice %arg16[%dma_wait3A_298] : memref<4096xf32, #tpu.memory_space<vmem>> -> memref<512xf32, #tpu.memory_space<vmem>>
      %dma_wait3A_300 = tpu.memref_slice %arg21[%add3A_266] : memref<65536xf32, #tpu.memory_space<vmem_shared>> -> memref<512xf32, #tpu.memory_space<vmem_shared>>
      tpu.wait_dma2 semaphore(%run_scoped3A : memref<!tpu.dma_semaphore, #tpu.memory_space<semaphore_mem>>) src(%dma_wait3A_300 : memref<512xf32, #tpu.memory_space<vmem_shared>>) dst(%dma_wait3A_299 : memref<512xf32, #tpu.memory_space<vmem>>)
      tpu.yield
    }) : () -> ()
    %add3A_267 = arith.constant 5 : i32
    %add3A_268 = arith.addi %shift_left3A_237, %add3A_267 : i32
    %mul3A_269 = arith.constant 4096 : i32
    %mul3A_270 = arith.muli %add3A_268, %mul3A_269 : i32
    %add3A_271 = arith.addi %mul3A_270, %mul3A_241 : i32
    "tpu.region"() ({
      %run_scoped3A = tpu.sem_alloc : memref<!tpu.dma_semaphore, #tpu.memory_space<semaphore_mem>>
      %dma_start3A = arith.constant 2560 : i32
      %dma_start3A_291 = tpu.memref_slice %arg16[%dma_start3A] : memref<4096xf32, #tpu.memory_space<vmem>> -> memref<512xf32, #tpu.memory_space<vmem>>
      %dma_start3A_292 = tpu.memref_slice %arg21[%add3A_271] : memref<65536xf32, #tpu.memory_space<vmem_shared>> -> memref<512xf32, #tpu.memory_space<vmem_shared>>
      %dma_start3A_293 = arith.constant 2560 : i32
      %dma_start3A_294 = tpu.memref_slice %arg16[%dma_start3A_293] : memref<4096xf32, #tpu.memory_space<vmem>> -> memref<512xf32, #tpu.memory_space<vmem>>
      %dma_start3A_295 = tpu.memref_slice %arg21[%add3A_271] : memref<65536xf32, #tpu.memory_space<vmem_shared>> -> memref<512xf32, #tpu.memory_space<vmem_shared>>
      tpu.enqueue_dma source(%dma_start3A_295 : memref<512xf32, #tpu.memory_space<vmem_shared>>) target(%dma_start3A_294 : memref<512xf32, #tpu.memory_space<vmem>>) target_semaphore(%run_scoped3A : memref<!tpu.dma_semaphore, #tpu.memory_space<semaphore_mem>>)
      %dma_wait3A = arith.constant 2560 : i32
      %dma_wait3A_296 = tpu.memref_slice %arg16[%dma_wait3A] : memref<4096xf32, #tpu.memory_space<vmem>> -> memref<512xf32, #tpu.memory_space<vmem>>
      %dma_wait3A_297 = tpu.memref_slice %arg21[%add3A_271] : memref<65536xf32, #tpu.memory_space<vmem_shared>> -> memref<512xf32, #tpu.memory_space<vmem_shared>>
      %dma_wait3A_298 = arith.constant 2560 : i32
      %dma_wait3A_299 = tpu.memref_slice %arg16[%dma_wait3A_298] : memref<4096xf32, #tpu.memory_space<vmem>> -> memref<512xf32, #tpu.memory_space<vmem>>
      %dma_wait3A_300 = tpu.memref_slice %arg21[%add3A_271] : memref<65536xf32, #tpu.memory_space<vmem_shared>> -> memref<512xf32, #tpu.memory_space<vmem_shared>>
      tpu.wait_dma2 semaphore(%run_scoped3A : memref<!tpu.dma_semaphore, #tpu.memory_space<semaphore_mem>>) src(%dma_wait3A_300 : memref<512xf32, #tpu.memory_space<vmem_shared>>) dst(%dma_wait3A_299 : memref<512xf32, #tpu.memory_space<vmem>>)
      tpu.yield
    }) : () -> ()
    %add3A_272 = arith.constant 6 : i32
    %add3A_273 = arith.addi %shift_left3A_237, %add3A_272 : i32
    %mul3A_274 = arith.constant 4096 : i32
    %mul3A_275 = arith.muli %add3A_273, %mul3A_274 : i32
    %add3A_276 = arith.addi %mul3A_275, %mul3A_241 : i32
    "tpu.region"() ({
      %run_scoped3A = tpu.sem_alloc : memref<!tpu.dma_semaphore, #tpu.memory_space<semaphore_mem>>
      %dma_start3A = arith.constant 3072 : i32
      %dma_start3A_291 = tpu.memref_slice %arg16[%dma_start3A] : memref<4096xf32, #tpu.memory_space<vmem>> -> memref<512xf32, #tpu.memory_space<vmem>>
      %dma_start3A_292 = tpu.memref_slice %arg21[%add3A_276] : memref<65536xf32, #tpu.memory_space<vmem_shared>> -> memref<512xf32, #tpu.memory_space<vmem_shared>>
      %dma_start3A_293 = arith.constant 3072 : i32
      %dma_start3A_294 = tpu.memref_slice %arg16[%dma_start3A_293] : memref<4096xf32, #tpu.memory_space<vmem>> -> memref<512xf32, #tpu.memory_space<vmem>>
      %dma_start3A_295 = tpu.memref_slice %arg21[%add3A_276] : memref<65536xf32, #tpu.memory_space<vmem_shared>> -> memref<512xf32, #tpu.memory_space<vmem_shared>>
      tpu.enqueue_dma source(%dma_start3A_295 : memref<512xf32, #tpu.memory_space<vmem_shared>>) target(%dma_start3A_294 : memref<512xf32, #tpu.memory_space<vmem>>) target_semaphore(%run_scoped3A : memref<!tpu.dma_semaphore, #tpu.memory_space<semaphore_mem>>)
      %dma_wait3A = arith.constant 3072 : i32
      %dma_wait3A_296 = tpu.memref_slice %arg16[%dma_wait3A] : memref<4096xf32, #tpu.memory_space<vmem>> -> memref<512xf32, #tpu.memory_space<vmem>>
      %dma_wait3A_297 = tpu.memref_slice %arg21[%add3A_276] : memref<65536xf32, #tpu.memory_space<vmem_shared>> -> memref<512xf32, #tpu.memory_space<vmem_shared>>
      %dma_wait3A_298 = arith.constant 3072 : i32
      %dma_wait3A_299 = tpu.memref_slice %arg16[%dma_wait3A_298] : memref<4096xf32, #tpu.memory_space<vmem>> -> memref<512xf32, #tpu.memory_space<vmem>>
      %dma_wait3A_300 = tpu.memref_slice %arg21[%add3A_276] : memref<65536xf32, #tpu.memory_space<vmem_shared>> -> memref<512xf32, #tpu.memory_space<vmem_shared>>
      tpu.wait_dma2 semaphore(%run_scoped3A : memref<!tpu.dma_semaphore, #tpu.memory_space<semaphore_mem>>) src(%dma_wait3A_300 : memref<512xf32, #tpu.memory_space<vmem_shared>>) dst(%dma_wait3A_299 : memref<512xf32, #tpu.memory_space<vmem>>)
      tpu.yield
    }) : () -> ()
    %add3A_277 = arith.constant 7 : i32
    %add3A_278 = arith.addi %shift_left3A_237, %add3A_277 : i32
    %mul3A_279 = arith.constant 4096 : i32
    %mul3A_280 = arith.muli %add3A_278, %mul3A_279 : i32
    %add3A_281 = arith.addi %mul3A_280, %mul3A_241 : i32
    "tpu.region"() ({
      %run_scoped3A = tpu.sem_alloc : memref<!tpu.dma_semaphore, #tpu.memory_space<semaphore_mem>>
      %dma_start3A = arith.constant 3584 : i32
      %dma_start3A_291 = tpu.memref_slice %arg16[%dma_start3A] : memref<4096xf32, #tpu.memory_space<vmem>> -> memref<512xf32, #tpu.memory_space<vmem>>
      %dma_start3A_292 = tpu.memref_slice %arg21[%add3A_281] : memref<65536xf32, #tpu.memory_space<vmem_shared>> -> memref<512xf32, #tpu.memory_space<vmem_shared>>
      %dma_start3A_293 = arith.constant 3584 : i32
      %dma_start3A_294 = tpu.memref_slice %arg16[%dma_start3A_293] : memref<4096xf32, #tpu.memory_space<vmem>> -> memref<512xf32, #tpu.memory_space<vmem>>
      %dma_start3A_295 = tpu.memref_slice %arg21[%add3A_281] : memref<65536xf32, #tpu.memory_space<vmem_shared>> -> memref<512xf32, #tpu.memory_space<vmem_shared>>
      tpu.enqueue_dma source(%dma_start3A_295 : memref<512xf32, #tpu.memory_space<vmem_shared>>) target(%dma_start3A_294 : memref<512xf32, #tpu.memory_space<vmem>>) target_semaphore(%run_scoped3A : memref<!tpu.dma_semaphore, #tpu.memory_space<semaphore_mem>>)
      %dma_wait3A = arith.constant 3584 : i32
      %dma_wait3A_296 = tpu.memref_slice %arg16[%dma_wait3A] : memref<4096xf32, #tpu.memory_space<vmem>> -> memref<512xf32, #tpu.memory_space<vmem>>
      %dma_wait3A_297 = tpu.memref_slice %arg21[%add3A_281] : memref<65536xf32, #tpu.memory_space<vmem_shared>> -> memref<512xf32, #tpu.memory_space<vmem_shared>>
      %dma_wait3A_298 = arith.constant 3584 : i32
      %dma_wait3A_299 = tpu.memref_slice %arg16[%dma_wait3A_298] : memref<4096xf32, #tpu.memory_space<vmem>> -> memref<512xf32, #tpu.memory_space<vmem>>
      %dma_wait3A_300 = tpu.memref_slice %arg21[%add3A_281] : memref<65536xf32, #tpu.memory_space<vmem_shared>> -> memref<512xf32, #tpu.memory_space<vmem_shared>>
      tpu.wait_dma2 semaphore(%run_scoped3A : memref<!tpu.dma_semaphore, #tpu.memory_space<semaphore_mem>>) src(%dma_wait3A_300 : memref<512xf32, #tpu.memory_space<vmem_shared>>) dst(%dma_wait3A_299 : memref<512xf32, #tpu.memory_space<vmem>>)
      tpu.yield
    }) : () -> ()
    %scan3A_282 = arith.constant 0 : i32
    %scan3A_283 = arith.constant 0 : i32
    %scan3A_284 = arith.constant 32 : i32
    %scan3A_285 = arith.addi %scan3A_283, %scan3A_284 : i32
    %scan3A_286 = arith.constant 1 : i32
    scf.for %scan3A_291 = %scan3A_283 to %scan3A_285 step %scan3A_286  : i32 {
      %mul3A_292 = arith.constant 16 : i32
      %mul3A_293 = arith.muli %scan3A_291, %mul3A_292 : i32
      %mul3A_294 = arith.constant 16 : i32
      %mul3A_295 = arith.muli %scan3A_291, %mul3A_294 : i32
      %add3A_296 = arith.constant 0 : i32
      %add3A_297 = arith.addi %add3A_296, %mul3A_295 : i32
      %get3A = arith.index_cast %add3A_297 : i32 to index
      %get3A_298 = tpu.vector_load %arg16[%get3A] {strides = array<i32>} : memref<4096xf32, #tpu.memory_space<vmem>>, vector<16xf32>,
      %get3A_299 = vector.shape_cast %get3A_298 : vector<16xf32> to vector<16xf32>
      %mul3A_300 = arith.constant 16 : i32
      %mul3A_301 = arith.muli %scan3A_291, %mul3A_300 : i32
      %add3A_302 = arith.constant 512 : i32
      %add3A_303 = arith.addi %add3A_302, %mul3A_301 : i32
      %get3A_304 = arith.index_cast %add3A_303 : i32 to index
      %get3A_305 = tpu.vector_load %arg16[%get3A_304] {strides = array<i32>} : memref<4096xf32, #tpu.memory_space<vmem>>, vector<16xf32>,
      %get3A_306 = vector.shape_cast %get3A_305 : vector<16xf32> to vector<16xf32>
      %min3A = arith.minimumf %get3A_299, %get3A_306 : vector<16xf32>
      %mul3A_307 = arith.constant 16 : i32
      %mul3A_308 = arith.muli %scan3A_291, %mul3A_307 : i32
      %add3A_309 = arith.constant 1024 : i32
      %add3A_310 = arith.addi %add3A_309, %mul3A_308 : i32
      %get3A_311 = arith.index_cast %add3A_310 : i32 to index
      %get3A_312 = tpu.vector_load %arg16[%get3A_311] {strides = array<i32>} : memref<4096xf32, #tpu.memory_space<vmem>>, vector<16xf32>,
      %get3A_313 = vector.shape_cast %get3A_312 : vector<16xf32> to vector<16xf32>
      %min3A_314 = arith.minimumf %min3A, %get3A_313 : vector<16xf32>
      %mul3A_315 = arith.constant 16 : i32
      %mul3A_316 = arith.muli %scan3A_291, %mul3A_315 : i32
      %add3A_317 = arith.constant 1536 : i32
      %add3A_318 = arith.addi %add3A_317, %mul3A_316 : i32
      %get3A_319 = arith.index_cast %add3A_318 : i32 to index
      %get3A_320 = tpu.vector_load %arg16[%get3A_319] {strides = array<i32>} : memref<4096xf32, #tpu.memory_space<vmem>>, vector<16xf32>,
      %get3A_321 = vector.shape_cast %get3A_320 : vector<16xf32> to vector<16xf32>
      %min3A_322 = arith.minimumf %min3A_314, %get3A_321 : vector<16xf32>
      %mul3A_323 = arith.constant 16 : i32
      %mul3A_324 = arith.muli %scan3A_291, %mul3A_323 : i32
      %add3A_325 = arith.constant 2048 : i32
      %add3A_326 = arith.addi %add3A_325, %mul3A_324 : i32
      %get3A_327 = arith.index_cast %add3A_326 : i32 to index
      %get3A_328 = tpu.vector_load %arg16[%get3A_327] {strides = array<i32>} : memref<4096xf32, #tpu.memory_space<vmem>>, vector<16xf32>,
      %get3A_329 = vector.shape_cast %get3A_328 : vector<16xf32> to vector<16xf32>
      %min3A_330 = arith.minimumf %min3A_322, %get3A_329 : vector<16xf32>
      %mul3A_331 = arith.constant 16 : i32
      %mul3A_332 = arith.muli %scan3A_291, %mul3A_331 : i32
      %add3A_333 = arith.constant 2560 : i32
      %add3A_334 = arith.addi %add3A_333, %mul3A_332 : i32
      %get3A_335 = arith.index_cast %add3A_334 : i32 to index
      %get3A_336 = tpu.vector_load %arg16[%get3A_335] {strides = array<i32>} : memref<4096xf32, #tpu.memory_space<vmem>>, vector<16xf32>,
      %get3A_337 = vector.shape_cast %get3A_336 : vector<16xf32> to vector<16xf32>
      %min3A_338 = arith.minimumf %min3A_330, %get3A_337 : vector<16xf32>
      %mul3A_339 = arith.constant 16 : i32
      %mul3A_340 = arith.muli %scan3A_291, %mul3A_339 : i32
      %add3A_341 = arith.constant 3072 : i32
      %add3A_342 = arith.addi %add3A_341, %mul3A_340 : i32
      %get3A_343 = arith.index_cast %add3A_342 : i32 to index
      %get3A_344 = tpu.vector_load %arg16[%get3A_343] {strides = array<i32>} : memref<4096xf32, #tpu.memory_space<vmem>>, vector<16xf32>,
      %get3A_345 = vector.shape_cast %get3A_344 : vector<16xf32> to vector<16xf32>
      %min3A_346 = arith.minimumf %min3A_338, %get3A_345 : vector<16xf32>
      %mul3A_347 = arith.constant 16 : i32
      %mul3A_348 = arith.muli %scan3A_291, %mul3A_347 : i32
      %add3A_349 = arith.constant 3584 : i32
      %add3A_350 = arith.addi %add3A_349, %mul3A_348 : i32
      %get3A_351 = arith.index_cast %add3A_350 : i32 to index
      %get3A_352 = tpu.vector_load %arg16[%get3A_351] {strides = array<i32>} : memref<4096xf32, #tpu.memory_space<vmem>>, vector<16xf32>,
      %get3A_353 = vector.shape_cast %get3A_352 : vector<16xf32> to vector<16xf32>
      %min3A_354 = arith.minimumf %min3A_346, %get3A_353 : vector<16xf32>
      %mul3A_355 = arith.constant 16 : i32
      %mul3A_356 = arith.muli %scan3A_291, %mul3A_355 : i32
      %add3A_357 = arith.addi %mul3A_241, %mul3A_356 : i32
      %get3A_358 = arith.index_cast %add3A_357 : i32 to index
      %get3A_359 = tpu.vector_load %arg9[%get3A_358] {strides = array<i32>} : memref<4096xf32, #tpu.memory_space<vmem>>, vector<16xf32>,
      %get3A_360 = vector.shape_cast %get3A_359 : vector<16xf32> to vector<16xf32>
      %add3A_361 = arith.addf %min3A_354, %get3A_360 : vector<16xf32>
      %swap3A = arith.index_cast %mul3A_293 : i32 to index
      %swap3A_362 = tpu.vector_load %arg14[%swap3A] {strides = array<i32>} : memref<512xf32, #tpu.memory_space<vmem>>, vector<16xf32>,
      %swap3A_363 = vector.shape_cast %swap3A_362 : vector<16xf32> to vector<16xf32>
      %swap3A_364 = vector.shape_cast %add3A_361 : vector<16xf32> to vector<16xf32>
      tpu.vector_store %arg14[%swap3A], %swap3A_364 {strides = array<i32>} : memref<512xf32, #tpu.memory_space<vmem>>, vector<16xf32>,
    }
    %scan3A_287 = arith.constant 32 : i32
    %mul3A_288 = arith.constant 4096 : i32
    %mul3A_289 = arith.muli %add3A, %mul3A_288 : i32
    %add3A_290 = arith.addi %mul3A_289, %mul3A_241 : i32
    "tpu.region"() ({
      %run_scoped3A = tpu.sem_alloc : memref<!tpu.dma_semaphore, #tpu.memory_space<semaphore_mem>>
      %dma_start3A = arith.constant 0 : i32
      %dma_start3A_291 = tpu.memref_slice %arg14[%dma_start3A] : memref<512xf32, #tpu.memory_space<vmem>> -> memref<512xf32, #tpu.memory_space<vmem>>
      %dma_start3A_292 = tpu.memref_slice %arg5[%add3A_290] : memref<16384xf32, #tpu.memory_space<hbm>> -> memref<512xf32, #tpu.memory_space<hbm>>
      %dma_start3A_293 = tpu.memref_slice %arg5[%add3A_290] : memref<16384xf32, #tpu.memory_space<hbm>> -> memref<512xf32, #tpu.memory_space<hbm>>
      %dma_start3A_294 = arith.constant 0 : i32
      %dma_start3A_295 = tpu.memref_slice %arg14[%dma_start3A_294] : memref<512xf32, #tpu.memory_space<vmem>> -> memref<512xf32, #tpu.memory_space<vmem>>
      tpu.enqueue_dma source(%dma_start3A_295 : memref<512xf32, #tpu.memory_space<vmem>>) target(%dma_start3A_293 : memref<512xf32, #tpu.memory_space<hbm>>) target_semaphore(%run_scoped3A : memref<!tpu.dma_semaphore, #tpu.memory_space<semaphore_mem>>)
      %dma_wait3A = arith.constant 0 : i32
      %dma_wait3A_296 = tpu.memref_slice %arg14[%dma_wait3A] : memref<512xf32, #tpu.memory_space<vmem>> -> memref<512xf32, #tpu.memory_space<vmem>>
      %dma_wait3A_297 = tpu.memref_slice %arg5[%add3A_290] : memref<16384xf32, #tpu.memory_space<hbm>> -> memref<512xf32, #tpu.memory_space<hbm>>
      %dma_wait3A_298 = tpu.memref_slice %arg5[%add3A_290] : memref<16384xf32, #tpu.memory_space<hbm>> -> memref<512xf32, #tpu.memory_space<hbm>>
      %dma_wait3A_299 = arith.constant 0 : i32
      %dma_wait3A_300 = tpu.memref_slice %arg14[%dma_wait3A_299] : memref<512xf32, #tpu.memory_space<vmem>> -> memref<512xf32, #tpu.memory_space<vmem>>
      tpu.wait_dma2 semaphore(%run_scoped3A : memref<!tpu.dma_semaphore, #tpu.memory_space<semaphore_mem>>) src(%dma_wait3A_300 : memref<512xf32, #tpu.memory_space<vmem>>) dst(%dma_wait3A_298 : memref<512xf32, #tpu.memory_space<hbm>>)
      tpu.yield
    }) : () -> ()
    return
  }
}

module attributes {stable_mosaic.version = 14 : i64} {
  func.func @_tc_body(%arg0: i32, %arg1: i32, %arg2: memref<1x1536x3xf32, #tpu.memory_space<vmem>>, %arg3: memref<1x3x4096xf32, #tpu.memory_space<vmem>>, %arg4: memref<1x1x3072xf32, #tpu.memory_space<vmem>>, %arg5: memref<1x1x4096xf32, #tpu.memory_space<vmem>>) attributes {dimension_semantics = [#tpu.dimension_semantics<parallel>, #tpu.dimension_semantics<arbitrary>], iteration_bounds = array<i64: 4, 2>, scalar_prefetch = 0 : i64, scratch_operands = 0 : i64, tpu.core_type = #tpu.core_type<tc>, window_params = [{transform_indices = @transform_0, window_bounds = array<i64: 1, 1536, 3>}, {transform_indices = @transform_1, window_bounds = array<i64: 1, 3, 4096>}, {transform_indices = @transform_2, window_bounds = array<i64: 1, 1, 3072>}, {transform_indices = @transform_3, window_bounds = array<i64: 1, 1, 4096>}]} {
    %get3A = arith.constant 0 : index
    %get3A_0 = arith.constant 0 : index
    %get3A_1 = arith.constant 0 : index
    %get3A_2 = vector.load %arg2[%get3A, %get3A_0, %get3A_1] : memref<1x1536x3xf32, #tpu.memory_space<vmem>>, vector<1x1536x3xf32>
    %get3A_3 = vector.shape_cast %get3A_2 : vector<1x1536x3xf32> to vector<1536x3xf32>
    %get3A_4 = arith.constant 0 : index
    %get3A_5 = arith.constant 0 : index
    %get3A_6 = arith.constant 0 : index
    %get3A_7 = vector.load %arg3[%get3A_4, %get3A_5, %get3A_6] : memref<1x3x4096xf32, #tpu.memory_space<vmem>>, vector<1x3x4096xf32>
    %get3A_8 = vector.shape_cast %get3A_7 : vector<1x3x4096xf32> to vector<3x4096xf32>
    %mul3A = arith.mulf %get3A_3, %get3A_3 : vector<1536x3xf32>
    %reduce_sum3A = arith.constant dense<0.000000e+00> : vector<1536xf32>
    %reduce_sum3A_9 = vector.multi_reduction <add>, %mul3A, %reduce_sum3A [1] : vector<1536x3xf32> to vector<1536xf32>
    %broadcast_in_dim3A = vector.shape_cast %reduce_sum3A_9 : vector<1536xf32> to vector<1536x1xf32>
    %mul3A_10 = arith.mulf %get3A_8, %get3A_8 : vector<3x4096xf32>
    %reduce_sum3A_11 = arith.constant dense<0.000000e+00> : vector<4096xf32>
    %reduce_sum3A_12 = vector.multi_reduction <add>, %mul3A_10, %reduce_sum3A_11 [0] : vector<3x4096xf32> to vector<4096xf32>
    %broadcast_in_dim3A_13 = vector.shape_cast %reduce_sum3A_12 : vector<4096xf32> to vector<1x4096xf32>
    %slice3A = vector.extract_strided_slice %get3A_3 {offsets = [0, 0], sizes = [1536, 1], strides = [1, 1]} : vector<1536x3xf32> to vector<1536x1xf32>
    %mul3A_14 = arith.constant -2.000000e+00 : f32
    %mul3A_15 = vector.broadcast %mul3A_14 : f32 to vector<1536x1xf32>
    %mul3A_16 = arith.mulf %slice3A, %mul3A_15 : vector<1536x1xf32>
    %slice3A_17 = vector.extract_strided_slice %get3A_8 {offsets = [0, 0], sizes = [1, 4096], strides = [1, 1]} : vector<3x4096xf32> to vector<1x4096xf32>
    %mul3A_18 = vector.broadcast %mul3A_16 : vector<1536x1xf32> to vector<1536x4096xf32>
    %mul3A_19 = vector.broadcast %slice3A_17 : vector<1x4096xf32> to vector<1536x4096xf32>
    %mul3A_20 = arith.mulf %mul3A_18, %mul3A_19 : vector<1536x4096xf32>
    %add3A = vector.broadcast %broadcast_in_dim3A_13 : vector<1x4096xf32> to vector<1536x4096xf32>
    %add3A_21 = arith.addf %add3A, %mul3A_20 : vector<1536x4096xf32>
    %slice3A_22 = vector.extract_strided_slice %get3A_3 {offsets = [0, 1], sizes = [1536, 1], strides = [1, 1]} : vector<1536x3xf32> to vector<1536x1xf32>
    %mul3A_23 = arith.constant -2.000000e+00 : f32
    %mul3A_24 = vector.broadcast %mul3A_23 : f32 to vector<1536x1xf32>
    %mul3A_25 = arith.mulf %slice3A_22, %mul3A_24 : vector<1536x1xf32>
    %slice3A_26 = vector.extract_strided_slice %get3A_8 {offsets = [1, 0], sizes = [1, 4096], strides = [1, 1]} : vector<3x4096xf32> to vector<1x4096xf32>
    %mul3A_27 = vector.broadcast %mul3A_25 : vector<1536x1xf32> to vector<1536x4096xf32>
    %mul3A_28 = vector.broadcast %slice3A_26 : vector<1x4096xf32> to vector<1536x4096xf32>
    %mul3A_29 = arith.mulf %mul3A_27, %mul3A_28 : vector<1536x4096xf32>
    %add3A_30 = arith.addf %add3A_21, %mul3A_29 : vector<1536x4096xf32>
    %slice3A_31 = vector.extract_strided_slice %get3A_3 {offsets = [0, 2], sizes = [1536, 1], strides = [1, 1]} : vector<1536x3xf32> to vector<1536x1xf32>
    %mul3A_32 = arith.constant -2.000000e+00 : f32
    %mul3A_33 = vector.broadcast %mul3A_32 : f32 to vector<1536x1xf32>
    %mul3A_34 = arith.mulf %slice3A_31, %mul3A_33 : vector<1536x1xf32>
    %slice3A_35 = vector.extract_strided_slice %get3A_8 {offsets = [2, 0], sizes = [1, 4096], strides = [1, 1]} : vector<3x4096xf32> to vector<1x4096xf32>
    %mul3A_36 = vector.broadcast %mul3A_34 : vector<1536x1xf32> to vector<1536x4096xf32>
    %mul3A_37 = vector.broadcast %slice3A_35 : vector<1x4096xf32> to vector<1536x4096xf32>
    %mul3A_38 = arith.mulf %mul3A_36, %mul3A_37 : vector<1536x4096xf32>
    %add3A_39 = arith.addf %add3A_30, %mul3A_38 : vector<1536x4096xf32>
    %reduce_min3A = arith.constant dense<0x7F800000> : vector<1536xf32>
    %reduce_min3A_40 = vector.multi_reduction <minimumf>, %add3A_39, %reduce_min3A [1] : vector<1536x4096xf32> to vector<1536xf32>
    %squeeze3A = vector.shape_cast %broadcast_in_dim3A : vector<1536x1xf32> to vector<1536xf32>
    %add3A_41 = arith.addf %reduce_min3A_40, %squeeze3A : vector<1536xf32>
    %mul3A_42 = arith.constant 1536 : i32
    %mul3A_43 = arith.muli %arg1, %mul3A_42 : i32
    %swap3A = arith.constant 0 : index
    %swap3A_44 = arith.constant 0 : index
    %swap3A_45 = arith.index_cast %mul3A_43 : i32 to index
    %swap3A_46 = vector.load %arg4[%swap3A, %swap3A_44, %swap3A_45] : memref<1x1x3072xf32, #tpu.memory_space<vmem>>, vector<1x1x1536xf32>
    %swap3A_47 = vector.shape_cast %swap3A_46 : vector<1x1x1536xf32> to vector<1536xf32>
    %swap3A_48 = vector.shape_cast %add3A_41 : vector<1536xf32> to vector<1x1x1536xf32>
    tpu.vector_store %arg4[%swap3A, %swap3A_44, %swap3A_45], %swap3A_48 {strides = array<i32>} : memref<1x1x3072xf32, #tpu.memory_space<vmem>>, vector<1x1x1536xf32>,
    %add3A_49 = vector.broadcast %broadcast_in_dim3A : vector<1536x1xf32> to vector<1536x4096xf32>
    %add3A_50 = arith.addf %add3A_39, %add3A_49 : vector<1536x4096xf32>
    %reduce_min3A_51 = arith.constant dense<0x7F800000> : vector<4096xf32>
    %reduce_min3A_52 = vector.multi_reduction <minimumf>, %add3A_50, %reduce_min3A_51 [0] : vector<1536x4096xf32> to vector<4096xf32>
    %eq3A = arith.constant 0 : i32
    %eq3A_53 = arith.cmpi eq, %arg1, %eq3A : i32
    %convert_element_type3A = arith.extui %eq3A_53 : i1 to i32
    %cond3A = arith.constant 0 : i32
    %cond3A_54 = arith.cmpi ne, %convert_element_type3A, %cond3A : i32
    scf.if %cond3A_54 {
      %swap3A_59 = arith.constant 0 : index
      %swap3A_60 = arith.constant 0 : index
      %swap3A_61 = arith.constant 0 : index
      %swap3A_62 = vector.load %arg5[%swap3A_59, %swap3A_60, %swap3A_61] : memref<1x1x4096xf32, #tpu.memory_space<vmem>>, vector<1x1x4096xf32>
      %swap3A_63 = vector.shape_cast %swap3A_62 : vector<1x1x4096xf32> to vector<4096xf32>
      %swap3A_64 = vector.shape_cast %reduce_min3A_52 : vector<4096xf32> to vector<1x1x4096xf32>
      tpu.vector_store %arg5[%swap3A_59, %swap3A_60, %swap3A_61], %swap3A_64 {strides = array<i32>} : memref<1x1x4096xf32, #tpu.memory_space<vmem>>, vector<1x1x4096xf32>,
    } else {
    }
    %ne3A = arith.constant 0 : i32
    %ne3A_55 = arith.cmpi ne, %arg1, %ne3A : i32
    %convert_element_type3A_56 = arith.extui %ne3A_55 : i1 to i32
    %cond3A_57 = arith.constant 0 : i32
    %cond3A_58 = arith.cmpi ne, %convert_element_type3A_56, %cond3A_57 : i32
    scf.if %cond3A_58 {
      %get3A_59 = arith.constant 0 : index
      %get3A_60 = arith.constant 0 : index
      %get3A_61 = arith.constant 0 : index
      %get3A_62 = vector.load %arg5[%get3A_59, %get3A_60, %get3A_61] : memref<1x1x4096xf32, #tpu.memory_space<vmem>>, vector<1x1x4096xf32>
      %get3A_63 = vector.shape_cast %get3A_62 : vector<1x1x4096xf32> to vector<4096xf32>
      %min3A = arith.minimumf %get3A_63, %reduce_min3A_52 : vector<4096xf32>
      %swap3A_64 = arith.constant 0 : index
      %swap3A_65 = arith.constant 0 : index
      %swap3A_66 = arith.constant 0 : index
      %swap3A_67 = vector.load %arg5[%swap3A_64, %swap3A_65, %swap3A_66] : memref<1x1x4096xf32, #tpu.memory_space<vmem>>, vector<1x1x4096xf32>
      %swap3A_68 = vector.shape_cast %swap3A_67 : vector<1x1x4096xf32> to vector<4096xf32>
      %swap3A_69 = vector.shape_cast %min3A : vector<4096xf32> to vector<1x1x4096xf32>
      tpu.vector_store %arg5[%swap3A_64, %swap3A_65, %swap3A_66], %swap3A_69 {strides = array<i32>} : memref<1x1x4096xf32, #tpu.memory_space<vmem>>, vector<1x1x4096xf32>,
    } else {
    }
    return
  }
  func.func @transform_0(%arg0: i32, %arg1: i32) -> (i32, i32, i32) {
    %c0_i32 = arith.constant 0 : i32
    %c0_i32_0 = arith.constant 0 : i32
    return %arg0, %arg1, %c0_i32 : i32, i32, i32
  }
  func.func @transform_1(%arg0: i32, %arg1: i32) -> (i32, i32, i32) {
    %c0_i32 = arith.constant 0 : i32
    %c0_i32_0 = arith.constant 0 : i32
    %c0_i32_1 = arith.constant 0 : i32
    return %arg0, %c0_i32, %c0_i32_0 : i32, i32, i32
  }
  func.func @transform_2(%arg0: i32, %arg1: i32) -> (i32, i32, i32) {
    %c0_i32 = arith.constant 0 : i32
    %c0_i32_0 = arith.constant 0 : i32
    %c0_i32_1 = arith.constant 0 : i32
    return %arg0, %c0_i32, %c0_i32_0 : i32, i32, i32
  }
  func.func @transform_3(%arg0: i32, %arg1: i32) -> (i32, i32, i32) {
    %c0_i32 = arith.constant 0 : i32
    %c0_i32_0 = arith.constant 0 : i32
    %c0_i32_1 = arith.constant 0 : i32
    return %arg0, %c0_i32, %c0_i32_0 : i32, i32, i32
  }
}

module attributes {stable_mosaic.version = 14 : i64} {
  func.func @_merge_body(%arg0: memref<4x4096xf32, #tpu.memory_space<vmem>>, %arg1: memref<4x4096xf32, #tpu.memory_space<vmem>>, %arg2: memref<4x4096xf32, #tpu.memory_space<vmem>>) attributes {dimension_semantics = [], scalar_prefetch = 0 : i64, scratch_operands = 0 : i64, tpu.core_type = #tpu.core_type<tc>} {
    %get3A = arith.constant 0 : index
    %get3A_0 = arith.constant 0 : index
    %get3A_1 = vector.load %arg0[%get3A, %get3A_0] : memref<4x4096xf32, #tpu.memory_space<vmem>>, vector<4x4096xf32>
    %get3A_2 = arith.constant 0 : index
    %get3A_3 = arith.constant 0 : index
    %get3A_4 = vector.load %arg1[%get3A_2, %get3A_3] : memref<4x4096xf32, #tpu.memory_space<vmem>>, vector<4x4096xf32>
    %min3A = arith.minimumf %get3A_1, %get3A_4 : vector<4x4096xf32>
    %swap3A = arith.constant 0 : index
    %swap3A_5 = arith.constant 0 : index
    %swap3A_6 = vector.load %arg2[%swap3A, %swap3A_5] : memref<4x4096xf32, #tpu.memory_space<vmem>>, vector<4x4096xf32>
    tpu.vector_store %arg2[%swap3A, %swap3A_5], %min3A {strides = array<i32>} : memref<4x4096xf32, #tpu.memory_space<vmem>>, vector<4x4096xf32>,
    return
  }
}

</mosaic_0001>

<sc_bundles>
// kernel: kernel.5.cloned.1.call-start
scs
__scs_entry_jumppad:
0x0: {  	(pc) =	sbr.rel $0x88, $3  }
0x1: {  	(tag) =	ssettag $0x0;
	lr =	simm.s32 $0x1  }
0x2: {  	[smem:$0x3F9F] =	sst lr;
	_ =	strace $0xD0000000  }
0x3: {  	_ = 	snop  }
0x4: {  	_ = 	snop  }
0x5: {  	_ = 	snop  }
0x6: {  	_ = 	snop  }
0x7: {  	_ = 	snop  }
__scs_overlays_trampoline_lowered:
0x8: {  	[smem:$0x3FAE] =	sst s0  }
0x9: {  	[smem:$0x3FAF] =	sst s1  }
0xa: {  	[smem:$0x3FB0] =	sst s2  }
0xb: {  	[smem:$0x3FB1] =	sst s3  }
0xc: {  	[smem:$0x3FB2] =	sst s4  }
0xd: {  	[smem:$0x3FB3] =	sst s5  }
0xe: {  	[smem:$0x3FB4] =	sst s6  }
0xf: {  	[smem:$0x3FB5] =	sst s7  }
0x10: {  	[smem:$0x3FB6] =	sst s8  }
0x11: {  	[smem:$0x3FB7] =	sst s9;
	s0 =	simm.s32 @!p0 $0x0  }
0x12: {  	s1 =	sld [smem:$0x3F9D];
	s0 =	simm.s32 @p0 $0x1  }
0x13: {  	[smem:$0x3FB8] =	sst s0;
	s0 =	simm.s32 @!p1 $0x0  }
0x14: {  	s2 =	sld [smem:$0x3F9C];
	s0 =	simm.s32 @p1 $0x1  }
0x15: {  	[smem:$0x3FB9] =	sst s0;
	s0 =	simm.s32 @!p2 $0x0  }
0x16: {  	s3 =	sld [smem:$0x3FDB];
	s0 =	simm.s32 @p2 $0x1  }
0x17: {  	s4 =	simm.s32 $0x1BF5;
	[smem:$0x3FBB] =	sst s0  }
0x18: {  	s0 =	sld [smem:$0x3F9E];
	_ =	swait.ge [sflag:s4], $0x0  }
0x19: {  	s7 =	sld [smem:$0x3F9F]  }
0x1a: {  	s8 =	sadd.s32 $0xFFFFE003, lr  }
0x1b: {  	s9 =	sadd.s32 $0xFFFFFEF7, lr;
	s5 =	simm.s32 $0xFFFFFFFF;
	p2 =	slt.u32 s8, $0xFFFFF086  }
0x1c: {  	p1 =	slt.u32 s9, $0xF7A;
	s5 =	simm.s32 @!p2 $0x0  }
0x1d: {  	s5 =	simm.s32 @p1 $0x1;
	p0 =	seq.s32 s7, s2  }
0x1e: {  	s7 =	smul.u32 @!p0 $0xF7A, s2;
	p2 =	seq.s32 @!p0 s5, $0x0  }
0x1f: {  	s9 =	smul.u32 $0xF7A, s1;
	s8 =	simm.s32 @!p0 $0x1BF5;
	p2 =	por !p2, p0  }
0x20: {  	[sflag:s8] =	ssyncset.s32 @!p0 $0xFFFFF086;
	s6 =	sadd.s32 @!p0 s3, s7;
	s7 =	simm.s32 @!p0 $0x108  }
0x21: {  	s3 =	sadd.s32 s3, s9;
	s6 =	sadd.s32 @!p0 $0x88, s6;
	s7 =	simm.s32 @p2 $0x1082  }
0x22: {  	[simem:s7], [sflag:s8] =	dma.local @!p0 [hbm:s6], $0xF7A  }
0x23: {  	s9 =	sor.u32 $0xD0000000, s2;
	s6 =	simm.s32 $0x108;
	_ =	swait.ge @!p0 [sflag:s8], $0x0  }
0x24: {  	s3 =	sadd.s32 $0x88, s3;
	s6 =	simm.s32 @!p1 $0x1082;
	[sflag:s4] =	ssyncset.s32 $0xFFFFF086  }
0x25: {  	[simem:s6], [sflag:s4] =	dma.local [hbm:s3], $0xF7A  }
0x26: {  	[smem:$0x3F9F] =	sst s1;
	(tag) =	ssettag s2;
	_ =	strace s9  }
0x27: {  	s1 =	sld [smem:$0x3FAF]  }
0x28: {  	s2 =	sld [smem:$0x3FB0]  }
0x29: {  	s4 =	sld [smem:$0x3FB2]  }
0x2a: {  	p0 =	seq.s32 s5, $0x0;
	s5 =	sld [smem:$0x3FB3]  }
0x2b: {  	s6 =	sld [smem:$0x3FB4]  }
0x2c: {  	s7 =	sld [smem:$0x3FB5]  }
0x2d: {  	s3 =	simm.s32 $0x108;
	s8 =	sld [smem:$0x3FB6]  }
0x2e: {  	s3 =	simm.s32 @!p0 $0x1082;
	s9 =	sld [smem:$0x3FB7]  }
0x2f: {  	lr =	sadd.s32 s0, s3;
	s0 =	sld [smem:$0x3FAE]  }
0x30: {  	s3 =	sld [smem:$0x3FB1]  }
0x31: {  	[smem:$0x3FBA] =	sst s10  }
0x32: {  	s10 =	sld [smem:$0x3FB8];
	_ =	sdelay $0x3  }
0x33: {  	p0 =	seq.s32 s10, $0x1;
	s10 =	sld [smem:$0x3FBA];
	_ =	sdelay $0x3  }
0x34: {  	[smem:$0x3FBA] =	sst s10  }
0x35: {  	s10 =	sld [smem:$0x3FB9];
	_ =	sdelay $0x3  }
0x36: {  	p1 =	seq.s32 s10, $0x1;
	s10 =	sld [smem:$0x3FBA];
	_ =	sdelay $0x3  }
0x37: {  	[smem:$0x3FBA] =	sst s10  }
0x38: {  	s10 =	sld [smem:$0x3FBB]  }
0x39: {  	_ = 	snop;
	(pc) =	sbr.ind lr, $3  }
0x3a: {  	_ = 	snop  }
0x3b: {  	_ = 	snop  }
0x3c: {  	p2 =	seq.s32 s10, $0x1;
	s10 =	sld [smem:$0x3FBA]  }
0x3d: {  	_ =	shalt  }
0x3e: {  	_ =	shalt  }
0x3f: {  	_ =	shalt  }
0x40: {  	_ =	shalt  }
0x41: {  	_ =	shalt  }
0x42: {  	_ =	shalt  }
0x43: {  	_ =	shalt  }
0x44: {  	_ =	shalt  }
0x45: {  	_ =	shalt  }
0x46: {  	_ =	shalt  }
0x47: {  	_ =	shalt  }
0x48: {  	_ =	shalt  }
0x49: {  	_ =	shalt  }
0x4a: {  	_ =	shalt  }
0x4b: {  	_ =	shalt  }
0x4c: {  	_ =	shalt  }
0x4d: {  	_ =	shalt  }
0x4e: {  	_ =	shalt  }
0x4f: {  	_ =	shalt  }
0x50: {  	_ =	shalt  }
0x51: {  	_ =	shalt  }
0x52: {  	_ =	shalt  }
0x53: {  	_ =	shalt  }
0x54: {  	_ =	shalt  }
0x55: {  	_ =	shalt  }
0x56: {  	_ =	shalt  }
0x57: {  	_ =	shalt  }
0x58: {  	_ =	shalt  }
0x59: {  	_ =	shalt  }
0x5a: {  	_ =	shalt  }
0x5b: {  	_ =	shalt  }
0x5c: {  	_ =	shalt  }
0x5d: {  	_ =	shalt  }
0x5e: {  	_ =	shalt  }
0x5f: {  	_ =	shalt  }
0x60: {  	_ =	shalt  }
0x61: {  	_ =	shalt  }
0x62: {  	_ =	shalt  }
0x63: {  	_ =	shalt  }
0x64: {  	_ =	shalt  }
0x65: {  	_ =	shalt  }
0x66: {  	_ =	shalt  }
0x67: {  	_ =	shalt  }
0x68: {  	_ =	shalt  }
0x69: {  	_ =	shalt  }
0x6a: {  	_ =	shalt  }
0x6b: {  	_ =	shalt  }
0x6c: {  	_ =	shalt  }
0x6d: {  	_ =	shalt  }
0x6e: {  	_ =	shalt  }
0x6f: {  	_ =	shalt  }
0x70: {  	_ =	shalt  }
0x71: {  	_ =	shalt  }
0x72: {  	_ =	shalt  }
0x73: {  	_ =	shalt  }
0x74: {  	_ =	shalt  }
0x75: {  	_ =	shalt  }
0x76: {  	_ =	shalt  }
0x77: {  	_ =	shalt  }
0x78: {  	_ =	shalt  }
0x79: {  	_ =	shalt  }
0x7a: {  	_ =	shalt  }
0x7b: {  	_ =	shalt  }
0x7c: {  	_ =	shalt  }
0x7d: {  	_ =	shalt  }
0x7e: {  	_ =	shalt  }
0x7f: {  	_ =	shalt  }
0x80: {  	_ =	shalt  }
0x81: {  	_ =	shalt  }
0x82: {  	_ =	shalt  }
0x83: {  	_ =	shalt  }
0x84: {  	_ =	shalt  }
0x85: {  	_ =	shalt  }
0x86: {  	_ =	shalt  }
0x87: {  	_ =	shalt  }
.Lfunc_end0:
.L_simem_size_0:
called_computation_lowered:
.L_overlay_start_0:
0x88: {  	s2 =	sld [smem:$0x3FD9]  }
0x89: {  	s3 =	sld [smem:$0x3FFE];
	_ =	sdelay $0x1  }
0x8a: {  	s1 =	srdreg.scid  }
0x8b: {  	s0 =	sand.u32 $0x1, s1  }
0x8c: {  	s14 =	sshll.u32 s0, $0xA;
	s2 =	sadd.s32 s3, s2  }
0x8d: {  	s2 =	sadd.s32 s2, s14  }
0x8e: {  	[smem:$0x3FC6] =	sst s2  }
0x8f: {  	_ = 	snop  }
0x90: {  	s2 =	sld [smem:$0x3FD0];
	_ =	sdelay $0x2  }
0x91: {  	s15 =	simm.s32 $0xA;
	s4 =	simm.s32 $0x10  }
0x92: {  	[smem:s4], [sflag:s15] =	dma.local [hbm:s2], $0x1  }
0x93: {  	_ =	swait.eq [sflag:s15], $0x1  }
0x94: {  	[sflag:s15] =	ssyncset.done $0x0  }
0x95: {  	s16 =	sld [smem:$0x10];
	[sflag:s15] =	ssyncadd.s32 $0xFFFFFFFF  }
0x96: {  	s17 =	sld [smem:$0x11];
	(tm) =	ssettm $0x1  }
0x97: {  	s18 =	sld [smem:$0x3FFB];
	_ =	sdelay $0x3  }
0x98: {  	_ =	strace s18  }
0x99: {  	s4 =	sld [smem:$0x3FFC];
	_ =	sdelay $0x3  }
0x9a: {  	_ =	strace s4  }
0x9b: {  	s4 =	sld [smem:$0x3FFD];
	_ =	sdelay $0x3  }
0x9c: {  	_ =	strace s4  }
0x9d: {  	_ =	strace $0x8FFFFFFF  }
0x9e: {  	s19 =	sld [smem:$0x3FDB];
	_ =	sdelay $0x1  }
0x9f: {  	s5 =	simm.s32 $_scs_section_size  }
0xa0: {  	s6 =	simm.s32 $_size__tile_overlayer_lowered;
	s7 =	simm.s32 $_tile_overlayer_lowered  }
0xa1: {  	s22 =	simm.s32 $0x1BFF;
	s21 =	sshll.u32 s7, $0x1;
	s4 =	sadd.s32 s5, s19  }
0xa2: {  	s8 =	simm.s32 $0x0;
	s20 =	sshll.u32 s6, $0x1;
	s6 =	sadd.s32 s21, s4  }
0xa3: {  	[timem:s8], [sflag:s22] =	dma.local [hbm:s6], s20  }
0xa4: {  	_ =	swait.ge [sflag:s22], s20  }
0xa5: {  	s5 =	ssub.s32 $0x0, s20;
	[sflag:s22] =	ssyncset.done $0x0  }
0xa6: {  	[sflag:s22] =	ssyncadd.s32 s5;
	_ =	sdelay $0x1  }
0xa7: {  	s23 =	simm.s32 $0x1B8B  }
0xa8: {  	_ =	swait.ge [sflag:s23], $0x1  }
0xa9: {  	[sflag:s23] =	ssyncset.done $0x0  }
0xaa: {  	s25 =	simm.s32 $0x1B8E;
	s24 =	sld [smem:$0x3FFE];
	[sflag:s23] =	ssyncadd.s32 $0xFFFFFFFF  }
0xab: {  	s26 =	simm.s32 $execute0_lowered;
	[smem:$0x3FD2] =	sst s25  }
0xac: {  	s6 =	sshll.u32 s26, $0x1;
	_ =	strace $0x80000046;
	[dreg:$0x1] =	wrdreg $0xFFFFFFFF  }
0xad: {  	s28 =	simm.s32 $_size_execute0_lowered;
	s4 =	sadd.s32 s4, s6;
	[dreg:$0x0] =	wrdreg $0x0  }
0xae: {  	s6 =	sshll.u32 s28, $0x1;
	[dreg:$0x2] =	wrdreg s4  }
0xaf: {  	[dreg:$0x3] =	wrdreg s6  }
0xb0: {  	[dreg:$0x4] =	wrdreg $0xC0  }
0xb1: {  	_ =	task [dreg:s8], $0x5FFFF  }
0xb2: {  	[dreg:$0x1] =	wrdreg $0xFFFFFFFF  }
0xb3: {  	[dreg:$0x0] =	wrdreg $0x60  }
0xb4: {  	[dreg:$0x2] =	wrdreg s24  }
0xb5: {  	[dreg:$0x3] =	wrdreg s16  }
0xb6: {  	[dreg:$0x4] =	wrdreg s17  }
0xb7: {  	[dreg:$0x5] =	wrdreg $0x84000  }
0xb8: {  	[dreg:$0x6] =	wrdreg $0x9  }
0xb9: {  	_ =	task.clear_ibuf [dreg:s8], $0x7FFFF;
	_ =	strace $0x90000046  }
0xba: {  	s29 =	simm.s32 $0x9;
	_ =	strace $0x80000048  }
0xbb: {  	_ =	swait.ge [sflag:s29], $0x1  }
0xbc: {  	[sflag:s29] =	ssyncadd.s32 $0xFFFFFFFF  }
0xbd: {  	_ =	strace $0x90000048  }
0xbe: {  	_ =	sfence  }
0xbf: {  	s30 =	sld [smem:$0x0];
	_ =	sdelay $0x2  }
0xc0: {  	s31 =	sshll.u32 s1, $0xD;
	s1 =	sshrl.u32 s1, $0x2  }
0xc1: {  	s3 =	sand.u32 $0x4000, s31;
	s1 =	sadd.s32 s1, s30  }
0xc2: {  	s0 =	sor.u32 s3, s0;
	s1 =	sshll.u32 s1, $0x11  }
0xc3: {  	s0 =	sor.u32 s1, s0  }
0xc4: {  	s0 =	sadd.s32 $0x8F2B, s0  }
0xc5: {  	[sflag:s0] =	ssyncadd.remote.s32 $0x1  }
0xc6: {  	_ =	sfence.sel $0xFFFF  }
0xc7: {  	[dreg:$0x0] =	wrdreg $0xFFFFFFFF;
	(pc) =	sbr.abs _section_cstart, $3  }
0xc8: {  	[dreg:$0x1] =	wrdreg $0xFFFFFFFF  }
0xc9: {  	_ =	task.clear_ibuf [dreg:s8], $0x2FFFF;
	_ =	strace $0x9FFFFFFF  }
0xca: {  	(tm) =	ssettm $0x7FFFFFFF  }
0xcb: {  	_ =	shalt  }
tec
execute0_lowered:
.L_overlay_start_1:
0x0: {  	(tag) =	ssettag $0x1  }
0x1: {  	v0 =	vimm.f32 $+Inf  }
0x2: {  	v1 =	vimm.s32 $0x0;
	v2 =	vimm.s32 $0x1;
	v3 =	vimm.s32 $0x2  }
0x3: {  	v4 =	vimm.s32 $0x3;
	v5 =	vimm.s32 $0x4;
	v6 =	vimm.s32 $0x5  }
0x4: {  	s3 =	rddreg [dreg:$0x0];
	v7 =	vimm.s32 $0x6;
	v8 =	vimm.s32 $0x7;
	v9 =	vimm.s32 $0x8  }
0x5: {  	s9 =	rddreg [dreg:$0x1];
	v10 =	vimm.s32 $0x9;
	v12 =	vimm.s32 $0xFEDCBA98;
	v11 =	vimm.s32 $0xA  }
0x6: {  	s0 =	rddreg [dreg:$0x2];
	v13 =	vimm.s32 $0x76543210;
	v15 =	vimm.s32 $0x32107654;
	vm0 =	vcmask $0x2F20  }
0x7: {  	s1 =	rddreg [dreg:$0x3];
	vm1 =	vcmask $0xF00;
	vm2 =	vcmask $0x1710;
	v12 =	vunpack.c.l.s4.s8 v12  }
0x8: {  	s4 =	srdreg.scid;
	s2 =	simm.s32 $0x0;
	s14 =	stileid.u32;
	vm3 =	vcmask $0x700;
	v14 =	vunpack.c.l.s4.s8 v13;
	v13 =	vimm.s32 $0xBA98FEDC  }
0x9: {  	s28 =	simm.s32 $0x0;
	s4 =	sand.u32 $0x1, s4;
	[smem:$0x7FF] =	sst s2;
	v15 =	vunpack.c.l.s4.s8 v15;
	v17 =	vunpack.c.l.s4.s8 v13;
	v16 =	vunpack.c.0.s8.s32 v12  }
0xa: {  	s6 =	sshrl.u32 s14, $0x3;
	s10 =	sand.u32 $0x7, s14;
	s8 =	sadd.s32 $0xA00, s3;
	vm2 =	vmor vm3, vm2;
	vm3 =	vcmask $0x2720;
	v18 =	vunpack.c.0.s8.s32 v14  }
0xb: {  	s11 =	sadd.s32 $0x2200, s3;
	s5 =	sshll.u32 s4, $0x1;
	s4 =	ssub.s32 $0x2, s4;
	v19 =	vunpack.c.0.s8.s32 v15;
	v17 =	vunpack.c.0.s8.s32 v17;
	v16 =	vand.u32 $0xF, v16  }
0xc: {  	vm0 =	vmor vm1, vm0;
	_ =	strace $0x80000047;
	vm1 =	vmor vm2, vm3;
	s17 =	sor.u32 s6, s5;
	s16 =	sshrl.u32 s4, $0x1;
	v15 =	vcombine.low v16, v18  }
0xd: {  	s7 =	sshll.u32 s10, $0x7;
	s5 =	smul.u32 $0x3000, s17;
	s21 =	ssub.s32 s4, s16;
	v16 =	vimm.s32 $0xDCFE98BA;
	v18 =	vcombine.low v19, v17;
	v17 =	vimm.s32 $0x54761032  }
0xe: {  	s26 =	sshll.u32 s10, $0x4;
	vm2 =	vcmask $0x3730;
	s30 =	sshll.u32 s17, $0x7;
	s21 =	smax.u32 s21, $0x1;
	v16 =	vunpack.c.l.s4.s8 v16;
	v17 =	vunpack.c.l.s4.s8 v17  }
0xf: {  	v20 =	vimm.s32 $0xF7B3D591;
	vm3 =	vcmask $0x300;
	vm1 =	vmor vm1, vm2;
	s18 =	sor.u32 s7, s5;
	s19 =	sshrl.u32 s5, $0x3;
	s12 =	sadd.s32 $0x1000, s5  }
0x10: {  	vm2 =	vcmask $0xB08;
	s13 =	sadd.s32 $0x2000, s5;
	s20 =	sshrl.u32 s18, $0x3;
	s3 =	sadd.s32 s11, s19;
	v16 =	vunpack.c.0.s8.s32 v16;
	v17 =	vunpack.c.0.s8.s32 v17  }
0x11: {  	v21 =	vimm.s32 $0xE6A2C480;
	v20 =	vunpack.c.l.s4.s8 v20;
	vm2 =	vmor vm3, vm2;
	s22 =	sor.u32 s7, s12;
	s12 =	sshrl.u32 s12, $0x3;
	s7 =	sor.u32 s7, s13  }
0x12: {  	s23 =	sshrl.u32 s13, $0x3;
	s18 =	sshll.u32 s14, $0xC;
	s19 =	sshll.u32 s10, $0x9;
	v19 =	vcombine.low v17, v16;
	v16 =	vimm.s32 $0xEFCDAB89;
	v17 =	vimm.s32 $0x67452301  }
0x13: {  	vm3 =	vcmask $0x1310;
	s4 =	sadd.s32 s8, s20;
	s6 =	sshrl.u32 s22, $0x3;
	s5 =	sadd.s32 s11, s12;
	v16 =	vunpack.c.l.s4.s8 v16;
	v17 =	vunpack.c.l.s4.s8 v17  }
0x14: {  	v21 =	vunpack.c.l.s4.s8 v21;
	v13 =	vimm.s32 $0xC;
	vm2 =	vmor vm2, vm3;
	s24 =	sshrl.u32 s7, $0x3;
	s7 =	sadd.s32 s11, s23;
	s25 =	sand.u32 $0x8000, s18  }
0x15: {  	vm3 =	vcmask $0x1B18;
	s12 =	sadd.s32 s9, s26;
	s13 =	sadd.s32 s18, s1;
	s18 =	sor.u32 s18, s19;
	v16 =	vunpack.c.0.s8.s32 v16;
	v17 =	vunpack.c.0.s8.s32 v17  }
0x16: {  	v23 =	vunpack.c.0.s8.s32 v20;
	v21 =	vunpack.c.0.s8.s32 v21;
	vm2 =	vmor vm2, vm3;
	s20 =	sshll.u32 s17, $0xC;
	s22 =	simm.s32 $0x1;
	s26 =	simm.s32 $0x4200  }
0x17: {  	vm3 =	vcmask $0x2320;
	[tilespmem:$0x1FFB0] =	vst v15;
	v15 =	vand.u32 $0xF, v18;
	s6 =	sadd.s32 s8, s6;
	s8 =	sadd.s32 s8, s24;
	s29 =	sadd.s32 s25, s1;
	v22 =	vcombine.low v17, v16  }
0x18: {  	vm2 =	vmor vm2, vm3;
	vm3 =	vcmask $0x2B28;
	s10 =	sadd.s32 s30, s12;
	s18 =	sor.u32 $0x7000, s18;
	s20 =	sor.u32 s19, s20;
	[tilespmem:$0x1FFC0] =	vst v15;
	v15 =	vand.u32 $0xF, v19  }
0x19: {  	vm2 =	vmor vm2, vm3;
	vm3 =	vcmask $0x3330;
	s25 =	simm.s32 $0x6200;
	s9 =	sadd.s32 s19, s29;
	s18 =	sadd.s32 s18, s1;
	[tilespmem:$0x1FFD0] =	vst v15;
	v15 =	vand.u32 $0xF, v22  }
0x1a: {  	vm2 =	vmor vm2, vm3;
	vm3 =	vcmask $0x3B38;
	s19 =	sor.u32 $0x3000, s19;
	s31 =	sshrl.u32 s20, $0x3;
	s11 =	sadd.s32 $0x1000, s9;
	[tilespmem:$0x1FFE0] =	vst v15;
	v15 =	vcombine.low v21, v23  }
0x1b: {  	v12 =	vimm.s32 $0xB;
	v14 =	vimm.s32 $0xD;
	vm2 =	vmor vm2, vm3;
	s12 =	sadd.s32 $0x2000, s9;
	s14 =	sadd.s32 $0x3000, s9;
	s15 =	sadd.s32 $0x4000, s9  }
0x1c: {  	vm3 =	vmmov $0xff;
	s16 =	sadd.s32 $0x5000, s9;
	s17 =	sadd.s32 $0x6000, s9;
	s20 =	sadd.s32 s0, s31;
	v16 =	vimm.s32 $0xE;
	v17 =	vimm.s32 $0xF;
	[tilespmem:$0x1FFF0] =	vst v15  }
.LBB2_1:
0x1d: {  	[tilespmem:s2], [sflag:$0x1] =	stream.linear.gather [hbm4b:s3+s2], $0x1000, $0x38;
	[tilespmem:$0x9400] =	vst v63  }
0x1e: {  	_ =	swait.ge [sflag:s22], $0x1000  }
0x1f: {  	[sflag:s22] =	ssyncset.done $0x0  }
0x20: {  	s0 =	simm.s32 $0x4000;
	[sflag:s22] =	ssyncadd.s32 $0xFFFFF000  }
0x21: {  	[tilespmem:s0], [sflag:$0x1] =	stream.linear.gather [hbm4b:s4+s2], $0x80, $0x38;
	[tilespmem:$0x9400] =	vst v63  }
0x22: {  	_ =	swait.ge [sflag:s22], $0x80  }
0x23: {  	[sflag:s22] =	ssyncset.done $0x0  }
0x24: {  	s24 =	simm.s32 $0x1000;
	[sflag:s22] =	ssyncadd.s32 $0xFFFFFF80  }
0x25: {  	[tilespmem:s24], [sflag:$0x1] =	stream.linear.gather [hbm4b:s5+s2], $0x1000, $0x38;
	[tilespmem:$0x9400] =	vst v63  }
0x26: {  	_ =	swait.ge [sflag:s22], $0x1000  }
0x27: {  	[sflag:s22] =	ssyncset.done $0x0  }
0x28: {  	s29 =	simm.s32 $0x4080;
	[sflag:s22] =	ssyncadd.s32 $0xFFFFF000  }
0x29: {  	[tilespmem:s29], [sflag:$0x1] =	stream.linear.gather [hbm4b:s6+s2], $0x80, $0x38;
	[tilespmem:$0x9400] =	vst v63  }
0x2a: {  	_ =	swait.ge [sflag:s22], $0x80  }
0x2b: {  	[sflag:s22] =	ssyncset.done $0x0  }
0x2c: {  	s30 =	simm.s32 $0x2000;
	[sflag:s22] =	ssyncadd.s32 $0xFFFFFF80  }
0x2d: {  	[tilespmem:s30], [sflag:$0x1] =	stream.linear.gather [hbm4b:s7+s2], $0x1000, $0x38;
	[tilespmem:$0x9400] =	vst v63  }
0x2e: {  	_ =	swait.ge [sflag:s22], $0x1000  }
0x2f: {  	[sflag:s22] =	ssyncset.done $0x0  }
0x30: {  	s31 =	simm.s32 $0x4100;
	[sflag:s22] =	ssyncadd.s32 $0xFFFFF000  }
0x31: {  	[tilespmem:s31], [sflag:$0x1] =	stream.linear.gather [hbm4b:s8+s2], $0x80, $0x38;
	[tilespmem:$0x9400] =	vst v63  }
0x32: {  	_ =	swait.ge [sflag:s22], $0x80  }
0x33: {  	[sflag:s22] =	ssyncset.done $0x0  }
0x34: {  	s0 =	simm.s32 $0x0;
	[sflag:s22] =	ssyncadd.s32 $0xFFFFFF80  }
0x35: {  	v22 =	vld [tilespmem:s0+$0x0]  }
0x36: {  	v23 =	vld [tilespmem:s0+$0x1000]  }
0x37: {  	v24 =	vld [tilespmem:s0+$0x2000];
	_ =	sdelay $0x2  }
0x38: {  	s1 =	simm.s32 $0x10  }
0x39: {  	v25 =	vmul.f32 v22, v22;
	v23 =	vmul.f32 v23, v23;
	v22 =	vld [tilespmem:s1+$0x0]  }
0x3a: {  	v26 =	vmul.f32 v24, v24;
	v24 =	vld [tilespmem:s1+$0x1000]  }
0x3b: {  	v25 =	vadd.f32 v23, v25  }
0x3c: {  	v23 =	vld [tilespmem:s1+$0x2000]  }
0x3d: {  	s23 =	simm.s32 $0x80;
	v25 =	vadd.f32 v26, v25  }
.LBB2_2:
0x3e: {  	s24 =	sshra.s32 s23, $0x2;
	p0 =	sne.s32 s23, $0x3FC0  }
.Ltmp0:
0x3f: {  	s23 =	sadd.s32 $0x40, s23;
	v26 =	vmul.f32 v22, v22;
	v22 =	vld [tilespmem:s24+$0x0];
	v27 =	vmul.f32 v24, v24;
	[tilespmem:s0+$0x3000] =	vst v25;
	(pc) =	sbr.rel @p0 .LBB2_2-.Ltmp0, $4  }
0x40: {  	s0 =	smov.u32 s1;
	s1 =	smov.u32 s24;
	v24 =	vld [tilespmem:s24+$0x1000]  }
0x41: {  	v25 =	vadd.f32 v27, v26;
	v26 =	vmul.f32 v23, v23  }
0x42: {  	v23 =	vld [tilespmem:s1+$0x2000]  }
0x43: {  	v25 =	vadd.f32 v26, v25  }
0x44: {  	_ = 	snop  }
0x45: {  	v22 =	vmul.f32 v22, v22;
	v24 =	vmul.f32 v24, v24;
	_ =	sdelay $0x1  }
0x46: {  	v22 =	vadd.f32 v24, v22;
	v23 =	vmul.f32 v23, v23;
	_ =	sdelay $0x1  }
0x47: {  	v22 =	vadd.f32 v23, v22  }
0x48: {  	[tilespmem:s0+$0x3000] =	vst v25  }
0x49: {  	[tilespmem:s1+$0x3000] =	vst v22  }
0x4a: {  	v22 =	vld [tilespmem:$0x4000]  }
0x4b: {  	v54 =	vld [tilespmem:$0x4080]  }
0x4c: {  	v55 =	vld [tilespmem:$0x4100]  }
0x4d: {  	v25 =	vld [tilespmem:$0x4010]  }
0x4e: {  	v26 =	vld [tilespmem:$0x4090]  }
0x4f: {  	v29 =	vld [tilespmem:$0x4110]  }
0x50: {  	v30 =	vld [tilespmem:$0x4020];
	v27 =	vmul.f32 v22, v22;
	v22 =	vmul.f32 $-2.000000000e+00, v22  }
0x51: {  	v31 =	vld [tilespmem:$0x40A0];
	v28 =	vmul.f32 v54, v54;
	v23 =	vmul.f32 $-2.000000000e+00, v54  }
0x52: {  	v33 =	vld [tilespmem:$0x4120];
	v56 =	vmul.f32 v55, v55;
	v61 =	vmul.f32 $-2.000000000e+00, v55;
	[tilespmem:$0x4000] =	vst v22  }
0x53: {  	v60 =	vld [tilespmem:$0x4030];
	v57 =	vmul.f32 v25, v25;
	v36 =	vmul.f32 $-2.000000000e+00, v25;
	[tilespmem:$0x4080] =	vst v23  }
0x54: {  	v62 =	vld [tilespmem:$0x40B0];
	v32 =	vmul.f32 v26, v26;
	v38 =	vmul.f32 $-2.000000000e+00, v26;
	[tilespmem:$0x4100] =	vst v61  }
0x55: {  	v41 =	vld [tilespmem:$0x4040];
	v59 =	vmul.f32 v29, v29;
	v42 =	vmul.f32 $-2.000000000e+00, v29;
	[tilespmem:$0x4010] =	vst v36  }
0x56: {  	v34 =	vmul.f32 v30, v30;
	v47 =	vmul.f32 $-2.000000000e+00, v30;
	[tilespmem:$0x4090] =	vst v38  }
0x57: {  	v37 =	vld [tilespmem:$0x4130];
	v35 =	vmul.f32 v31, v31;
	v49 =	vmul.f32 $-2.000000000e+00, v31;
	[tilespmem:$0x4110] =	vst v42  }
0x58: {  	v45 =	vmul.f32 v60, v60;
	v52 =	vmul.f32 $-2.000000000e+00, v33;
	[tilespmem:$0x4020] =	vst v47  }
0x59: {  	v27 =	vadd.f32 v28, v27;
	v58 =	vadd.f32 v32, v57;
	[tilespmem:$0x40A0] =	vst v49;
	v57 =	vmul.f32 $-2.000000000e+00, v60  }
0x5a: {  	v46 =	vmul.f32 v62, v62;
	[tilespmem:$0x4120] =	vst v52;
	v38 =	vmul.f32 $-2.000000000e+00, v41  }
0x5b: {  	v43 =	vld [tilespmem:$0x40C0];
	v40 =	vmul.f32 v33, v33;
	v39 =	vadd.f32 v35, v34;
	v27 =	vadd.f32 v56, v27;
	[tilespmem:$0x4030] =	vst v57  }
0x5c: {  	v48 =	vld [tilespmem:$0x4140];
	v50 =	vmul.f32 v37, v37;
	v26 =	vadd.f32 v46, v45;
	v63 =	vadd.f32 v59, v58;
	[tilespmem:$0x4040] =	vst v38  }
0x5d: {  	v51 =	vld [tilespmem:$0x4050];
	v44 =	vadd.f32 v40, v39;
	[tilespmem:$0x4180] =	vst v27  }
0x5e: {  	v53 =	vld [tilespmem:$0x40D0];
	v54 =	vadd.f32 v50, v26;
	[tilespmem:$0x4190] =	vst v63  }
0x5f: {  	v34 =	vld [tilespmem:$0x40E0];
	v59 =	vmul.f32 $-2.000000000e+00, v62;
	[tilespmem:$0x41A0] =	vst v44  }
0x60: {  	v55 =	vmul.f32 v41, v41;
	v42 =	vld [tilespmem:$0x4070];
	v40 =	vmul.f32 $-2.000000000e+00, v43;
	[tilespmem:$0x41B0] =	vst v54  }
0x61: {  	v49 =	vld [tilespmem:$0x4170];
	v56 =	vmul.f32 v43, v43;
	v43 =	vmul.f32 $-2.000000000e+00, v48;
	[tilespmem:$0x40B0] =	vst v59  }
0x62: {  	v61 =	vmul.f32 v48, v48;
	v58 =	vld [tilespmem:$0x4150];
	v48 =	vmul.f32 $-2.000000000e+00, v51;
	[tilespmem:$0x40C0] =	vst v40  }
0x63: {  	v62 =	vld [tilespmem:$0x4060];
	v50 =	vmul.f32 $-2.000000000e+00, v53;
	[tilespmem:$0x4140] =	vst v43  }
0x64: {  	v36 =	vmul.f32 v51, v51;
	v39 =	vld [tilespmem:$0x4160];
	v60 =	vadd.f32 v56, v55;
	v63 =	vmul.f32 $-2.000000000e+00, v37;
	[tilespmem:$0x4050] =	vst v48  }
0x65: {  	v37 =	vmul.f32 v53, v53;
	[tilespmem:$0x40D0] =	vst v50;
	v57 =	vmul.f32 $-2.000000000e+00, v34  }
0x66: {  	v44 =	vld [tilespmem:$0x40F0];
	v47 =	vmul.f32 v34, v34;
	v54 =	vmul.f32 v42, v42;
	v35 =	vadd.f32 v61, v60;
	[tilespmem:$0x4130] =	vst v63  }
0x67: {  	v61 =	vmul.f32 $-2.000000000e+00, v42;
	v63 =	vmul.f32 $-2.000000000e+00, v49;
	[tilespmem:$0x40E0] =	vst v57  }
0x68: {  	v41 =	vmul.f32 v58, v58;
	v46 =	vmul.f32 v62, v62;
	[tilespmem:$0x41C0] =	vst v35  }
0x69: {  	v24 =	vadd.f32 v37, v36;
	v51 =	vmul.f32 v39, v39;
	v52 =	vmul.f32 $-2.000000000e+00, v58;
	[tilespmem:$0x4070] =	vst v61  }
0x6a: {  	v56 =	vmul.f32 $-2.000000000e+00, v62;
	v59 =	vmul.f32 $-2.000000000e+00, v39;
	[tilespmem:$0x4170] =	vst v63  }
0x6b: {  	v45 =	vadd.f32 v41, v24;
	v24 =	vadd.f32 v47, v46;
	v55 =	vmul.f32 v44, v44;
	[tilespmem:$0x4150] =	vst v52  }
0x6c: {  	v58 =	vmul.f32 v49, v49;
	[tilespmem:$0x4060] =	vst v56  }
0x6d: {  	[tilespmem:$0x4160] =	vst v59;
	v62 =	vmul.f32 $-2.000000000e+00, v44;
	v53 =	vadd.f32 v51, v24;
	v24 =	vadd.f32 v55, v54  }
0x6e: {  	[tilespmem:$0x41D0] =	vst v45  }
0x6f: {  	[tilespmem:$0x40F0] =	vst v62;
	v60 =	vadd.f32 v58, v24  }
0x70: {  	[tilespmem:$0x41E0] =	vst v53  }
0x71: {  	s0 =	simm.s32 $0x0;
	[tilespmem:$0x41F0] =	vst v60  }
.LBB2_4:
0x72: {  	p0 =	sne.s32 s0, $0x3FC0  }
.Ltmp1:
0x73: {  	_ = 	snop;
	(pc) =	sbr.rel @p0 .LBB2_4-.Ltmp1, $3  }
0x74: {  	_ =	sdelay $0x1  }
0x75: {  	s1 =	sshra.s32 s0, $0x2  }
0x76: {  	s0 =	sadd.s32 $0x40, s0;
	[tilespmem:s1+$0x4400] =	vst v0  }
0x77: {  	s0 =	simm.s32 $0x4180  }
0x78: {  	v22 =	vld [tilespmem:s0+$0x0];
	_ =	sdelay $0x3  }
0x79: {  	s29 =	simm.s32 $0x4000  }
0x7a: {  	s1 =	simm.s32 $0x4080;
	v23 =	vld [tilespmem:s29+$0x0];
	v24 =	vperm.xlane v22, v17  }
0x7b: {  	s23 =	simm.s32 $0x0;
	s0 =	simm.s32 $0x4100;
	v25 =	vld [tilespmem:s1+$0x0];
	v26 =	vperm.xlane v22, v4  }
0x7c: {  	v27 =	vld [tilespmem:s0+$0x0];
	v28 =	vperm.xlane v22, v3;
	[tilespmem:s23+$0x7CF0] =	vst v24  }
0x7d: {  	v39 =	vperm.xlane v22, v2;
	[tilespmem:s23+$0x7C30] =	vst v26  }
0x7e: {  	v40 =	vperm.xlane v22, v1;
	[tilespmem:s23+$0x7C20] =	vst v28  }
0x7f: {  	v41 =	vperm.xlane v23, v1;
	[tilespmem:s23+$0x7C10] =	vst v39  }
0x80: {  	v42 =	vperm.xlane v25, v2;
	[tilespmem:s23+$0x7C00] =	vst v40  }
0x81: {  	v49 =	vperm.xlane v25, v17;
	[tilespmem:s23+$0x6400] =	vst v41  }
0x82: {  	v51 =	vperm.xlane v25, v16;
	[tilespmem:s23+$0x6C10] =	vst v42  }
0x83: {  	v53 =	vperm.xlane v25, v14;
	[tilespmem:s23+$0x6CF0] =	vst v49  }
0x84: {  	v55 =	vperm.xlane v25, v13;
	[tilespmem:s23+$0x6CE0] =	vst v51  }
0x85: {  	v57 =	vperm.xlane v25, v12;
	[tilespmem:s23+$0x6CD0] =	vst v53  }
0x86: {  	v59 =	vperm.xlane v25, v11;
	[tilespmem:s23+$0x6CC0] =	vst v55  }
0x87: {  	v61 =	vperm.xlane v25, v10;
	[tilespmem:s23+$0x6CB0] =	vst v57  }
0x88: {  	v63 =	vperm.xlane v25, v9;
	[tilespmem:s23+$0x6CA0] =	vst v59  }
0x89: {  	v33 =	vperm.xlane v25, v8;
	[tilespmem:s23+$0x6C90] =	vst v61  }
0x8a: {  	v35 =	vperm.xlane v25, v7;
	[tilespmem:s23+$0x6C80] =	vst v63  }
0x8b: {  	v36 =	vperm.xlane v25, v6;
	[tilespmem:s23+$0x6C70] =	vst v33  }
0x8c: {  	v37 =	vperm.xlane v25, v5;
	[tilespmem:s23+$0x6C60] =	vst v35  }
0x8d: {  	v38 =	vperm.xlane v25, v4;
	[tilespmem:s23+$0x6C50] =	vst v36  }
0x8e: {  	v43 =	vperm.xlane v27, v5;
	[tilespmem:s23+$0x6C40] =	vst v37  }
0x8f: {  	v44 =	vperm.xlane v27, v4;
	[tilespmem:s23+$0x6C30] =	vst v38  }
0x90: {  	v45 =	vperm.xlane v27, v3;
	[tilespmem:s23+$0x7440] =	vst v43  }
0x91: {  	v46 =	vperm.xlane v27, v2;
	[tilespmem:s23+$0x7430] =	vst v44  }
0x92: {  	v47 =	vperm.xlane v27, v1;
	[tilespmem:s23+$0x7420] =	vst v45  }
0x93: {  	v48 =	vperm.xlane v27, v17;
	[tilespmem:s23+$0x7410] =	vst v46  }
0x94: {  	v50 =	vperm.xlane v27, v16;
	[tilespmem:s23+$0x7400] =	vst v47  }
0x95: {  	v52 =	vperm.xlane v27, v14;
	[tilespmem:s23+$0x74F0] =	vst v48  }
0x96: {  	v54 =	vperm.xlane v27, v13;
	[tilespmem:s23+$0x74E0] =	vst v50  }
0x97: {  	v56 =	vperm.xlane v27, v12;
	[tilespmem:s23+$0x74D0] =	vst v52  }
0x98: {  	v58 =	vperm.xlane v27, v11;
	[tilespmem:s23+$0x74C0] =	vst v54  }
0x99: {  	v60 =	vperm.xlane v27, v10;
	[tilespmem:s23+$0x74B0] =	vst v56  }
0x9a: {  	v62 =	vperm.xlane v27, v9;
	[tilespmem:s23+$0x74A0] =	vst v58  }
0x9b: {  	v32 =	vperm.xlane v27, v8;
	[tilespmem:s23+$0x7490] =	vst v60  }
0x9c: {  	v34 =	vperm.xlane v27, v7;
	[tilespmem:s23+$0x7480] =	vst v62  }
0x9d: {  	v27 =	vperm.xlane v27, v6;
	[tilespmem:s23+$0x7470] =	vst v32  }
0x9e: {  	v39 =	vperm.xlane v25, v3;
	[tilespmem:s23+$0x7460] =	vst v34  }
0x9f: {  	v25 =	vperm.xlane v25, v1;
	[tilespmem:s23+$0x7450] =	vst v27  }
0xa0: {  	v40 =	vperm.xlane v23, v5;
	[tilespmem:s23+$0x6C20] =	vst v39  }
0xa1: {  	v41 =	vperm.xlane v23, v4;
	[tilespmem:s23+$0x6C00] =	vst v25  }
0xa2: {  	v42 =	vperm.xlane v23, v3;
	[tilespmem:s23+$0x6440] =	vst v40  }
0xa3: {  	v49 =	vperm.xlane v22, v13;
	[tilespmem:s23+$0x6430] =	vst v41  }
0xa4: {  	v51 =	vperm.xlane v22, v12;
	[tilespmem:s23+$0x6420] =	vst v42  }
0xa5: {  	v53 =	vperm.xlane v22, v11;
	[tilespmem:s23+$0x7CC0] =	vst v49  }
0xa6: {  	v55 =	vperm.xlane v22, v10;
	[tilespmem:s23+$0x7CB0] =	vst v51  }
0xa7: {  	v57 =	vperm.xlane v22, v9;
	[tilespmem:s23+$0x7CA0] =	vst v53  }
0xa8: {  	v59 =	vperm.xlane v22, v8;
	[tilespmem:s23+$0x7C90] =	vst v55  }
0xa9: {  	v61 =	vperm.xlane v22, v7;
	[tilespmem:s23+$0x7C80] =	vst v57  }
0xaa: {  	v63 =	vperm.xlane v22, v6;
	[tilespmem:s23+$0x7C70] =	vst v59  }
0xab: {  	v43 =	vperm.xlane v23, v2;
	[tilespmem:s23+$0x7C60] =	vst v61  }
0xac: {  	v44 =	vperm.xlane v23, v17;
	[tilespmem:s23+$0x7C50] =	vst v63  }
0xad: {  	v45 =	vperm.xlane v22, v16;
	[tilespmem:s23+$0x6410] =	vst v43  }
0xae: {  	v46 =	vperm.xlane v23, v16;
	[tilespmem:s23+$0x64F0] =	vst v44  }
0xaf: {  	v47 =	vperm.xlane v22, v14;
	[tilespmem:s23+$0x7CE0] =	vst v45  }
0xb0: {  	v48 =	vperm.xlane v23, v14;
	[tilespmem:s23+$0x64E0] =	vst v46  }
0xb1: {  	v50 =	vperm.xlane v23, v13;
	[tilespmem:s23+$0x7CD0] =	vst v47  }
0xb2: {  	v52 =	vperm.xlane v23, v12;
	[tilespmem:s23+$0x64D0] =	vst v48  }
0xb3: {  	v54 =	vperm.xlane v23, v11;
	[tilespmem:s23+$0x64C0] =	vst v50  }
0xb4: {  	v56 =	vperm.xlane v23, v10;
	[tilespmem:s23+$0x64B0] =	vst v52  }
0xb5: {  	v58 =	vperm.xlane v23, v9;
	[tilespmem:s23+$0x64A0] =	vst v54  }
0xb6: {  	v60 =	vperm.xlane v23, v8;
	[tilespmem:s23+$0x6490] =	vst v56  }
0xb7: {  	v62 =	vperm.xlane v23, v7;
	[tilespmem:s23+$0x6480] =	vst v58  }
0xb8: {  	v23 =	vperm.xlane v23, v6;
	[tilespmem:s23+$0x6470] =	vst v60  }
0xb9: {  	v22 =	vperm.xlane v22, v5;
	[tilespmem:s23+$0x6460] =	vst v62  }
0xba: {  	[tilespmem:s23+$0x6450] =	vst v23  }
0xbb: {  	s31 =	simm.s32 $0x4190;
	[tilespmem:s23+$0x7C40] =	vst v22  }
0xbc: {  	s30 =	simm.s32 $0x400;
	s23 =	simm.s32 $0x800;
	v22 =	vld [tilespmem:s31+$0x0]  }
.LBB2_6:
0xbd: {  	p0 =	sne.s32 s23, $0x1C00;
	_ =	sdelay $0x2  }
0xbe: {  	s29 =	sadd.s32 $0x10, s29  }
0xbf: {  	s1 =	sadd.s32 $0x10, s1;
	v28 =	vld [tilespmem:s29+$0x0];
	v23 =	vperm.xlane v22, v4;
	v24 =	vperm.xlane v22, v17  }
0xc0: {  	s24 =	sshra.s32 s30, $0x2;
	s0 =	sadd.s32 $0x10, s0;
	s30 =	smov.u32 s23;
	v30 =	vperm.xlane v22, v2;
	v25 =	vperm.xlane v22, v3;
	v29 =	vld [tilespmem:s1+$0x0]  }
0xc1: {  	v32 =	vperm.xlane v22, v1;
	v26 =	vperm.xlane v22, v16;
	v31 =	vld [tilespmem:s0+$0x0];
	[tilespmem:s24+$0x7CF0] =	vst v24  }
0xc2: {  	v27 =	vperm.xlane v22, v14;
	v24 =	vperm.xlane v22, v13;
	[tilespmem:s24+$0x7C30] =	vst v23  }
0xc3: {  	v23 =	vperm.xlane v22, v11;
	[tilespmem:s24+$0x7C20] =	vst v25;
	v25 =	vperm.xlane v22, v12  }
0xc4: {  	v33 =	vperm.xlane v28, v1;
	[tilespmem:s24+$0x7C10] =	vst v30;
	v30 =	vperm.xlane v28, v5  }
0xc5: {  	[tilespmem:s24+$0x7C00] =	vst v32;
	v32 =	vperm.xlane v29, v2;
	v34 =	vperm.xlane v29, v17  }
0xc6: {  	[tilespmem:s24+$0x6400] =	vst v33;
	v33 =	vperm.xlane v31, v4;
	v35 =	vperm.xlane v31, v5  }
0xc7: {  	v36 =	vperm.xlane v31, v3;
	[tilespmem:s24+$0x6C10] =	vst v32;
	v32 =	vperm.xlane v31, v2  }
0xc8: {  	v37 =	vperm.xlane v31, v1;
	[tilespmem:s24+$0x7440] =	vst v35;
	v35 =	vperm.xlane v31, v17  }
0xc9: {  	v38 =	vperm.xlane v31, v16;
	[tilespmem:s24+$0x7430] =	vst v33;
	v33 =	vperm.xlane v29, v16  }
0xca: {  	v39 =	vperm.xlane v31, v14;
	[tilespmem:s24+$0x7420] =	vst v36;
	v36 =	vperm.xlane v29, v14  }
0xcb: {  	v40 =	vperm.xlane v31, v13;
	[tilespmem:s24+$0x7410] =	vst v32;
	v32 =	vperm.xlane v29, v13  }
0xcc: {  	v41 =	vperm.xlane v31, v12;
	[tilespmem:s24+$0x7400] =	vst v37;
	v37 =	vperm.xlane v29, v12  }
0xcd: {  	v42 =	vperm.xlane v29, v11;
	v43 =	vperm.xlane v31, v11;
	[tilespmem:s24+$0x74F0] =	vst v35  }
0xce: {  	v44 =	vperm.xlane v31, v10;
	v35 =	vperm.xlane v29, v10;
	[tilespmem:s24+$0x6CF0] =	vst v34  }
0xcf: {  	v45 =	vperm.xlane v31, v9;
	v34 =	vperm.xlane v29, v9;
	[tilespmem:s24+$0x74E0] =	vst v38  }
0xd0: {  	v46 =	vperm.xlane v31, v8;
	v38 =	vperm.xlane v29, v8;
	[tilespmem:s24+$0x6CE0] =	vst v33  }
0xd1: {  	v47 =	vperm.xlane v31, v7;
	v33 =	vperm.xlane v29, v7;
	[tilespmem:s24+$0x74D0] =	vst v39  }
0xd2: {  	v31 =	vperm.xlane v31, v6;
	v39 =	vperm.xlane v29, v6;
	[tilespmem:s24+$0x6CD0] =	vst v36  }
0xd3: {  	v48 =	vperm.xlane v29, v5;
	v36 =	vperm.xlane v29, v4;
	[tilespmem:s24+$0x74C0] =	vst v40  }
0xd4: {  	v40 =	vperm.xlane v29, v1;
	v29 =	vperm.xlane v29, v3;
	[tilespmem:s24+$0x6CC0] =	vst v32  }
0xd5: {  	v49 =	vperm.xlane v28, v4;
	v32 =	vperm.xlane v28, v3;
	[tilespmem:s24+$0x74B0] =	vst v41  }
0xd6: {  	v41 =	vperm.xlane v28, v2;
	[tilespmem:s24+$0x6CB0] =	vst v37;
	v37 =	vperm.xlane v28, v17  }
0xd7: {  	v50 =	vperm.xlane v28, v16;
	[tilespmem:s24+$0x74A0] =	vst v43;
	v43 =	vperm.xlane v28, v14  }
0xd8: {  	v51 =	vperm.xlane v28, v13;
	[tilespmem:s24+$0x6CA0] =	vst v42;
	v42 =	vperm.xlane v28, v12  }
0xd9: {  	v52 =	vperm.xlane v28, v11;
	[tilespmem:s24+$0x7490] =	vst v44;
	v44 =	vperm.xlane v22, v10  }
0xda: {  	v53 =	vperm.xlane v22, v9;
	v54 =	vperm.xlane v28, v10;
	[tilespmem:s24+$0x6C90] =	vst v35  }
0xdb: {  	v55 =	vperm.xlane v28, v9;
	v35 =	vperm.xlane v22, v8;
	[tilespmem:s24+$0x7480] =	vst v45  }
0xdc: {  	v56 =	vperm.xlane v28, v8;
	v45 =	vperm.xlane v22, v7;
	[tilespmem:s24+$0x6C80] =	vst v34  }
0xdd: {  	v57 =	vperm.xlane v28, v7;
	v34 =	vperm.xlane v22, v6;
	[tilespmem:s24+$0x7470] =	vst v46  }
0xde: {  	v28 =	vperm.xlane v28, v6;
	v22 =	vperm.xlane v22, v5;
	[tilespmem:s24+$0x6C70] =	vst v38  }
0xdf: {  	[tilespmem:s24+$0x7460] =	vst v47  }
0xe0: {  	[tilespmem:s24+$0x6C60] =	vst v33  }
0xe1: {  	[tilespmem:s24+$0x7450] =	vst v31  }
0xe2: {  	[tilespmem:s24+$0x6C50] =	vst v39  }
0xe3: {  	[tilespmem:s24+$0x6C40] =	vst v48  }
0xe4: {  	[tilespmem:s24+$0x6C30] =	vst v36  }
0xe5: {  	[tilespmem:s24+$0x6C20] =	vst v29  }
0xe6: {  	[tilespmem:s24+$0x6C00] =	vst v40  }
0xe7: {  	[tilespmem:s24+$0x6440] =	vst v30  }
0xe8: {  	[tilespmem:s24+$0x6430] =	vst v49  }
0xe9: {  	[tilespmem:s24+$0x6420] =	vst v32  }
0xea: {  	[tilespmem:s24+$0x6410] =	vst v41  }
0xeb: {  	[tilespmem:s24+$0x64F0] =	vst v37  }
0xec: {  	[tilespmem:s24+$0x7CE0] =	vst v26  }
0xed: {  	[tilespmem:s24+$0x64E0] =	vst v50  }
0xee: {  	[tilespmem:s24+$0x7CD0] =	vst v27  }
0xef: {  	[tilespmem:s24+$0x64D0] =	vst v43  }
0xf0: {  	[tilespmem:s24+$0x7CC0] =	vst v24  }
0xf1: {  	[tilespmem:s24+$0x64C0] =	vst v51  }
0xf2: {  	[tilespmem:s24+$0x7CB0] =	vst v25  }
0xf3: {  	[tilespmem:s24+$0x64B0] =	vst v42  }
0xf4: {  	[tilespmem:s24+$0x7CA0] =	vst v23  }
0xf5: {  	[tilespmem:s24+$0x64A0] =	vst v52  }
0xf6: {  	[tilespmem:s24+$0x7C90] =	vst v44  }
0xf7: {  	[tilespmem:s24+$0x6490] =	vst v54  }
0xf8: {  	[tilespmem:s24+$0x7C80] =	vst v53  }
0xf9: {  	[tilespmem:s24+$0x6480] =	vst v55  }
0xfa: {  	[tilespmem:s24+$0x7C70] =	vst v35  }
0xfb: {  	[tilespmem:s24+$0x6470] =	vst v56  }
0xfc: {  	[tilespmem:s24+$0x7C60] =	vst v45  }
.Ltmp2:
0xfd: {  	[tilespmem:s24+$0x6460] =	vst v57;
	(pc) =	sbr.rel @p0 .LBB2_6-.Ltmp2, $4  }
0xfe: {  	[tilespmem:s24+$0x7C50] =	vst v34  }
0xff: {  	[tilespmem:s24+$0x6450] =	vst v28  }
0x100: {  	s31 =	sadd.s32 $0x10, s31;
	[tilespmem:s24+$0x7C40] =	vst v22  }
0x101: {  	s23 =	sadd.s32 $0x400, s23;
	v22 =	vld [tilespmem:s31+$0x0]  }
0x102: {  	_ =	sdelay $0x2  }
0x103: {  	s23 =	sadd.s32 $0x10, s29  }
0x104: {  	s1 =	sadd.s32 $0x10, s1;
	v23 =	vld [tilespmem:s23+$0x0];
	v24 =	vperm.xlane v22, v17  }
0x105: {  	s24 =	sadd.s32 $0x10, s0;
	s31 =	sshra.s32 s30, $0x2;
	v25 =	vld [tilespmem:s1+$0x0];
	v26 =	vperm.xlane v22, v4  }
0x106: {  	v27 =	vld [tilespmem:s24+$0x0];
	v28 =	vperm.xlane v22, v3;
	[tilespmem:s31+$0x7CF0] =	vst v24  }
0x107: {  	v41 =	vperm.xlane v22, v2;
	[tilespmem:s31+$0x7C30] =	vst v26  }
0x108: {  	v42 =	vperm.xlane v22, v1;
	[tilespmem:s31+$0x7C20] =	vst v28  }
0x109: {  	v43 =	vperm.xlane v23, v1;
	[tilespmem:s31+$0x7C10] =	vst v41  }
0x10a: {  	[tilespmem:s31+$0x7C00] =	vst v42;
	v44 =	vperm.xlane v25, v2  }
0x10b: {  	v45 =	vperm.xlane v27, v5;
	[tilespmem:s31+$0x6400] =	vst v43  }
0x10c: {  	v46 =	vperm.xlane v27, v4;
	[tilespmem:s31+$0x6C10] =	vst v44  }
0x10d: {  	v47 =	vperm.xlane v27, v3;
	[tilespmem:s31+$0x7440] =	vst v45  }
0x10e: {  	v48 =	vperm.xlane v27, v2;
	[tilespmem:s31+$0x7430] =	vst v46  }
0x10f: {  	v49 =	vperm.xlane v27, v1;
	[tilespmem:s31+$0x7420] =	vst v47  }
0x110: {  	v50 =	vperm.xlane v27, v17;
	[tilespmem:s31+$0x7410] =	vst v48  }
0x111: {  	v51 =	vperm.xlane v25, v17;
	[tilespmem:s31+$0x7400] =	vst v49  }
0x112: {  	v52 =	vperm.xlane v27, v16;
	[tilespmem:s31+$0x74F0] =	vst v50  }
0x113: {  	v53 =	vperm.xlane v25, v16;
	[tilespmem:s31+$0x6CF0] =	vst v51  }
0x114: {  	v54 =	vperm.xlane v27, v14;
	[tilespmem:s31+$0x74E0] =	vst v52  }
0x115: {  	v55 =	vperm.xlane v25, v14;
	[tilespmem:s31+$0x6CE0] =	vst v53  }
0x116: {  	v56 =	vperm.xlane v27, v13;
	[tilespmem:s31+$0x74D0] =	vst v54  }
0x117: {  	v57 =	vperm.xlane v25, v13;
	[tilespmem:s31+$0x6CD0] =	vst v55  }
0x118: {  	v58 =	vperm.xlane v27, v12;
	[tilespmem:s31+$0x74C0] =	vst v56  }
0x119: {  	v59 =	vperm.xlane v25, v12;
	[tilespmem:s31+$0x6CC0] =	vst v57  }
0x11a: {  	v60 =	vperm.xlane v27, v11;
	[tilespmem:s31+$0x74B0] =	vst v58  }
0x11b: {  	v61 =	vperm.xlane v25, v11;
	[tilespmem:s31+$0x6CB0] =	vst v59  }
0x11c: {  	v62 =	vperm.xlane v27, v10;
	[tilespmem:s31+$0x74A0] =	vst v60  }
0x11d: {  	v63 =	vperm.xlane v25, v10;
	[tilespmem:s31+$0x6CA0] =	vst v61  }
0x11e: {  	v0 =	vperm.xlane v27, v9;
	[tilespmem:s31+$0x7490] =	vst v62  }
0x11f: {  	v20 =	vperm.xlane v25, v9;
	[tilespmem:s31+$0x6C90] =	vst v63  }
0x120: {  	v21 =	vperm.xlane v27, v8;
	[tilespmem:s31+$0x7480] =	vst v0  }
0x121: {  	v32 =	vperm.xlane v25, v8;
	[tilespmem:s31+$0x6C80] =	vst v20  }
0x122: {  	v33 =	vperm.xlane v27, v7;
	[tilespmem:s31+$0x7470] =	vst v21  }
0x123: {  	v34 =	vperm.xlane v25, v7;
	[tilespmem:s31+$0x6C70] =	vst v32  }
0x124: {  	v27 =	vperm.xlane v27, v6;
	[tilespmem:s31+$0x7460] =	vst v33  }
0x125: {  	v35 =	vperm.xlane v25, v6;
	[tilespmem:s31+$0x6C60] =	vst v34  }
0x126: {  	v36 =	vperm.xlane v25, v5;
	[tilespmem:s31+$0x7450] =	vst v27  }
0x127: {  	v37 =	vperm.xlane v25, v4;
	[tilespmem:s31+$0x6C50] =	vst v35  }
0x128: {  	v38 =	vperm.xlane v25, v3;
	[tilespmem:s31+$0x6C40] =	vst v36  }
0x129: {  	v25 =	vperm.xlane v25, v1;
	[tilespmem:s31+$0x6C30] =	vst v37  }
0x12a: {  	v39 =	vperm.xlane v23, v5;
	[tilespmem:s31+$0x6C20] =	vst v38  }
0x12b: {  	v40 =	vperm.xlane v23, v4;
	[tilespmem:s31+$0x6C00] =	vst v25  }
0x12c: {  	v41 =	vperm.xlane v23, v3;
	[tilespmem:s31+$0x6440] =	vst v39  }
0x12d: {  	v42 =	vperm.xlane v23, v2;
	[tilespmem:s31+$0x6430] =	vst v40  }
0x12e: {  	v43 =	vperm.xlane v23, v17;
	[tilespmem:s31+$0x6420] =	vst v41  }
0x12f: {  	v44 =	vperm.xlane v22, v16;
	[tilespmem:s31+$0x6410] =	vst v42  }
0x130: {  	v45 =	vperm.xlane v23, v16;
	[tilespmem:s31+$0x64F0] =	vst v43  }
0x131: {  	v46 =	vperm.xlane v22, v14;
	[tilespmem:s31+$0x7CE0] =	vst v44  }
0x132: {  	v47 =	vperm.xlane v23, v14;
	[tilespmem:s31+$0x64E0] =	vst v45  }
0x133: {  	v48 =	vperm.xlane v22, v13;
	[tilespmem:s31+$0x7CD0] =	vst v46  }
0x134: {  	v49 =	vperm.xlane v23, v13;
	[tilespmem:s31+$0x64D0] =	vst v47  }
0x135: {  	v50 =	vperm.xlane v22, v12;
	[tilespmem:s31+$0x7CC0] =	vst v48  }
0x136: {  	v51 =	vperm.xlane v23, v12;
	[tilespmem:s31+$0x64C0] =	vst v49  }
0x137: {  	v52 =	vperm.xlane v22, v11;
	[tilespmem:s31+$0x7CB0] =	vst v50  }
0x138: {  	v53 =	vperm.xlane v23, v11;
	[tilespmem:s31+$0x64B0] =	vst v51  }
0x139: {  	v54 =	vperm.xlane v22, v10;
	[tilespmem:s31+$0x7CA0] =	vst v52  }
0x13a: {  	v55 =	vperm.xlane v23, v10;
	[tilespmem:s31+$0x64A0] =	vst v53  }
0x13b: {  	v56 =	vperm.xlane v22, v9;
	[tilespmem:s31+$0x7C90] =	vst v54  }
0x13c: {  	v57 =	vperm.xlane v23, v9;
	[tilespmem:s31+$0x6490] =	vst v55  }
0x13d: {  	v58 =	vperm.xlane v22, v8;
	[tilespmem:s31+$0x7C80] =	vst v56  }
0x13e: {  	v59 =	vperm.xlane v23, v8;
	[tilespmem:s31+$0x6480] =	vst v57  }
0x13f: {  	v60 =	vperm.xlane v22, v7;
	[tilespmem:s31+$0x7C70] =	vst v58  }
0x140: {  	v61 =	vperm.xlane v23, v7;
	[tilespmem:s31+$0x6470] =	vst v59  }
0x141: {  	v62 =	vperm.xlane v22, v6;
	[tilespmem:s31+$0x7C60] =	vst v60  }
0x142: {  	v23 =	vperm.xlane v23, v6;
	[tilespmem:s31+$0x6460] =	vst v61  }
0x143: {  	v63 =	vperm.xlane v22, v5;
	[tilespmem:s31+$0x7C50] =	vst v62  }
0x144: {  	[tilespmem:s31+$0x6450] =	vst v23  }
0x145: {  	s29 =	simm.s32 $0x0;
	[tilespmem:s31+$0x7C40] =	vst v63  }
.LBB2_8:
0x146: {  	s30 =	sshll.u32 s29, $0x4  }
0x147: {  	v23 =	vimm.f32 $+Inf;
	v0 =	vld [tilespmem:s30+$0x4180]  }
0x148: {  	v33 =	vimm.f32 $+Inf;
	v48 =	vimm.f32 $+Inf;
	v27 =	vimm.f32 $+Inf  }
0x149: {  	v25 =	vimm.f32 $+Inf;
	v24 =	vimm.f32 $+Inf;
	v26 =	vimm.f32 $+Inf  }
0x14a: {  	v28 =	vimm.f32 $+Inf;
	v32 =	vimm.f32 $+Inf;
	v31 =	vimm.f32 $+Inf  }
0x14b: {  	v29 =	vimm.f32 $+Inf;
	v30 =	vimm.f32 $+Inf;
	v34 =	vimm.f32 $+Inf  }
0x14c: {  	s31 =	sshll.u32 s29, $0x8;
	s0 =	simm.s32 $0x0;
	v37 =	vimm.f32 $+Inf;
	v36 =	vimm.f32 $+Inf;
	v35 =	vimm.f32 $+Inf;
	[tilespmem:$0x1FFA0] =	vst v0  }
.LBB2_9:
0x14d: {  	v52 =	vld [tilespmem:s31+$0x6400]  }
0x14e: {  	v55 =	vld [tilespmem:s31+$0x6C00]  }
0x14f: {  	v56 =	vld [tilespmem:s31+$0x7400]  }
0x150: {  	v58 =	vld [tilespmem:s31+$0x7C00]  }
0x151: {  	s1 =	sshra.s32 s0, $0x2;
	v20 =	vld [tilespmem:s31+$0x6C10]  }
0x152: {  	v51 =	vld [tilespmem:s1+$0x0]  }
0x153: {  	v46 =	vld [tilespmem:s1+$0x10]  }
0x154: {  	v41 =	vld [tilespmem:s1+$0x20]  }
0x155: {  	v38 =	vld [tilespmem:s1+$0x30]  }
0x156: {  	v54 =	vld [tilespmem:s1+$0x1000]  }
0x157: {  	v47 =	vld [tilespmem:s1+$0x1010]  }
0x158: {  	v53 =	vld [tilespmem:s1+$0x2000]  }
0x159: {  	v44 =	vld [tilespmem:s1+$0x1020]  }
0x15a: {  	v42 =	vld [tilespmem:s1+$0x1030]  }
0x15b: {  	v50 =	vld [tilespmem:s1+$0x2010]  }
0x15c: {  	v45 =	vld [tilespmem:s1+$0x2020];
	v40 =	vmul.f32 v52, v51  }
0x15d: {  	v43 =	vld [tilespmem:s1+$0x2030];
	v57 =	vmul.f32 v55, v54;
	v59 =	vmul.f32 v56, v53  }
0x15e: {  	v49 =	vld [tilespmem:s1+$0x3000];
	v60 =	vmul.f32 v52, v46;
	v61 =	vmul.f32 v55, v47  }
0x15f: {  	v39 =	vld [tilespmem:s1+$0x3010];
	v0 =	vmul.f32 v52, v41;
	v21 =	vmul.f32 v55, v44;
	v57 =	vadd.f32 v57, v40  }
0x160: {  	v62 =	vld [tilespmem:s1+$0x4400];
	v55 =	vmul.f32 v55, v42;
	v2 =	vmul.f32 v20, v54  }
0x161: {  	v19 =	vld [tilespmem:s1+$0x4410];
	v0 =	vadd.f32 v21, v0;
	v21 =	vmul.f32 v52, v38;
	v57 =	vadd.f32 v59, v57  }
0x162: {  	v18 =	vmul.f32 v20, v47;
	v59 =	vadd.f32 v61, v60;
	v60 =	vmul.f32 v56, v50;
	v61 =	vld [tilespmem:s31+$0x6410]  }
0x163: {  	v40 =	vld [tilespmem:s1+$0x3020];
	v21 =	vadd.f32 v55, v21;
	v55 =	vmul.f32 v56, v43;
	v63 =	vadd.f32 v57, v49  }
0x164: {  	v52 =	vld [tilespmem:s1+$0x3030];
	v57 =	vadd.f32 v57, v58;
	v59 =	vadd.f32 v60, v59;
	v60 =	vmul.f32 v56, v45  }
0x165: {  	v22 =	vld [tilespmem:s31+$0x7410];
	v15 =	vmul.f32 v20, v44;
	v20 =	vmul.f32 v20, v42;
	v21 =	vadd.f32 v55, v21  }
0x166: {  	v57 =	vmin.f32 v62, v57;
	v62 =	vadd.f32 v59, v39;
	v0 =	vadd.f32 v60, v0  }
0x167: {  	v35 =	vmin.f32 v35, v63;
	v59 =	vadd.f32 v59, v58;
	v60 =	vmul.f32 v61, v51  }
0x168: {  	v56 =	vld [tilespmem:s1+$0x4420];
	v35 =	vmin.f32 v35, v62;
	v1 =	vadd.f32 v0, v40;
	v0 =	vadd.f32 v0, v58  }
0x169: {  	v55 =	vld [tilespmem:s31+$0x7C10];
	v19 =	vmin.f32 v19, v59;
	v62 =	vadd.f32 v21, v52;
	v21 =	vadd.f32 v21, v58  }
0x16a: {  	v63 =	vld [tilespmem:s1+$0x4430];
	v58 =	vmul.f32 v22, v50;
	v59 =	vadd.f32 v2, v60;
	v60 =	vmul.f32 v22, v53  }
0x16b: {  	v2 =	vmul.f32 v22, v45;
	v22 =	vmul.f32 v22, v43  }
0x16c: {  	v35 =	vmin.f32 v35, v1;
	v1 =	vld [tilespmem:s31+$0x6C20];
	v59 =	vadd.f32 v60, v59;
	v60 =	vmul.f32 v61, v46  }
0x16d: {  	v0 =	vmin.f32 v56, v0;
	v35 =	vmin.f32 v35, v62;
	v62 =	vmul.f32 v61, v41  }
0x16e: {  	v61 =	vmul.f32 v61, v38;
	v56 =	vadd.f32 v59, v49;
	v18 =	vadd.f32 v18, v60;
	v60 =	vld [tilespmem:s31+$0x6420]  }
0x16f: {  	v21 =	vmin.f32 v63, v21;
	v59 =	vadd.f32 v59, v55;
	v15 =	vadd.f32 v15, v62  }
0x170: {  	v20 =	vadd.f32 v20, v61;
	v36 =	vmin.f32 v36, v56;
	v18 =	vadd.f32 v58, v18;
	v58 =	vld [tilespmem:s31+$0x7420]  }
0x171: {  	v56 =	vmin.f32 v57, v59;
	v15 =	vadd.f32 v2, v15;
	v2 =	vmul.f32 v1, v54  }
0x172: {  	v62 =	vmul.f32 v1, v47;
	v59 =	vadd.f32 v18, v39;
	v18 =	vadd.f32 v18, v55  }
0x173: {  	v20 =	vadd.f32 v22, v20;
	v57 =	vmul.f32 v60, v51;
	v61 =	vmul.f32 v60, v46  }
0x174: {  	v36 =	vmin.f32 v36, v59;
	v18 =	vmin.f32 v19, v18;
	v19 =	vadd.f32 v15, v40  }
0x175: {  	v15 =	vadd.f32 v15, v55;
	v59 =	vld [tilespmem:s31+$0x7C20];
	v22 =	vadd.f32 v2, v57;
	v2 =	vmul.f32 v58, v53  }
0x176: {  	v63 =	vmul.f32 v58, v50;
	v19 =	vmin.f32 v36, v19;
	v36 =	vadd.f32 v20, v52  }
0x177: {  	v57 =	vmul.f32 v58, v45;
	v0 =	vmin.f32 v0, v15;
	v15 =	vadd.f32 v62, v61  }
0x178: {  	v61 =	vld [tilespmem:s31+$0x6430];
	v22 =	vadd.f32 v2, v22;
	v36 =	vmin.f32 v19, v36;
	v19 =	vadd.f32 v20, v55  }
0x179: {  	v2 =	vmul.f32 v1, v44;
	v15 =	vadd.f32 v63, v15;
	v55 =	vmul.f32 v60, v41  }
0x17a: {  	v20 =	vadd.f32 v22, v49;
	v19 =	vmin.f32 v21, v19;
	v21 =	vadd.f32 v22, v59;
	v22 =	vld [tilespmem:s31+$0x6C30]  }
0x17b: {  	v1 =	vmul.f32 v1, v42;
	v60 =	vmul.f32 v60, v38  }
0x17c: {  	v62 =	vld [tilespmem:s31+$0x7430];
	v55 =	vadd.f32 v2, v55;
	v20 =	vmin.f32 v37, v20;
	v37 =	vadd.f32 v15, v39  }
0x17d: {  	v1 =	vadd.f32 v1, v60;
	v15 =	vadd.f32 v15, v59;
	v63 =	vmul.f32 v61, v51  }
0x17e: {  	v2 =	vmul.f32 v61, v38;
	v20 =	vmin.f32 v20, v37;
	v37 =	vadd.f32 v57, v55  }
0x17f: {  	v15 =	vmin.f32 v18, v15;
	v18 =	vmul.f32 v58, v43;
	v60 =	vmul.f32 v22, v54  }
0x180: {  	v21 =	vmin.f32 v56, v21;
	v55 =	vadd.f32 v37, v40;
	v37 =	vadd.f32 v37, v59  }
0x181: {  	v1 =	vadd.f32 v18, v1;
	v18 =	vmul.f32 v62, v53;
	v56 =	vadd.f32 v60, v63  }
0x182: {  	v63 =	vmul.f32 v61, v46;
	v60 =	vmul.f32 v22, v47;
	v20 =	vmin.f32 v20, v55  }
0x183: {  	v0 =	vmin.f32 v0, v37;
	v37 =	vadd.f32 v1, v52;
	v55 =	vld [tilespmem:s31+$0x7C30];
	v1 =	vadd.f32 v1, v59  }
0x184: {  	v57 =	vmul.f32 v62, v50;
	v18 =	vadd.f32 v18, v56;
	v56 =	vadd.f32 v60, v63  }
0x185: {  	v63 =	vmul.f32 v61, v41;
	v60 =	vmul.f32 v22, v44;
	v37 =	vmin.f32 v20, v37  }
0x186: {  	v59 =	vld [tilespmem:s31+$0x6C40];
	v1 =	vmin.f32 v19, v1;
	v22 =	vmul.f32 v22, v42;
	v20 =	vadd.f32 v18, v49  }
0x187: {  	v56 =	vadd.f32 v57, v56;
	v57 =	vld [tilespmem:s31+$0x6440];
	v19 =	vadd.f32 v60, v63;
	v63 =	vmul.f32 v62, v45  }
0x188: {  	v60 =	vld [tilespmem:s31+$0x7440];
	v22 =	vadd.f32 v22, v2;
	v18 =	vadd.f32 v18, v55  }
0x189: {  	v20 =	vmin.f32 v34, v20;
	v34 =	vadd.f32 v56, v39;
	v19 =	vadd.f32 v63, v19  }
0x18a: {  	v2 =	vmul.f32 v62, v43;
	v18 =	vmin.f32 v21, v18;
	v21 =	vadd.f32 v56, v55  }
0x18b: {  	v61 =	vmul.f32 v59, v54;
	v20 =	vmin.f32 v20, v34;
	v34 =	vadd.f32 v19, v40  }
0x18c: {  	v19 =	vadd.f32 v19, v55;
	v58 =	vmul.f32 v57, v51;
	v15 =	vmin.f32 v15, v21  }
0x18d: {  	v21 =	vadd.f32 v2, v22;
	v22 =	vmul.f32 v60, v53;
	v2 =	vmul.f32 v59, v47  }
0x18e: {  	v20 =	vmin.f32 v20, v34;
	v0 =	vmin.f32 v0, v19;
	v19 =	vadd.f32 v61, v58  }
0x18f: {  	v56 =	vld [tilespmem:s31+$0x7C40];
	v34 =	vadd.f32 v21, v52;
	v58 =	vmul.f32 v57, v46;
	v21 =	vadd.f32 v21, v55  }
0x190: {  	v61 =	vmul.f32 v59, v44;
	v59 =	vmul.f32 v59, v42;
	v19 =	vadd.f32 v22, v19  }
0x191: {  	v22 =	vmul.f32 v60, v50;
	v55 =	vadd.f32 v2, v58;
	v58 =	vmul.f32 v57, v41  }
0x192: {  	v34 =	vmin.f32 v20, v34;
	v1 =	vmin.f32 v1, v21;
	v21 =	vld [tilespmem:s31+$0x6450];
	v20 =	vadd.f32 v19, v49  }
0x193: {  	v2 =	vmul.f32 v60, v45;
	v22 =	vadd.f32 v22, v55;
	v55 =	vadd.f32 v61, v58;
	v61 =	vld [tilespmem:s31+$0x6C50]  }
0x194: {  	v57 =	vmul.f32 v57, v38;
	v60 =	vmul.f32 v60, v43;
	v19 =	vadd.f32 v19, v56;
	v58 =	vld [tilespmem:s31+$0x7450]  }
0x195: {  	v20 =	vmin.f32 v30, v20;
	v30 =	vadd.f32 v22, v39;
	v55 =	vadd.f32 v2, v55  }
0x196: {  	v18 =	vmin.f32 v18, v19;
	v19 =	vadd.f32 v59, v57;
	v22 =	vadd.f32 v22, v56  }
0x197: {  	v62 =	vmul.f32 v21, v51;
	v20 =	vmin.f32 v20, v30  }
0x198: {  	v30 =	vadd.f32 v55, v40;
	v19 =	vadd.f32 v60, v19;
	v15 =	vmin.f32 v15, v22  }
0x199: {  	v22 =	vadd.f32 v55, v56;
	v63 =	vmul.f32 v61, v54;
	v59 =	vmul.f32 v58, v53  }
0x19a: {  	v60 =	vmul.f32 v61, v47;
	v20 =	vmin.f32 v20, v30;
	v30 =	vadd.f32 v19, v52  }
0x19b: {  	v55 =	vld [tilespmem:s31+$0x7C50];
	v19 =	vadd.f32 v19, v56;
	v56 =	vmul.f32 v21, v46;
	v57 =	vadd.f32 v63, v62  }
0x19c: {  	v0 =	vmin.f32 v0, v22;
	v22 =	vmul.f32 v58, v50;
	v62 =	vld [tilespmem:s31+$0x6C60];
	v30 =	vmin.f32 v20, v30  }
0x19d: {  	v1 =	vmin.f32 v1, v19;
	v19 =	vadd.f32 v60, v56;
	v20 =	vadd.f32 v59, v57  }
0x19e: {  	v2 =	vmul.f32 v61, v44;
	v59 =	vmul.f32 v21, v41  }
0x19f: {  	v56 =	vld [tilespmem:s31+$0x6460];
	v21 =	vmul.f32 v21, v38;
	v19 =	vadd.f32 v22, v19;
	v57 =	vadd.f32 v20, v49  }
0x1a0: {  	v22 =	vmul.f32 v58, v45;
	v20 =	vadd.f32 v20, v55;
	v59 =	vadd.f32 v2, v59  }
0x1a1: {  	v2 =	vmul.f32 v61, v42;
	v61 =	vld [tilespmem:s31+$0x7460];
	v63 =	vmul.f32 v62, v54;
	v29 =	vmin.f32 v29, v57  }
0x1a2: {  	v18 =	vmin.f32 v18, v20;
	v20 =	vadd.f32 v19, v39;
	v22 =	vadd.f32 v22, v59  }
0x1a3: {  	v21 =	vadd.f32 v2, v21;
	v2 =	vmul.f32 v58, v43;
	v19 =	vadd.f32 v19, v55  }
0x1a4: {  	v60 =	vmul.f32 v56, v51;
	v59 =	vmul.f32 v56, v41;
	v20 =	vmin.f32 v29, v20  }
0x1a5: {  	v29 =	vadd.f32 v22, v40;
	v21 =	vadd.f32 v2, v21;
	v15 =	vmin.f32 v15, v19  }
0x1a6: {  	v19 =	vld [tilespmem:s31+$0x7C60];
	v2 =	vadd.f32 v63, v60;
	v22 =	vadd.f32 v22, v55;
	v60 =	vmul.f32 v61, v53  }
0x1a7: {  	v63 =	vmul.f32 v56, v46;
	v20 =	vmin.f32 v20, v29;
	v29 =	vadd.f32 v21, v52  }
0x1a8: {  	v56 =	vmul.f32 v56, v38;
	v57 =	vadd.f32 v60, v2;
	v60 =	vmul.f32 v62, v47  }
0x1a9: {  	v0 =	vmin.f32 v0, v22;
	v29 =	vmin.f32 v20, v29;
	v20 =	vadd.f32 v21, v55  }
0x1aa: {  	v58 =	vld [tilespmem:s31+$0x6470];
	v55 =	vmul.f32 v61, v50;
	v21 =	vadd.f32 v57, v49;
	v22 =	vadd.f32 v60, v63  }
0x1ab: {  	v57 =	vadd.f32 v57, v19;
	v60 =	vmul.f32 v62, v44;
	v63 =	vld [tilespmem:s31+$0x6C70];
	v62 =	vmul.f32 v62, v42  }
0x1ac: {  	v1 =	vmin.f32 v1, v20;
	v20 =	vmin.f32 v31, v21;
	v21 =	vadd.f32 v55, v22  }
0x1ad: {  	v22 =	vadd.f32 v60, v59;
	v31 =	vmul.f32 v61, v45;
	v55 =	vld [tilespmem:s31+$0x7470]  }
0x1ae: {  	v18 =	vmin.f32 v18, v57;
	v56 =	vadd.f32 v62, v56;
	v57 =	vadd.f32 v21, v39  }
0x1af: {  	v21 =	vadd.f32 v21, v19;
	v22 =	vadd.f32 v31, v22;
	v31 =	vmul.f32 v61, v43  }
0x1b0: {  	v59 =	vmul.f32 v58, v51;
	v2 =	vmul.f32 v63, v54;
	v20 =	vmin.f32 v20, v57  }
0x1b1: {  	v15 =	vmin.f32 v15, v21;
	v21 =	vadd.f32 v22, v40;
	v56 =	vadd.f32 v31, v56  }
0x1b2: {  	v22 =	vadd.f32 v22, v19;
	v31 =	vadd.f32 v2, v59;
	v2 =	vmul.f32 v55, v53  }
0x1b3: {  	v60 =	vmul.f32 v58, v46;
	v61 =	vmul.f32 v63, v47;
	v59 =	vld [tilespmem:s31+$0x7C70];
	v20 =	vmin.f32 v20, v21  }
0x1b4: {  	v21 =	vadd.f32 v56, v52;
	v0 =	vmin.f32 v0, v22;
	v57 =	vadd.f32 v2, v31  }
0x1b5: {  	v22 =	vadd.f32 v61, v60;
	v19 =	vadd.f32 v56, v19;
	v60 =	vld [tilespmem:s31+$0x6480];
	v2 =	vmul.f32 v55, v50  }
0x1b6: {  	v56 =	vmul.f32 v63, v44;
	v31 =	vmin.f32 v20, v21;
	v20 =	vadd.f32 v57, v49  }
0x1b7: {  	v1 =	vmin.f32 v1, v19;
	v21 =	vadd.f32 v2, v22;
	v22 =	vmul.f32 v58, v41  }
0x1b8: {  	v58 =	vmul.f32 v58, v38;
	v19 =	vmin.f32 v32, v20;
	v20 =	vadd.f32 v57, v59;
	v57 =	vld [tilespmem:s31+$0x6C80]  }
0x1b9: {  	v61 =	vld [tilespmem:s31+$0x7480];
	v32 =	vadd.f32 v21, v39;
	v22 =	vadd.f32 v56, v22;
	v56 =	vmul.f32 v55, v45  }
0x1ba: {  	v2 =	vmul.f32 v63, v42;
	v21 =	vadd.f32 v21, v59;
	v62 =	vmul.f32 v60, v51  }
0x1bb: {  	v18 =	vmin.f32 v18, v20;
	v19 =	vmin.f32 v19, v32;
	v20 =	vadd.f32 v56, v22  }
0x1bc: {  	v15 =	vmin.f32 v15, v21;
	v21 =	vadd.f32 v2, v58;
	v22 =	vmul.f32 v55, v43  }
0x1bd: {  	v56 =	vmul.f32 v60, v46;
	v2 =	vadd.f32 v20, v40;
	v63 =	vmul.f32 v57, v54  }
0x1be: {  	v20 =	vadd.f32 v20, v59;
	v21 =	vadd.f32 v22, v21;
	v22 =	vmul.f32 v61, v53  }
0x1bf: {  	v58 =	vmul.f32 v57, v47;
	v19 =	vmin.f32 v19, v2;
	v55 =	vadd.f32 v63, v62  }
0x1c0: {  	v0 =	vmin.f32 v0, v20;
	v20 =	vadd.f32 v21, v52;
	v21 =	vadd.f32 v21, v59;
	v62 =	vld [tilespmem:s31+$0x7C80]  }
0x1c1: {  	v2 =	vmul.f32 v61, v50;
	v22 =	vadd.f32 v22, v55;
	v55 =	vadd.f32 v58, v56  }
0x1c2: {  	v63 =	vmul.f32 v57, v44;
	v58 =	vmul.f32 v60, v41  }
0x1c3: {  	v32 =	vmin.f32 v19, v20;
	v1 =	vmin.f32 v1, v21;
	v20 =	vadd.f32 v2, v55;
	v55 =	vld [tilespmem:s31+$0x6490]  }
0x1c4: {  	v19 =	vadd.f32 v22, v49;
	v21 =	vadd.f32 v63, v58;
	v2 =	vmul.f32 v61, v45;
	v58 =	vld [tilespmem:s31+$0x6C90]  }
0x1c5: {  	v57 =	vmul.f32 v57, v42;
	v63 =	vmul.f32 v60, v38;
	v22 =	vadd.f32 v22, v62  }
0x1c6: {  	v59 =	vld [tilespmem:s31+$0x7490];
	v19 =	vmin.f32 v28, v19;
	v28 =	vadd.f32 v20, v39;
	v21 =	vadd.f32 v2, v21  }
0x1c7: {  	v20 =	vadd.f32 v20, v62;
	v2 =	vmul.f32 v61, v43;
	v18 =	vmin.f32 v18, v22  }
0x1c8: {  	v19 =	vmin.f32 v19, v28;
	v22 =	vadd.f32 v21, v40;
	v28 =	vadd.f32 v57, v63  }
0x1c9: {  	v21 =	vadd.f32 v21, v62;
	v57 =	vmul.f32 v55, v51;
	v60 =	vmul.f32 v58, v54  }
0x1ca: {  	v15 =	vmin.f32 v15, v20;
	v19 =	vmin.f32 v19, v22;
	v20 =	vadd.f32 v2, v28  }
0x1cb: {  	v0 =	vmin.f32 v0, v21;
	v22 =	vmul.f32 v59, v53;
	v21 =	vadd.f32 v60, v57  }
0x1cc: {  	v56 =	vld [tilespmem:s31+$0x7C90];
	v2 =	vmul.f32 v58, v47;
	v57 =	vmul.f32 v55, v46;
	v28 =	vadd.f32 v20, v52  }
0x1cd: {  	v61 =	vmul.f32 v58, v44;
	v20 =	vadd.f32 v20, v62;
	v21 =	vadd.f32 v22, v21  }
0x1ce: {  	v60 =	vmul.f32 v55, v41;
	v22 =	vmul.f32 v59, v50;
	v57 =	vadd.f32 v2, v57  }
0x1cf: {  	v28 =	vmin.f32 v19, v28;
	v1 =	vmin.f32 v1, v20;
	v20 =	vld [tilespmem:s31+$0x64A0];
	v19 =	vadd.f32 v21, v49  }
0x1d0: {  	v2 =	vmul.f32 v59, v45;
	v22 =	vadd.f32 v22, v57;
	v57 =	vadd.f32 v61, v60;
	v61 =	vld [tilespmem:s31+$0x6CA0]  }
0x1d1: {  	v58 =	vmul.f32 v58, v42;
	v55 =	vmul.f32 v55, v38;
	v21 =	vadd.f32 v21, v56;
	v60 =	vld [tilespmem:s31+$0x74A0]  }
0x1d2: {  	v19 =	vmin.f32 v26, v19;
	v26 =	vadd.f32 v22, v39;
	v57 =	vadd.f32 v2, v57  }
0x1d3: {  	v62 =	vmul.f32 v59, v43;
	v18 =	vmin.f32 v18, v21;
	v21 =	vadd.f32 v58, v55  }
0x1d4: {  	v22 =	vadd.f32 v22, v56;
	v19 =	vmin.f32 v19, v26;
	v26 =	vadd.f32 v57, v40  }
0x1d5: {  	v21 =	vadd.f32 v62, v21;
	v63 =	vmul.f32 v20, v51;
	v2 =	vmul.f32 v61, v54  }
0x1d6: {  	v15 =	vmin.f32 v15, v22;
	v22 =	vadd.f32 v57, v56;
	v58 =	vmul.f32 v60, v53  }
0x1d7: {  	v57 =	vld [tilespmem:s31+$0x7CA0];
	v19 =	vmin.f32 v19, v26;
	v26 =	vadd.f32 v21, v52;
	v55 =	vadd.f32 v2, v63  }
0x1d8: {  	v62 =	vmul.f32 v20, v46;
	v21 =	vadd.f32 v21, v56;
	v63 =	vmul.f32 v61, v47  }
0x1d9: {  	v0 =	vmin.f32 v0, v22;
	v26 =	vmin.f32 v19, v26;
	v19 =	vadd.f32 v58, v55  }
0x1da: {  	v22 =	vmul.f32 v60, v50;
	v1 =	vmin.f32 v1, v21;
	v21 =	vadd.f32 v63, v62;
	v55 =	vld [tilespmem:s31+$0x64B0]  }
0x1db: {  	v2 =	vmul.f32 v61, v44;
	v58 =	vmul.f32 v20, v41;
	v62 =	vld [tilespmem:s31+$0x6CB0];
	v56 =	vadd.f32 v19, v49  }
0x1dc: {  	v20 =	vmul.f32 v20, v38;
	v19 =	vadd.f32 v19, v57;
	v21 =	vadd.f32 v22, v21  }
0x1dd: {  	v22 =	vmul.f32 v60, v45;
	v58 =	vadd.f32 v2, v58;
	v2 =	vmul.f32 v61, v42;
	v61 =	vld [tilespmem:s31+$0x74B0]  }
0x1de: {  	v24 =	vmin.f32 v24, v56;
	v18 =	vmin.f32 v18, v19;
	v19 =	vadd.f32 v21, v39  }
0x1df: {  	v22 =	vadd.f32 v22, v58;
	v20 =	vadd.f32 v2, v20;
	v2 =	vmul.f32 v60, v43  }
0x1e0: {  	v21 =	vadd.f32 v21, v57;
	v60 =	vmul.f32 v55, v51;
	v63 =	vmul.f32 v62, v54  }
0x1e1: {  	v19 =	vmin.f32 v24, v19;
	v24 =	vadd.f32 v22, v40;
	v20 =	vadd.f32 v2, v20  }
0x1e2: {  	v15 =	vmin.f32 v15, v21;
	v21 =	vld [tilespmem:s31+$0x7CB0];
	v2 =	vadd.f32 v63, v60;
	v60 =	vmul.f32 v61, v53  }
0x1e3: {  	v22 =	vadd.f32 v22, v57;
	v19 =	vmin.f32 v19, v24;
	v24 =	vadd.f32 v20, v52  }
0x1e4: {  	v63 =	vmul.f32 v55, v46;
	v56 =	vadd.f32 v60, v2;
	v60 =	vmul.f32 v62, v47  }
0x1e5: {  	v0 =	vmin.f32 v0, v22;
	v24 =	vmin.f32 v19, v24;
	v19 =	vadd.f32 v20, v57  }
0x1e6: {  	v58 =	vld [tilespmem:s31+$0x64C0];
	v57 =	vmul.f32 v61, v50;
	v20 =	vadd.f32 v56, v49;
	v22 =	vadd.f32 v60, v63  }
0x1e7: {  	v59 =	vmul.f32 v55, v41;
	v56 =	vadd.f32 v56, v21;
	v60 =	vmul.f32 v62, v44;
	v63 =	vld [tilespmem:s31+$0x6CC0]  }
0x1e8: {  	v1 =	vmin.f32 v1, v19;
	v19 =	vmin.f32 v25, v20;
	v20 =	vadd.f32 v57, v22  }
0x1e9: {  	v18 =	vmin.f32 v18, v56;
	v22 =	vadd.f32 v60, v59;
	v25 =	vmul.f32 v61, v45;
	v56 =	vld [tilespmem:s31+$0x74C0]  }
0x1ea: {  	v55 =	vmul.f32 v55, v38;
	v62 =	vmul.f32 v62, v42;
	v57 =	vadd.f32 v20, v39  }
0x1eb: {  	v59 =	vmul.f32 v58, v51;
	v20 =	vadd.f32 v20, v21;
	v22 =	vadd.f32 v25, v22  }
0x1ec: {  	v55 =	vadd.f32 v62, v55;
	v25 =	vmul.f32 v61, v43;
	v2 =	vmul.f32 v63, v54  }
0x1ed: {  	v60 =	vmul.f32 v58, v46;
	v15 =	vmin.f32 v15, v20;
	v20 =	vadd.f32 v22, v40  }
0x1ee: {  	v55 =	vadd.f32 v25, v55;
	v25 =	vadd.f32 v2, v59;
	v2 =	vmul.f32 v56, v53  }
0x1ef: {  	v61 =	vmul.f32 v63, v47;
	v19 =	vmin.f32 v19, v57;
	v22 =	vadd.f32 v22, v21  }
0x1f0: {  	v59 =	vld [tilespmem:s31+$0x7CC0];
	v19 =	vmin.f32 v19, v20;
	v20 =	vadd.f32 v55, v52;
	v57 =	vadd.f32 v2, v25  }
0x1f1: {  	v0 =	vmin.f32 v0, v22;
	v22 =	vadd.f32 v61, v60;
	v2 =	vmul.f32 v56, v50  }
0x1f2: {  	v25 =	vmin.f32 v19, v20;
	v19 =	vadd.f32 v55, v21;
	v20 =	vadd.f32 v57, v49  }
0x1f3: {  	v55 =	vmul.f32 v63, v44;
	v21 =	vadd.f32 v2, v22;
	v22 =	vmul.f32 v58, v41  }
0x1f4: {  	v60 =	vld [tilespmem:s31+$0x64D0];
	v58 =	vmul.f32 v58, v38;
	v1 =	vmin.f32 v1, v19;
	v19 =	vmin.f32 v27, v20  }
0x1f5: {  	v20 =	vadd.f32 v57, v59;
	v57 =	vld [tilespmem:s31+$0x6CD0];
	v22 =	vadd.f32 v55, v22;
	v55 =	vmul.f32 v56, v45  }
0x1f6: {  	v2 =	vmul.f32 v63, v42;
	v27 =	vadd.f32 v21, v39;
	v21 =	vadd.f32 v21, v59  }
0x1f7: {  	v62 =	vld [tilespmem:s31+$0x74D0];
	v18 =	vmin.f32 v18, v20;
	v20 =	vadd.f32 v55, v22  }
0x1f8: {  	v15 =	vmin.f32 v15, v21;
	v21 =	vadd.f32 v2, v58;
	v22 =	vmul.f32 v56, v43  }
0x1f9: {  	v19 =	vmin.f32 v19, v27;
	v55 =	vmul.f32 v60, v51  }
0x1fa: {  	v58 =	vmul.f32 v60, v46;
	v21 =	vadd.f32 v22, v21;
	v56 =	vmul.f32 v57, v54  }
0x1fb: {  	v27 =	vadd.f32 v20, v40;
	v22 =	vld [tilespmem:s31+$0x7CD0];
	v20 =	vadd.f32 v20, v59;
	v2 =	vmul.f32 v57, v47  }
0x1fc: {  	v63 =	vadd.f32 v21, v52;
	v55 =	vadd.f32 v56, v55;
	v56 =	vmul.f32 v62, v53  }
0x1fd: {  	v19 =	vmin.f32 v19, v27;
	v58 =	vadd.f32 v2, v58;
	v2 =	vmul.f32 v62, v50  }
0x1fe: {  	v21 =	vadd.f32 v21, v59;
	v0 =	vmin.f32 v0, v20;
	v27 =	vadd.f32 v56, v55  }
0x1ff: {  	v59 =	vld [tilespmem:s31+$0x64E0];
	v55 =	vadd.f32 v2, v58;
	v56 =	vmul.f32 v60, v41;
	v58 =	vmul.f32 v57, v44  }
0x200: {  	v1 =	vmin.f32 v1, v21;
	v2 =	vld [tilespmem:s31+$0x6CE0];
	v20 =	vadd.f32 v27, v49;
	v61 =	vadd.f32 v27, v22  }
0x201: {  	v3 =	vadd.f32 v55, v39;
	v56 =	vadd.f32 v58, v56;
	v58 =	vmul.f32 v62, v45  }
0x202: {  	v27 =	vmin.f32 v19, v63;
	v21 =	vadd.f32 v55, v22;
	v19 =	vmin.f32 v48, v20  }
0x203: {  	v20 =	vld [tilespmem:s31+$0x74E0];
	v18 =	vmin.f32 v18, v61;
	v48 =	vmul.f32 v60, v38;
	v61 =	vmul.f32 v57, v42  }
0x204: {  	v63 =	vmul.f32 v59, v51;
	v3 =	vmin.f32 v19, v3;
	v19 =	vadd.f32 v58, v56  }
0x205: {  	v55 =	vmul.f32 v59, v46;
	v60 =	vmul.f32 v2, v54;
	v48 =	vadd.f32 v61, v48  }
0x206: {  	v61 =	vmul.f32 v62, v43;
	v56 =	vadd.f32 v19, v40;
	v19 =	vadd.f32 v19, v22  }
0x207: {  	v15 =	vmin.f32 v15, v21;
	v57 =	vmul.f32 v59, v41;
	v21 =	vadd.f32 v60, v63  }
0x208: {  	v62 =	vmul.f32 v20, v53;
	v0 =	vmin.f32 v0, v19;
	v19 =	vadd.f32 v61, v48;
	v48 =	vld [tilespmem:s31+$0x7CE0]  }
0x209: {  	v58 =	vmul.f32 v2, v44;
	v3 =	vmin.f32 v3, v56;
	v56 =	vmul.f32 v2, v47;
	v61 =	vld [tilespmem:s31+$0x64F0]  }
0x20a: {  	v63 =	vmul.f32 v20, v45;
	v2 =	vmul.f32 v2, v42;
	v21 =	vadd.f32 v62, v21  }
0x20b: {  	v22 =	vadd.f32 v19, v22;
	v55 =	vadd.f32 v56, v55;
	v56 =	vmul.f32 v20, v50  }
0x20c: {  	v20 =	vmul.f32 v20, v43;
	v19 =	vadd.f32 v19, v52;
	v60 =	vadd.f32 v21, v49  }
0x20d: {  	v1 =	vmin.f32 v1, v22;
	v22 =	vadd.f32 v58, v57;
	v58 =	vld [tilespmem:s31+$0x6CF0];
	v55 =	vadd.f32 v56, v55  }
0x20e: {  	v57 =	vld [tilespmem:s31+$0x74F0];
	v21 =	vadd.f32 v21, v48;
	v46 =	vmul.f32 v61, v46;
	v41 =	vmul.f32 v61, v41  }
0x20f: {  	v33 =	vmin.f32 v33, v60;
	v22 =	vadd.f32 v63, v22;
	v60 =	vmul.f32 v59, v38  }
0x210: {  	v63 =	vmul.f32 v61, v51;
	v18 =	vmin.f32 v18, v21;
	v21 =	vadd.f32 v55, v39  }
0x211: {  	v38 =	vmul.f32 v61, v38;
	v55 =	vadd.f32 v55, v48;
	v2 =	vadd.f32 v2, v60  }
0x212: {  	v62 =	vadd.f32 v22, v48;
	v22 =	vadd.f32 v22, v40;
	v54 =	vmul.f32 v58, v54  }
0x213: {  	v15 =	vmin.f32 v15, v55;
	v55 =	vmul.f32 v57, v53;
	v47 =	vmul.f32 v58, v47  }
0x214: {  	v44 =	vmul.f32 v58, v44;
	v42 =	vmul.f32 v58, v42;
	v2 =	vadd.f32 v20, v2  }
0x215: {  	v56 =	vld [tilespmem:s31+$0x7CF0];
	v50 =	vmul.f32 v57, v50;
	v20 =	vadd.f32 v54, v63;
	v46 =	vadd.f32 v47, v46  }
0x216: {  	v59 =	vmul.f32 v57, v45;
	v41 =	vadd.f32 v44, v41;
	v38 =	vadd.f32 v42, v38  }
0x217: {  	v61 =	vmul.f32 v57, v43;
	v48 =	vadd.f32 v2, v48;
	v2 =	vadd.f32 v2, v52  }
0x218: {  	v20 =	vadd.f32 v55, v20;
	v60 =	vadd.f32 v50, v46  }
0x219: {  	v21 =	vmin.f32 v33, v21;
	v41 =	vadd.f32 v59, v41;
	v38 =	vadd.f32 v61, v38  }
0x21a: {  	v0 =	vmin.f32 v0, v62;
	v58 =	vadd.f32 v20, v49;
	v20 =	vadd.f32 v20, v56  }
0x21b: {  	p0 =	sne.s32 s0, $0x3F00;
	v1 =	vmin.f32 v1, v48;
	v62 =	vadd.f32 v60, v56;
	v63 =	vadd.f32 v41, v56  }
.Ltmp3:
0x21c: {  	v40 =	vadd.f32 v41, v40;
	v18 =	vmin.f32 v18, v20;
	v20 =	vadd.f32 v60, v39;
	(pc) =	sbr.rel @p0 .LBB2_9-.Ltmp3, $4  }
0x21d: {  	v33 =	vadd.f32 v38, v56;
	v23 =	vmin.f32 v23, v58;
	v15 =	vmin.f32 v15, v62;
	[tilespmem:s1+$0x4400] =	vst v18  }
0x21e: {  	v0 =	vmin.f32 v0, v63;
	[tilespmem:s1+$0x4410] =	vst v15;
	v18 =	vmin.f32 v23, v20;
	v20 =	vadd.f32 v38, v52  }
0x21f: {  	v1 =	vmin.f32 v1, v33;
	v15 =	vmin.f32 v21, v22;
	[tilespmem:s1+$0x4420] =	vst v0;
	v18 =	vmin.f32 v18, v40  }
0x220: {  	s0 =	sadd.s32 $0x100, s0;
	v48 =	vmin.f32 v3, v19;
	[tilespmem:s1+$0x4430] =	vst v1;
	v33 =	vmin.f32 v15, v2;
	v23 =	vmin.f32 v18, v20  }
0x221: {  	v38 =	vld [tilespmem:$0x1FFB0];
	_ =	sdelay $0x4  }
0x222: {  	v0 =	vperm.xlane v35, v38;
	v1 =	vperm.xlane v36, v38  }
0x223: {  	v2 =	vperm.xlane v37, v38;
	v3 =	vperm.xlane v34, v38  }
0x224: {  	v15 =	vperm.xlane v30, v38;
	v18 =	vperm.xlane v29, v38  }
0x225: {  	v19 =	vperm.xlane v31, v38;
	v20 =	vperm.xlane v32, v38  }
0x226: {  	v21 =	vperm.xlane v28, v38;
	v22 =	vperm.xlane v26, v38  }
0x227: {  	v39 =	vperm.xlane v24, v38;
	v40 =	vperm.xlane v25, v38  }
0x228: {  	v41 =	vperm.xlane v27, v38;
	v42 =	vperm.xlane v48, v38  }
0x229: {  	v43 =	vperm.xlane v33, v38;
	v44 =	vperm.xlane v23, v38  }
0x22a: {  	v0 =	vmin.f32 v35, v0;
	v1 =	vmin.f32 v36, v1;
	v2 =	vmin.f32 v37, v2  }
0x22b: {  	v3 =	vmin.f32 v34, v3;
	v15 =	vmin.f32 v30, v15;
	v18 =	vmin.f32 v29, v18  }
0x22c: {  	v19 =	vmin.f32 v31, v19;
	v20 =	vmin.f32 v32, v20;
	v45 =	vmin.f32 v48, v42;
	v48 =	vld [tilespmem:$0x1FFC0]  }
0x22d: {  	v21 =	vmin.f32 v28, v21;
	v22 =	vmin.f32 v26, v22;
	v24 =	vmin.f32 v24, v39  }
0x22e: {  	v25 =	vmin.f32 v25, v40;
	v26 =	vmin.f32 v27, v41;
	v28 =	vmin.f32 v33, v43  }
0x22f: {  	v23 =	vmin.f32 v23, v44;
	v0 =	vsel vm3, v0, v1;
	v46 =	vsel vm3, v2, v3  }
0x230: {  	v47 =	vsel vm3, v15, v18;
	v3 =	vsel vm3, v19, v20;
	v15 =	vsel vm3, v21, v22  }
0x231: {  	v18 =	vsel vm3, v24, v25;
	v49 =	vperm.xlane v0, v48;
	v50 =	vperm.xlane v46, v48  }
0x232: {  	v19 =	vsel vm3, v26, v45;
	v52 =	vperm.xlane v47, v48;
	v53 =	vperm.xlane v3, v48  }
0x233: {  	v59 =	vld [tilespmem:$0x1FFD0];
	v51 =	vsel vm3, v28, v23;
	v54 =	vperm.xlane v15, v48;
	v25 =	vperm.xlane v18, v48  }
0x234: {  	v55 =	vperm.xlane v19, v48;
	v26 =	vperm.xlane v51, v48  }
0x235: {  	v2 =	vmin.f32 v47, v52;
	v3 =	vmin.f32 v3, v53;
	v15 =	vmin.f32 v15, v54  }
0x236: {  	v18 =	vmin.f32 v18, v25;
	v19 =	vmin.f32 v19, v55;
	v56 =	vmin.f32 v51, v26  }
0x237: {  	v57 =	vsel vm0, v2, v3;
	v58 =	vsel vm0, v15, v18;
	v3 =	vsel vm0, v19, v56  }
0x238: {  	v19 =	vperm.xlane v58, v59;
	v20 =	vperm.xlane v3, v59  }
0x239: {  	v0 =	vmin.f32 v0, v49  }
0x23a: {  	v1 =	vmin.f32 v46, v50;
	v2 =	vmin.f32 v58, v19;
	v3 =	vmin.f32 v3, v20  }
0x23b: {  	v0 =	vsel vm0, v0, v1;
	v60 =	vsel vm1, v2, v3;
	v3 =	vld [tilespmem:$0x1FFE0]  }
0x23c: {  	v15 =	vperm.xlane v0, v59;
	v18 =	vperm.xlane v57, v59;
	_ =	sdelay $0x1  }
0x23d: {  	v0 =	vmin.f32 v0, v15;
	v1 =	vmin.f32 v57, v18  }
0x23e: {  	v62 =	vld [tilespmem:$0x1FFF0];
	v0 =	vsel vm1, v0, v1  }
0x23f: {  	v61 =	vperm.xlane v0, v3;
	v3 =	vperm.xlane v60, v3  }
0x240: {  	v63 =	vld [tilespmem:$0x1FFA0]  }
0x241: {  	s29 =	sadd.s32 $0x1, s29;
	v0 =	vmin.f32 v0, v61;
	v1 =	vmin.f32 v60, v3  }
0x242: {  	p0 =	sne.s32 s29, $0x8;
	v0 =	vsel vm2, v0, v1  }
.Ltmp4:
0x243: {  	v0 =	vperm.xlane v0, v62;
	(pc) =	sbr.rel @p0 .LBB2_8-.Ltmp4, $3  }
0x244: {  	_ = 	snop  }
0x245: {  	v0 =	vadd.f32 v0, v63;
	_ =	sdelay $0x1  }
0x246: {  	[tilespmem:s30+$0x4200] =	vst v0  }
0x247: {  	s23 =	simm.s32 $0x0;
	s0 =	simm.s32 $0x4200  }
0x248: {  	[hbm4b:s10+s23] =	stream.linear.scatter [tilespmem:s0], [sflag:$0x1], $0x80, $0x38;
	[tilespmem:$0x9400] =	vst v63  }
0x249: {  	_ =	swait.ge [sflag:s22], $0x80  }
0x24a: {  	[sflag:s22] =	ssyncset.done $0x0  }
0x24b: {  	s1 =	simm.s32 $0x4400;
	[sflag:s22] =	ssyncadd.s32 $0xFFFFFF80  }
0x24c: {  	[spmem:s13] =	stream.linear.scatter [tilespmem:s1], [sflag:$0x1], $0x1000, $0x38;
	[tilespmem:$0x9400] =	vst v63  }
0x24d: {  	_ =	swait.ge [sflag:s22], $0x1000  }
0x24e: {  	[sflag:s22] =	ssyncset.done $0x0  }
0x24f: {  	[sflag:s22] =	ssyncadd.s32 $0xFFFFF000  }
0x250: {  	s1 =	simm.s32 $0x5400;
	[bflag:$0x0] =	sbarrier.arrive $0xFFFF  }
0x251: {  	[tilespmem:s1], [sflag:$0x1] =	stream.linear.gather [spmem:s9], $0x200, $0x38;
	[tilespmem:$0x9400] =	vst v63  }
0x252: {  	_ =	swait.ge [sflag:s22], $0x200  }
0x253: {  	[sflag:s22] =	ssyncset.done $0x0  }
0x254: {  	s24 =	simm.s32 $0x5600;
	[sflag:s22] =	ssyncadd.s32 $0xFFFFFE00  }
0x255: {  	[tilespmem:s24], [sflag:$0x1] =	stream.linear.gather [spmem:s11], $0x200, $0x38;
	[tilespmem:$0x9400] =	vst v63  }
0x256: {  	_ =	swait.ge [sflag:s22], $0x200  }
0x257: {  	[sflag:s22] =	ssyncset.done $0x0  }
0x258: {  	s31 =	simm.s32 $0x5800;
	[sflag:s22] =	ssyncadd.s32 $0xFFFFFE00  }
0x259: {  	[tilespmem:s31], [sflag:$0x1] =	stream.linear.gather [spmem:s12], $0x200, $0x38;
	[tilespmem:$0x9400] =	vst v63  }
0x25a: {  	_ =	swait.ge [sflag:s22], $0x200  }
0x25b: {  	[sflag:s22] =	ssyncset.done $0x0  }
0x25c: {  	s31 =	simm.s32 $0x5A00;
	[sflag:s22] =	ssyncadd.s32 $0xFFFFFE00  }
0x25d: {  	[tilespmem:s31], [sflag:$0x1] =	stream.linear.gather [spmem:s14], $0x200, $0x38;
	[tilespmem:$0x9400] =	vst v63  }
0x25e: {  	_ =	swait.ge [sflag:s22], $0x200  }
0x25f: {  	[sflag:s22] =	ssyncset.done $0x0  }
0x260: {  	s31 =	simm.s32 $0x5C00;
	[sflag:s22] =	ssyncadd.s32 $0xFFFFFE00  }
0x261: {  	[tilespmem:s31], [sflag:$0x1] =	stream.linear.gather [spmem:s15], $0x200, $0x38;
	[tilespmem:$0x9400] =	vst v63  }
0x262: {  	_ =	swait.ge [sflag:s22], $0x200  }
0x263: {  	[sflag:s22] =	ssyncset.done $0x0  }
0x264: {  	s31 =	simm.s32 $0x5E00;
	[sflag:s22] =	ssyncadd.s32 $0xFFFFFE00  }
0x265: {  	[tilespmem:s31], [sflag:$0x1] =	stream.linear.gather [spmem:s16], $0x200, $0x38;
	[tilespmem:$0x9400] =	vst v63  }
0x266: {  	_ =	swait.ge [sflag:s22], $0x200  }
0x267: {  	[sflag:s22] =	ssyncset.done $0x0  }
0x268: {  	s31 =	simm.s32 $0x6000;
	[sflag:s22] =	ssyncadd.s32 $0xFFFFFE00  }
0x269: {  	[tilespmem:s31], [sflag:$0x1] =	stream.linear.gather [spmem:s17], $0x200, $0x38;
	[tilespmem:$0x9400] =	vst v63  }
0x26a: {  	_ =	swait.ge [sflag:s22], $0x200  }
0x26b: {  	[sflag:s22] =	ssyncset.done $0x0  }
0x26c: {  	[sflag:s22] =	ssyncadd.s32 $0xFFFFFE00  }
0x26d: {  	[tilespmem:s25], [sflag:$0x1] =	stream.linear.gather [spmem:s18], $0x200, $0x38;
	[tilespmem:$0x9400] =	vst v63  }
0x26e: {  	_ =	swait.ge [sflag:s22], $0x200  }
0x26f: {  	s31 =	sand.u32 $0x180, s23;
	s23 =	sand.u32 $0x70, s23;
	[sflag:s22] =	ssyncset.done $0x0  }
0x270: {  	s29 =	sor.u32 s23, s31;
	[sflag:s22] =	ssyncadd.s32 $0xFFFFFE00  }
0x271: {  	v0 =	vld [tilespmem:s29+$0x5600]  }
0x272: {  	v1 =	vld [tilespmem:s1+$0x0]  }
0x273: {  	v2 =	vld [tilespmem:s29+$0x5800]  }
0x274: {  	v3 =	vld [tilespmem:s29+$0x5A00]  }
0x275: {  	v15 =	vld [tilespmem:s29+$0x5C00]  }
0x276: {  	v18 =	vld [tilespmem:s29+$0x5E00]  }
0x277: {  	s24 =	sadd.s32 s31, s19;
	v62 =	vld [tilespmem:s29+$0x6000];
	v0 =	vmin.f32 v1, v0  }
0x278: {  	s23 =	sadd.s32 s23, s24;
	v63 =	vld [tilespmem:s29+$0x6200];
	v0 =	vmin.f32 v0, v2  }
0x279: {  	v0 =	vmin.f32 v0, v3;
	v3 =	vld [tilespmem:s23+$0x0]  }
0x27a: {  	v0 =	vmin.f32 v0, v15  }
0x27b: {  	v0 =	vmin.f32 v0, v18  }
0x27c: {  	v0 =	vmin.f32 v0, v62  }
0x27d: {  	v0 =	vmin.f32 v0, v63  }
0x27e: {  	s31 =	simm.s32 $0x10;
	v0 =	vadd.f32 v3, v0  }
0x27f: {  	s24 =	sand.u32 $0x70, s31;
	s29 =	sand.u32 $0x180, s31  }
0x280: {  	s30 =	sor.u32 s24, s29;
	s23 =	simm.s32 $0x20;
	[tilespmem:s0+$0x0] =	vst v0  }
.LBB2_12:
0x281: {  	p0 =	sne.s32 s23, $0x1F0;
	v0 =	vld [tilespmem:s30+$0x5600];
	s1 =	sadd.s32 $0x10, s1  }
0x282: {  	v1 =	vld [tilespmem:s1+$0x0]  }
0x283: {  	v2 =	vld [tilespmem:s30+$0x5800]  }
0x284: {  	v3 =	vld [tilespmem:s30+$0x5A00]  }
0x285: {  	v15 =	vld [tilespmem:s30+$0x5C00]  }
0x286: {  	v18 =	vld [tilespmem:s30+$0x5E00]  }
0x287: {  	s29 =	sadd.s32 s29, s19;
	v0 =	vmin.f32 v1, v0;
	v1 =	vld [tilespmem:s30+$0x6000]  }
0x288: {  	s24 =	sadd.s32 s24, s29;
	v0 =	vmin.f32 v0, v2;
	v2 =	vld [tilespmem:s30+$0x6200]  }
0x289: {  	v0 =	vmin.f32 v0, v3;
	v3 =	vld [tilespmem:s24+$0x0]  }
0x28a: {  	v0 =	vmin.f32 v0, v15  }
0x28b: {  	v0 =	vmin.f32 v0, v18  }
.Ltmp5:
0x28c: {  	v0 =	vmin.f32 v0, v1;
	(pc) =	sbr.rel @p0 .LBB2_12-.Ltmp5, $4  }
0x28d: {  	v0 =	vmin.f32 v0, v2  }
0x28e: {  	v0 =	vadd.f32 v3, v0  }
0x28f: {  	s0 =	sadd.s32 $0x10, s0;
	s29 =	sand.u32 $0x180, s23;
	s24 =	sand.u32 $0x70, s23  }
0x290: {  	s23 =	sadd.s32 $0x10, s23;
	s30 =	sor.u32 s24, s29;
	[tilespmem:s0+$0x0] =	vst v0  }
0x291: {  	v0 =	vld [tilespmem:s30+$0x5600];
	s1 =	sadd.s32 $0x10, s1  }
0x292: {  	v1 =	vld [tilespmem:s1+$0x0]  }
0x293: {  	v2 =	vld [tilespmem:s30+$0x5800]  }
0x294: {  	v3 =	vld [tilespmem:s30+$0x5A00]  }
0x295: {  	v15 =	vld [tilespmem:s30+$0x5C00]  }
0x296: {  	v18 =	vld [tilespmem:s30+$0x5E00]  }
0x297: {  	s31 =	sadd.s32 s29, s19;
	v0 =	vmin.f32 v1, v0;
	v1 =	vld [tilespmem:s30+$0x6000]  }
0x298: {  	s1 =	sadd.s32 s24, s31;
	v0 =	vmin.f32 v0, v2;
	v2 =	vld [tilespmem:s30+$0x6200]  }
0x299: {  	v0 =	vmin.f32 v0, v3;
	v3 =	vld [tilespmem:s1+$0x0]  }
0x29a: {  	v0 =	vmin.f32 v0, v15  }
0x29b: {  	v0 =	vmin.f32 v0, v18  }
0x29c: {  	v0 =	vmin.f32 v0, v1  }
0x29d: {  	v0 =	vmin.f32 v0, v2  }
0x29e: {  	s28 =	sadd.s32 $0x1, s28;
	v0 =	vadd.f32 v3, v0  }
0x29f: {  	s0 =	sadd.s32 $0x10, s0;
	p0 =	sne.s32 s28, s21  }
.Ltmp6:
0x2a0: {  	[tilespmem:s0+$0x0] =	vst v0;
	(pc) =	sbr.rel @p0 .LBB2_1-.Ltmp6, $4  }
0x2a1: {  	[hbm4b:s20+s2] =	stream.linear.scatter [tilespmem:s26], [sflag:$0x1], $0x200, $0x38;
	[tilespmem:$0x9400] =	vst v63  }
0x2a2: {  	_ =	swait.ge [sflag:s22], $0x200  }
0x2a3: {  	v1 =	vimm.s32 $0x0;
	[sflag:s22] =	ssyncset.done $0x0  }
0x2a4: {  	v2 =	vimm.s32 $0x1;
	v3 =	vimm.s32 $0x2;
	v0 =	vimm.f32 $+Inf;
	[sflag:s22] =	ssyncadd.s32 $0xFFFFFE00  }
0x2a5: {  	_ =	sfence.sel $0x180000  }
0x2a6: {  	[bflag:$0x0] =	sbarrier.arrive $0xFFFF  }
0x2a7: {  	_ =	strace $0x90000047  }
0x2a8: {  	s0 =	stileid.u32;
	[bflag:$0x2] =	sbarrier.arrive $0xFFFF  }
0x2a9: {  	p0 =	sne.s32 s0, $0x0;
	s0 =	rddreg [dreg:$0x4]  }
0x2aa: {  	s0 =	sadd.s32 @!p0 $0x100000, s0  }
0x2ab: {  	[sflag:s0] =	ssyncadd.tile.s32 @!p0 $0x1;
	_ =	shalt  }
.Lfunc_end2:
_tile_overlayer_lowered:
.L_overlay_start_2:
0x2ac: {  	(tag) =	ssettag $0x2  }
0x2ad: {  	s0 =	rddreg [dreg:$0x0];
	s2 =	stileid.u32  }
0x2ae: {  	s1 =	rddreg [dreg:$0x1];
	p0 =	sne.s32 s2, $0x0  }
0x2af: {  	s3 =	rddreg [dreg:$0x2];
	[bflag:$0x3] =	sbarrier.arrive $0xFFFF;
	s2 =	simm.s32 @!p0 $0x1C01  }
0x2b0: {  	[timem:s3], [sflag:s2] =	dma.local @!p0 [hbm:s0], s1  }
0x2b1: {  	s0 =	simm.s32 @!p0 $0x1  }
0x2b2: {  	_ =	swait.ge @!p0 [sflag:s0], s1  }
0x2b3: {  	s1 =	ssub.s32 @!p0 $0x0, s1;
	[sflag:s0] =	ssyncset.done @!p0 $0x0  }
0x2b4: {  	[sflag:s0] =	ssyncadd.s32 @!p0 s1  }
0x2b5: {  	[bflag:$0x3] =	sbarrier.arrive $0xFFFF  }
0x2b6: {  	_ =	shalt  }

</sc_bundles>
